<compile_context>
chip_gen: v7x
topology: tpu7x:2x2x1
jax: 0.10.2.dev20260603
libtpu: 0.0.44.dev20260713+nightly
codegen_flags: <defaults>
</compile_context>

<pallas_src>
import functools

import jax
import jax.numpy as jnp
from jax import lax
from jax.experimental import pallas as pl
from jax.experimental.pallas import tpu as pltpu
from jax.experimental.pallas import tpu_sc as plsc

_HI = jax.lax.Precision.HIGHEST

_NC = 2
_NS = 16
_NW = _NC * _NS


def _knn_kernel(xyzf_ref, xyzct_ref, idx_ref, w_ref):
    b = pl.program_id(0)

    x = xyzf_ref[0]
    ct = xyzct_ref[0]
    d = -2.0 * jax.lax.dot_general(x, ct, (((1,), (0,)), ((), ())))
    d = d + jnp.sum(x * x, axis=1, keepdims=True)
    d = d + jnp.sum(ct * ct, axis=0, keepdims=True)

    m = d.shape[1]
    coli = jax.lax.broadcasted_iota(jnp.int32, d.shape, 1)
    key = jax.lax.bitcast_convert_type(d, jnp.int32) + jnp.int32(1024)
    kw = jax.lax.bitcast_convert_type(
        jnp.bitwise_or(jnp.bitwise_and(key, jnp.int32(-2048)), coli),
        jnp.float32)

    mk1 = jnp.min(kw, axis=1, keepdims=True)
    mk2 = jnp.min(jnp.where(kw == mk1, jnp.float32(jnp.inf), kw),
                  axis=1, keepdims=True)
    mk3 = jnp.min(jnp.where((kw == mk1) | (kw == mk2),
                            jnp.float32(jnp.inf), kw),
                  axis=1, keepdims=True)

    k3 = jax.lax.bitcast_convert_type(
        jnp.concatenate([mk1, mk2, mk3], axis=1), jnp.int32)
    ig = jnp.bitwise_and(k3, jnp.int32(2047)) + b * m
    d3 = jax.lax.bitcast_convert_type(
        jnp.bitwise_and(k3, jnp.int32(-2048)), jnp.float32)
    d3 = jnp.maximum(d3, jnp.float32(1e-10))
    w = 1.0 / d3
    w = w / jnp.sum(w, axis=1, keepdims=True)

    idx_ref[...] = jnp.transpose(ig, (1, 0)).reshape(3, 1, -1)
    w_ref[...] = jnp.transpose(w, (1, 0)).reshape(3, 1, -1)


def _sc_gather_body(idx_hbm, w_hbm, fc_hbm, out_hbm,
                    i0, i1, i2, w0v, w1v, w2v, r0, r1, r2, sem):
    p_per_w = idx_hbm.shape[2] // _NW
    chunk = i0.shape[0]
    wid = lax.axis_index("s") * _NC + lax.axis_index("c")
    base = wid * p_per_w

    def chunk_body(ci, carry):
        cbase = base + ci * chunk
        pltpu.sync_copy(idx_hbm.at[0, 0, pl.ds(cbase, chunk)], i0)
        pltpu.sync_copy(idx_hbm.at[1, 0, pl.ds(cbase, chunk)], i1)
        pltpu.sync_copy(idx_hbm.at[2, 0, pl.ds(cbase, chunk)], i2)
        pltpu.sync_copy(w_hbm.at[0, 0, pl.ds(cbase, chunk)], w0v)
        pltpu.sync_copy(w_hbm.at[1, 0, pl.ds(cbase, chunk)], w1v)
        pltpu.sync_copy(w_hbm.at[2, 0, pl.ds(cbase, chunk)], w2v)
        c0 = pltpu.async_copy(fc_hbm.at[i0], r0, sem)
        c1 = pltpu.async_copy(fc_hbm.at[i1], r1, sem)
        c2 = pltpu.async_copy(fc_hbm.at[i2], r2, sem)
        c0.wait()
        c1.wait()
        c2.wait()

        def g_body(g, carry2):
            gb = g * 16
            wr0 = w0v[pl.ds(gb, 16)]
            wr1 = w1v[pl.ds(gb, 16)]
            wr2 = w2v[pl.ds(gb, 16)]
            for j in range(16):
                jv = jnp.full((16,), j, jnp.int32)
                w0 = jnp.take(wr0, jv)
                w1 = jnp.take(wr1, jv)
                w2 = jnp.take(wr2, jv)
                pp = gb + j
                for c in range(4):
                    s = pl.ds(c * 16, 16)
                    r0[pp, s] = (w0 * r0[pp, s] + w1 * r1[pp, s]
                                 + w2 * r2[pp, s])
            return carry2

        lax.fori_loop(0, chunk // 16, g_body, 0)
        pltpu.sync_copy(r0, out_hbm.at[pl.ds(cbase, chunk)])
        return carry

    lax.fori_loop(0, p_per_w // chunk, chunk_body, 0)


def _mlp1_kernel(it_ref, ff_ref, w1_ref, b1_ref, y1_ref, s_ref, ss_ref):
    i = pl.program_id(0)
    ff = ff_ref[...]
    w1 = w1_ref[...]
    c2 = w1.shape[1] - ff.shape[1]
    it = it_ref[:, :c2]
    y = jax.lax.dot_general(it, w1[:, :c2], (((1,), (1,)), ((), ())),
                            precision=_HI)
    y = y + jax.lax.dot_general(ff, w1[:, c2:], (((1,), (1,)), ((), ())),
                                precision=_HI)
    y = y + b1_ref[...]
    y1_ref[...] = y

    @pl.when(i == 0)
    def _init():
        s_ref[...] = jnp.zeros_like(s_ref)
        ss_ref[...] = jnp.zeros_like(ss_ref)

    s_ref[...] += jnp.sum(y, axis=0, keepdims=True)
    ss_ref[...] += jnp.sum(y * y, axis=0, keepdims=True)


def _mlp2_kernel(y_ref, sc_ref, sh_ref, w2_ref, b2_ref,
                 o_ref, s_ref, ss_ref):
    i = pl.program_id(0)
    z = jnp.maximum(y_ref[...] * sc_ref[...] + sh_ref[...], 0.0)
    y = jax.lax.dot_general(z, w2_ref[...], (((1,), (1,)), ((), ())),
                            precision=_HI) + b2_ref[...]
    o_ref[...] = y

    @pl.when(i == 0)
    def _init():
        s_ref[...] = jnp.zeros_like(s_ref)
        ss_ref[...] = jnp.zeros_like(ss_ref)

    s_ref[...] += jnp.sum(y, axis=0, keepdims=True)
    ss_ref[...] += jnp.sum(y * y, axis=0, keepdims=True)


def _bn_out_kernel(y_ref, sc_ref, sh_ref, o_ref):
    o_ref[...] = jnp.maximum(y_ref[...] * sc_ref[...] + sh_ref[...], 0.0)


def kernel(xyz_fine, xyz_coarse, feats_fine, feats_coarse,
           W1, b1, g1, be1, W2, b2, g2, be2):
    B, N, _ = xyz_fine.shape
    M = xyz_coarse.shape[1]
    C1 = feats_fine.shape[2]
    C2 = feats_coarse.shape[2]
    H = W1.shape[0]
    P = B * N
    eps = jnp.float32(1e-5)
    cnt = jnp.float32(P)

    blk = 512
    nb = N // blk
    xyz_coarse_t = jnp.transpose(xyz_coarse, (0, 2, 1))

    idx_t, w_t = pl.pallas_call(
        _knn_kernel,
        grid=(B, nb),
        in_specs=[
            pl.BlockSpec((1, blk, 3), lambda b, n: (b, n, 0)),
            pl.BlockSpec((1, 3, M), lambda b, n: (b, 0, 0)),
        ],
        out_specs=[
            pl.BlockSpec((3, 1, blk), lambda b, n: (0, 0, b * (N // 512) + n)),
            pl.BlockSpec((3, 1, blk), lambda b, n: (0, 0, b * (N // 512) + n)),
        ],
        out_shape=[
            jax.ShapeDtypeStruct((3, 1, P), jnp.int32),
            jax.ShapeDtypeStruct((3, 1, P), jnp.float32),
        ],
    )(xyz_fine, xyz_coarse_t)

    fc_flat = feats_coarse.reshape(B * M, C2)
    chunk = 256
    sc_gather = functools.partial(
        pl.kernel,
        mesh=plsc.VectorSubcoreMesh(core_axis_name="c", subcore_axis_name="s"),
        compiler_params=pltpu.CompilerParams(use_tc_tiling_on_sc=False),
        out_type=jax.ShapeDtypeStruct((P, C2), jnp.float32),
        scratch_types=[
            pltpu.VMEM((chunk,), jnp.int32),
            pltpu.VMEM((chunk,), jnp.int32),
            pltpu.VMEM((chunk,), jnp.int32),
            pltpu.VMEM((chunk,), jnp.float32),
            pltpu.VMEM((chunk,), jnp.float32),
            pltpu.VMEM((chunk,), jnp.float32),
            pltpu.VMEM((chunk, C2), jnp.float32),
            pltpu.VMEM((chunk, C2), jnp.float32),
            pltpu.VMEM((chunk, C2), jnp.float32),
            pltpu.SemaphoreType.DMA,
        ],
    )(_sc_gather_body)
    interp = sc_gather(idx_t, w_t, fc_flat)

    ff_flat = feats_fine.reshape(P, C1)
    blk2 = 2048
    y1, s1, ss1 = pl.pallas_call(
        _mlp1_kernel,
        grid=(P // blk2,),
        in_specs=[
            pl.BlockSpec((blk2, C2), lambda i: (i, 0)),
            pl.BlockSpec((blk2, C1), lambda i: (i, 0)),
            pl.BlockSpec((H, C1 + C2), lambda i: (0, 0)),
            pl.BlockSpec((1, H), lambda i: (0, 0)),
        ],
        out_specs=[
            pl.BlockSpec((blk2, H), lambda i: (i, 0)),
            pl.BlockSpec((1, H), lambda i: (0, 0)),
            pl.BlockSpec((1, H), lambda i: (0, 0)),
        ],
        out_shape=[
            jax.ShapeDtypeStruct((P, H), jnp.float32),
            jax.ShapeDtypeStruct((1, H), jnp.float32),
            jax.ShapeDtypeStruct((1, H), jnp.float32),
        ],
    )(interp, ff_flat, W1, b1.reshape(1, H))

    mean1 = s1 / cnt
    var1 = ss1 / cnt - mean1 * mean1
    sc1 = g1.reshape(1, H) / jnp.sqrt(var1 + eps)
    sh1 = be1.reshape(1, H) - mean1 * sc1

    y2, s2, ss2 = pl.pallas_call(
        _mlp2_kernel,
        grid=(P // blk2,),
        in_specs=[
            pl.BlockSpec((blk2, H), lambda i: (i, 0)),
            pl.BlockSpec((1, H), lambda i: (0, 0)),
            pl.BlockSpec((1, H), lambda i: (0, 0)),
            pl.BlockSpec((H, H), lambda i: (0, 0)),
            pl.BlockSpec((1, H), lambda i: (0, 0)),
        ],
        out_specs=[
            pl.BlockSpec((blk2, H), lambda i: (i, 0)),
            pl.BlockSpec((1, H), lambda i: (0, 0)),
            pl.BlockSpec((1, H), lambda i: (0, 0)),
        ],
        out_shape=[
            jax.ShapeDtypeStruct((P, H), jnp.float32),
            jax.ShapeDtypeStruct((1, H), jnp.float32),
            jax.ShapeDtypeStruct((1, H), jnp.float32),
        ],
    )(y1, sc1, sh1, W2, b2.reshape(1, H))

    mean2 = s2 / cnt
    var2 = ss2 / cnt - mean2 * mean2
    sc2 = g2.reshape(1, H) / jnp.sqrt(var2 + eps)
    sh2 = be2.reshape(1, H) - mean2 * sc2

    out = pl.pallas_call(
        _bn_out_kernel,
        grid=(P // blk2,),
        in_specs=[
            pl.BlockSpec((blk2, H), lambda i: (i, 0)),
            pl.BlockSpec((1, H), lambda i: (0, 0)),
            pl.BlockSpec((1, H), lambda i: (0, 0)),
        ],
        out_specs=pl.BlockSpec((blk2, H), lambda i: (i, 0)),
        out_shape=jax.ShapeDtypeStruct((P, H), jnp.float32),
    )(y2, sc2, sh2)

    return out.reshape(B, N, H)

# --- scband reference (transcript-rebuilt; emitter-appended) ---
"""Pipeline reference for scband-feature-propagation-block-33079838113813 (READ-ONLY COPY).

The authoritative reference and input builder live on the scoring server;
editing this copy changes nothing except your own understanding.
"""

import jax, jax.numpy as jnp
import numpy as np


def _square_distance(src, dst):
    # src [B,N,3], dst [B,M,3] -> [B,N,M]
    d = -2.0 * jnp.einsum('bnc,bmc->bnm', src, dst)
    d = d + jnp.sum(src ** 2, axis=-1)[:, :, None]
    d = d + jnp.sum(dst ** 2, axis=-1)[:, None, :]
    return d


def _bn_relu(x, gamma, beta):
    # x: [B, C, N]; BatchNorm1d in training mode (batch statistics), then ReLU
    mean = jnp.mean(x, axis=(0, 2), keepdims=True)
    var = jnp.var(x, axis=(0, 2), keepdims=True)
    xh = (x - mean) / jnp.sqrt(var + 1e-5)
    return jax.nn.relu(xh * gamma[None, :, None] + beta[None, :, None])


def setup_inputs(seed: int = 0) -> dict:
    key = jax.random.key(seed)
    ks = jax.random.split(key, 8)
    B, N, M, C1, C2 = 4, 8192, 2048, 64, 64
    Cin = C1 + C2
    H = 128
    return {
        'xyz_fine': jax.random.normal(ks[0], (B, N, 3), jnp.float32),
        'xyz_coarse': jax.random.normal(ks[1], (B, M, 3), jnp.float32),
        'feats_fine': jax.random.normal(ks[2], (B, N, C1), jnp.float32),
        'feats_coarse': jax.random.normal(ks[3], (B, M, C2), jnp.float32),
        'W1': jax.random.normal(ks[4], (H, Cin), jnp.float32) * (1.0 / np.sqrt(Cin)),
        'b1': jnp.zeros((H,), jnp.float32),
        'g1': jnp.ones((H,), jnp.float32),
        'be1': jnp.zeros((H,), jnp.float32),
        'W2': jax.random.normal(ks[5], (H, H), jnp.float32) * (1.0 / np.sqrt(H)),
        'b2': jnp.zeros((H,), jnp.float32),
        'g2': jnp.ones((H,), jnp.float32),
        'be2': jnp.zeros((H,), jnp.float32),
    }


def reference(xyz_fine, xyz_coarse, feats_fine, feats_coarse, W1, b1, g1, be1, W2, b2, g2, be2):
    # 3-NN inverse-distance weighted interpolation
    dists = _square_distance(xyz_fine, xyz_coarse)  # [B,N,M]
    neg_vals, idx = jax.lax.top_k(-dists, 3)        # smallest 3 distances
    d3 = jnp.clip(-neg_vals, 1e-10, None)           # [B,N,3]
    w = 1.0 / d3
    w = w / jnp.sum(w, axis=-1, keepdims=True)
    gathered = jax.vmap(lambda f, i: f[i])(feats_coarse, idx)  # [B,N,3,C2]
    interp = jnp.sum(w[..., None] * gathered, axis=2)          # [B,N,C2]
    cat = jnp.concatenate([interp, feats_fine], axis=-1)       # [B,N,C1+C2]
    x = jnp.transpose(cat, (0, 2, 1))                          # [B,Cin,N]
    x = _bn_relu(jnp.einsum('oc,bcn->bon', W1, x) + b1[None, :, None], g1, be1)
    x = _bn_relu(jnp.einsum('oc,bcn->bon', W2, x) + b2[None, :, None], g2, be2)
    return jnp.transpose(x, (0, 2, 1))                         # [B,N,128]

if __name__ == "__main__":
    import jax
    _d = setup_inputs()
    print(jax.jit(kernel)(*tuple(_d.values())))

</pallas_src>

<mosaic_0001>
#map = affine_map<(d0, d1) -> (0, 0, 0)>
#map1 = affine_map<(d0, d1) -> (0, 0)>
module attributes {stable_mosaic.version = 14 : i64} {
  func.func @_sc_gather_body(%arg0: i32, %arg1: i32, %arg2: memref<3x1x32768xi32, #tpu.memory_space<hbm>>, %arg3: memref<3x1x32768xf32, #tpu.memory_space<hbm>>, %arg4: memref<8192x64xf32, #tpu.memory_space<hbm>>, %arg5: memref<32768x64xf32, #tpu.memory_space<hbm>>, %arg6: memref<256xi32, #tpu.memory_space<vmem>>, %arg7: memref<256xi32, #tpu.memory_space<vmem>>, %arg8: memref<256xi32, #tpu.memory_space<vmem>>, %arg9: memref<256xf32, #tpu.memory_space<vmem>>, %arg10: memref<256xf32, #tpu.memory_space<vmem>>, %arg11: memref<256xf32, #tpu.memory_space<vmem>>, %arg12: memref<256x64xf32, #tpu.memory_space<vmem>>, %arg13: memref<256x64xf32, #tpu.memory_space<vmem>>, %arg14: memref<256x64xf32, #tpu.memory_space<vmem>>, %arg15: memref<!tpu.dma_semaphore, #tpu.memory_space<semaphore_mem>>) attributes {dimension_semantics = [#tpu.dimension_semantics<core_parallel>, #tpu.dimension_semantics<subcore_parallel>], iteration_bounds = array<i64: 2, 16>, scalar_prefetch = 0 : i64, scratch_operands = 10 : i64, tpu.core_type = #tpu.core_type<sc_vector_subcore>, window_params = [{transform_indices = #map}, {transform_indices = #map}, {transform_indices = #map1}, {transform_indices = #map1}]} {
    %mul3A = arith.constant 2 : i32
    %mul3A_0 = arith.muli %arg1, %mul3A : i32
    %add3A = arith.addi %mul3A_0, %arg0 : i32
    %mul3A_1 = arith.constant 1024 : i32
    %mul3A_2 = arith.muli %add3A, %mul3A_1 : i32
    %scan3A = arith.constant 0 : i32
    %scan3A_3 = arith.constant 0 : i32
    %scan3A_4 = arith.constant 4 : i32
    %scan3A_5 = arith.addi %scan3A_3, %scan3A_4 : i32
    %scan3A_6 = arith.constant 1 : i32
    scf.for %scan3A_8 = %scan3A_3 to %scan3A_5 step %scan3A_6  : i32 {
      %mul3A_9 = arith.constant 256 : i32
      %mul3A_10 = arith.muli %scan3A_8, %mul3A_9 : i32
      %add3A_11 = arith.addi %mul3A_2, %mul3A_10 : i32
      %run_scoped3A = arith.constant 0 : i32
      %run_scoped3A_12 = arith.constant 0 : i32
      "tpu.region"() ({
        %run_scoped3A_45 = tpu.sem_alloc : memref<!tpu.dma_semaphore, #tpu.memory_space<semaphore_mem>>
        %dma_start3A_46 = tpu.memref_slice %arg2[%run_scoped3A, %run_scoped3A_12, %add3A_11] : memref<3x1x32768xi32, #tpu.memory_space<hbm>> -> memref<1x1x256xi32, #tpu.memory_space<hbm>>
        %dma_start3A_47 = tpu.memref_squeeze %dma_start3A_46 : memref<1x1x256xi32, #tpu.memory_space<hbm>> -> memref<256xi32, #tpu.memory_space<hbm>>
        %dma_start3A_48 = tpu.memref_slice %arg2[%run_scoped3A, %run_scoped3A_12, %add3A_11] : memref<3x1x32768xi32, #tpu.memory_space<hbm>> -> memref<1x1x256xi32, #tpu.memory_space<hbm>>
        %dma_start3A_49 = tpu.memref_squeeze %dma_start3A_48 : memref<1x1x256xi32, #tpu.memory_space<hbm>> -> memref<256xi32, #tpu.memory_space<hbm>>
        tpu.enqueue_dma source(%dma_start3A_49 : memref<256xi32, #tpu.memory_space<hbm>>) target(%arg6 : memref<256xi32, #tpu.memory_space<vmem>>) target_semaphore(%run_scoped3A_45 : memref<!tpu.dma_semaphore, #tpu.memory_space<semaphore_mem>>)
        %dma_wait3A_50 = tpu.memref_slice %arg2[%run_scoped3A, %run_scoped3A_12, %add3A_11] : memref<3x1x32768xi32, #tpu.memory_space<hbm>> -> memref<1x1x256xi32, #tpu.memory_space<hbm>>
        %dma_wait3A_51 = tpu.memref_squeeze %dma_wait3A_50 : memref<1x1x256xi32, #tpu.memory_space<hbm>> -> memref<256xi32, #tpu.memory_space<hbm>>
        %dma_wait3A_52 = tpu.memref_slice %arg2[%run_scoped3A, %run_scoped3A_12, %add3A_11] : memref<3x1x32768xi32, #tpu.memory_space<hbm>> -> memref<1x1x256xi32, #tpu.memory_space<hbm>>
        %dma_wait3A_53 = tpu.memref_squeeze %dma_wait3A_52 : memref<1x1x256xi32, #tpu.memory_space<hbm>> -> memref<256xi32, #tpu.memory_space<hbm>>
        tpu.wait_dma2 semaphore(%run_scoped3A_45 : memref<!tpu.dma_semaphore, #tpu.memory_space<semaphore_mem>>) src(%dma_wait3A_53 : memref<256xi32, #tpu.memory_space<hbm>>) dst(%arg6 : memref<256xi32, #tpu.memory_space<vmem>>)
        tpu.yield
      }) : () -> ()
      %run_scoped3A_13 = arith.constant 1 : i32
      %run_scoped3A_14 = arith.constant 0 : i32
      "tpu.region"() ({
        %run_scoped3A_45 = tpu.sem_alloc : memref<!tpu.dma_semaphore, #tpu.memory_space<semaphore_mem>>
        %dma_start3A_46 = tpu.memref_slice %arg2[%run_scoped3A_13, %run_scoped3A_14, %add3A_11] : memref<3x1x32768xi32, #tpu.memory_space<hbm>> -> memref<1x1x256xi32, #tpu.memory_space<hbm>>
        %dma_start3A_47 = tpu.memref_squeeze %dma_start3A_46 : memref<1x1x256xi32, #tpu.memory_space<hbm>> -> memref<256xi32, #tpu.memory_space<hbm>>
        %dma_start3A_48 = tpu.memref_slice %arg2[%run_scoped3A_13, %run_scoped3A_14, %add3A_11] : memref<3x1x32768xi32, #tpu.memory_space<hbm>> -> memref<1x1x256xi32, #tpu.memory_space<hbm>>
        %dma_start3A_49 = tpu.memref_squeeze %dma_start3A_48 : memref<1x1x256xi32, #tpu.memory_space<hbm>> -> memref<256xi32, #tpu.memory_space<hbm>>
        tpu.enqueue_dma source(%dma_start3A_49 : memref<256xi32, #tpu.memory_space<hbm>>) target(%arg7 : memref<256xi32, #tpu.memory_space<vmem>>) target_semaphore(%run_scoped3A_45 : memref<!tpu.dma_semaphore, #tpu.memory_space<semaphore_mem>>)
        %dma_wait3A_50 = tpu.memref_slice %arg2[%run_scoped3A_13, %run_scoped3A_14, %add3A_11] : memref<3x1x32768xi32, #tpu.memory_space<hbm>> -> memref<1x1x256xi32, #tpu.memory_space<hbm>>
        %dma_wait3A_51 = tpu.memref_squeeze %dma_wait3A_50 : memref<1x1x256xi32, #tpu.memory_space<hbm>> -> memref<256xi32, #tpu.memory_space<hbm>>
        %dma_wait3A_52 = tpu.memref_slice %arg2[%run_scoped3A_13, %run_scoped3A_14, %add3A_11] : memref<3x1x32768xi32, #tpu.memory_space<hbm>> -> memref<1x1x256xi32, #tpu.memory_space<hbm>>
        %dma_wait3A_53 = tpu.memref_squeeze %dma_wait3A_52 : memref<1x1x256xi32, #tpu.memory_space<hbm>> -> memref<256xi32, #tpu.memory_space<hbm>>
        tpu.wait_dma2 semaphore(%run_scoped3A_45 : memref<!tpu.dma_semaphore, #tpu.memory_space<semaphore_mem>>) src(%dma_wait3A_53 : memref<256xi32, #tpu.memory_space<hbm>>) dst(%arg7 : memref<256xi32, #tpu.memory_space<vmem>>)
        tpu.yield
      }) : () -> ()
      %run_scoped3A_15 = arith.constant 2 : i32
      %run_scoped3A_16 = arith.constant 0 : i32
      "tpu.region"() ({
        %run_scoped3A_45 = tpu.sem_alloc : memref<!tpu.dma_semaphore, #tpu.memory_space<semaphore_mem>>
        %dma_start3A_46 = tpu.memref_slice %arg2[%run_scoped3A_15, %run_scoped3A_16, %add3A_11] : memref<3x1x32768xi32, #tpu.memory_space<hbm>> -> memref<1x1x256xi32, #tpu.memory_space<hbm>>
        %dma_start3A_47 = tpu.memref_squeeze %dma_start3A_46 : memref<1x1x256xi32, #tpu.memory_space<hbm>> -> memref<256xi32, #tpu.memory_space<hbm>>
        %dma_start3A_48 = tpu.memref_slice %arg2[%run_scoped3A_15, %run_scoped3A_16, %add3A_11] : memref<3x1x32768xi32, #tpu.memory_space<hbm>> -> memref<1x1x256xi32, #tpu.memory_space<hbm>>
        %dma_start3A_49 = tpu.memref_squeeze %dma_start3A_48 : memref<1x1x256xi32, #tpu.memory_space<hbm>> -> memref<256xi32, #tpu.memory_space<hbm>>
        tpu.enqueue_dma source(%dma_start3A_49 : memref<256xi32, #tpu.memory_space<hbm>>) target(%arg8 : memref<256xi32, #tpu.memory_space<vmem>>) target_semaphore(%run_scoped3A_45 : memref<!tpu.dma_semaphore, #tpu.memory_space<semaphore_mem>>)
        %dma_wait3A_50 = tpu.memref_slice %arg2[%run_scoped3A_15, %run_scoped3A_16, %add3A_11] : memref<3x1x32768xi32, #tpu.memory_space<hbm>> -> memref<1x1x256xi32, #tpu.memory_space<hbm>>
        %dma_wait3A_51 = tpu.memref_squeeze %dma_wait3A_50 : memref<1x1x256xi32, #tpu.memory_space<hbm>> -> memref<256xi32, #tpu.memory_space<hbm>>
        %dma_wait3A_52 = tpu.memref_slice %arg2[%run_scoped3A_15, %run_scoped3A_16, %add3A_11] : memref<3x1x32768xi32, #tpu.memory_space<hbm>> -> memref<1x1x256xi32, #tpu.memory_space<hbm>>
        %dma_wait3A_53 = tpu.memref_squeeze %dma_wait3A_52 : memref<1x1x256xi32, #tpu.memory_space<hbm>> -> memref<256xi32, #tpu.memory_space<hbm>>
        tpu.wait_dma2 semaphore(%run_scoped3A_45 : memref<!tpu.dma_semaphore, #tpu.memory_space<semaphore_mem>>) src(%dma_wait3A_53 : memref<256xi32, #tpu.memory_space<hbm>>) dst(%arg8 : memref<256xi32, #tpu.memory_space<vmem>>)
        tpu.yield
      }) : () -> ()
      %run_scoped3A_17 = arith.constant 0 : i32
      %run_scoped3A_18 = arith.constant 0 : i32
      "tpu.region"() ({
        %run_scoped3A_45 = tpu.sem_alloc : memref<!tpu.dma_semaphore, #tpu.memory_space<semaphore_mem>>
        %dma_start3A_46 = tpu.memref_slice %arg3[%run_scoped3A_17, %run_scoped3A_18, %add3A_11] : memref<3x1x32768xf32, #tpu.memory_space<hbm>> -> memref<1x1x256xf32, #tpu.memory_space<hbm>>
        %dma_start3A_47 = tpu.memref_squeeze %dma_start3A_46 : memref<1x1x256xf32, #tpu.memory_space<hbm>> -> memref<256xf32, #tpu.memory_space<hbm>>
        %dma_start3A_48 = tpu.memref_slice %arg3[%run_scoped3A_17, %run_scoped3A_18, %add3A_11] : memref<3x1x32768xf32, #tpu.memory_space<hbm>> -> memref<1x1x256xf32, #tpu.memory_space<hbm>>
        %dma_start3A_49 = tpu.memref_squeeze %dma_start3A_48 : memref<1x1x256xf32, #tpu.memory_space<hbm>> -> memref<256xf32, #tpu.memory_space<hbm>>
        tpu.enqueue_dma source(%dma_start3A_49 : memref<256xf32, #tpu.memory_space<hbm>>) target(%arg9 : memref<256xf32, #tpu.memory_space<vmem>>) target_semaphore(%run_scoped3A_45 : memref<!tpu.dma_semaphore, #tpu.memory_space<semaphore_mem>>)
        %dma_wait3A_50 = tpu.memref_slice %arg3[%run_scoped3A_17, %run_scoped3A_18, %add3A_11] : memref<3x1x32768xf32, #tpu.memory_space<hbm>> -> memref<1x1x256xf32, #tpu.memory_space<hbm>>
        %dma_wait3A_51 = tpu.memref_squeeze %dma_wait3A_50 : memref<1x1x256xf32, #tpu.memory_space<hbm>> -> memref<256xf32, #tpu.memory_space<hbm>>
        %dma_wait3A_52 = tpu.memref_slice %arg3[%run_scoped3A_17, %run_scoped3A_18, %add3A_11] : memref<3x1x32768xf32, #tpu.memory_space<hbm>> -> memref<1x1x256xf32, #tpu.memory_space<hbm>>
        %dma_wait3A_53 = tpu.memref_squeeze %dma_wait3A_52 : memref<1x1x256xf32, #tpu.memory_space<hbm>> -> memref<256xf32, #tpu.memory_space<hbm>>
        tpu.wait_dma2 semaphore(%run_scoped3A_45 : memref<!tpu.dma_semaphore, #tpu.memory_space<semaphore_mem>>) src(%dma_wait3A_53 : memref<256xf32, #tpu.memory_space<hbm>>) dst(%arg9 : memref<256xf32, #tpu.memory_space<vmem>>)
        tpu.yield
      }) : () -> ()
      %run_scoped3A_19 = arith.constant 1 : i32
      %run_scoped3A_20 = arith.constant 0 : i32
      "tpu.region"() ({
        %run_scoped3A_45 = tpu.sem_alloc : memref<!tpu.dma_semaphore, #tpu.memory_space<semaphore_mem>>
        %dma_start3A_46 = tpu.memref_slice %arg3[%run_scoped3A_19, %run_scoped3A_20, %add3A_11] : memref<3x1x32768xf32, #tpu.memory_space<hbm>> -> memref<1x1x256xf32, #tpu.memory_space<hbm>>
        %dma_start3A_47 = tpu.memref_squeeze %dma_start3A_46 : memref<1x1x256xf32, #tpu.memory_space<hbm>> -> memref<256xf32, #tpu.memory_space<hbm>>
        %dma_start3A_48 = tpu.memref_slice %arg3[%run_scoped3A_19, %run_scoped3A_20, %add3A_11] : memref<3x1x32768xf32, #tpu.memory_space<hbm>> -> memref<1x1x256xf32, #tpu.memory_space<hbm>>
        %dma_start3A_49 = tpu.memref_squeeze %dma_start3A_48 : memref<1x1x256xf32, #tpu.memory_space<hbm>> -> memref<256xf32, #tpu.memory_space<hbm>>
        tpu.enqueue_dma source(%dma_start3A_49 : memref<256xf32, #tpu.memory_space<hbm>>) target(%arg10 : memref<256xf32, #tpu.memory_space<vmem>>) target_semaphore(%run_scoped3A_45 : memref<!tpu.dma_semaphore, #tpu.memory_space<semaphore_mem>>)
        %dma_wait3A_50 = tpu.memref_slice %arg3[%run_scoped3A_19, %run_scoped3A_20, %add3A_11] : memref<3x1x32768xf32, #tpu.memory_space<hbm>> -> memref<1x1x256xf32, #tpu.memory_space<hbm>>
        %dma_wait3A_51 = tpu.memref_squeeze %dma_wait3A_50 : memref<1x1x256xf32, #tpu.memory_space<hbm>> -> memref<256xf32, #tpu.memory_space<hbm>>
        %dma_wait3A_52 = tpu.memref_slice %arg3[%run_scoped3A_19, %run_scoped3A_20, %add3A_11] : memref<3x1x32768xf32, #tpu.memory_space<hbm>> -> memref<1x1x256xf32, #tpu.memory_space<hbm>>
        %dma_wait3A_53 = tpu.memref_squeeze %dma_wait3A_52 : memref<1x1x256xf32, #tpu.memory_space<hbm>> -> memref<256xf32, #tpu.memory_space<hbm>>
        tpu.wait_dma2 semaphore(%run_scoped3A_45 : memref<!tpu.dma_semaphore, #tpu.memory_space<semaphore_mem>>) src(%dma_wait3A_53 : memref<256xf32, #tpu.memory_space<hbm>>) dst(%arg10 : memref<256xf32, #tpu.memory_space<vmem>>)
        tpu.yield
      }) : () -> ()
      %run_scoped3A_21 = arith.constant 2 : i32
      %run_scoped3A_22 = arith.constant 0 : i32
      "tpu.region"() ({
        %run_scoped3A_45 = tpu.sem_alloc : memref<!tpu.dma_semaphore, #tpu.memory_space<semaphore_mem>>
        %dma_start3A_46 = tpu.memref_slice %arg3[%run_scoped3A_21, %run_scoped3A_22, %add3A_11] : memref<3x1x32768xf32, #tpu.memory_space<hbm>> -> memref<1x1x256xf32, #tpu.memory_space<hbm>>
        %dma_start3A_47 = tpu.memref_squeeze %dma_start3A_46 : memref<1x1x256xf32, #tpu.memory_space<hbm>> -> memref<256xf32, #tpu.memory_space<hbm>>
        %dma_start3A_48 = tpu.memref_slice %arg3[%run_scoped3A_21, %run_scoped3A_22, %add3A_11] : memref<3x1x32768xf32, #tpu.memory_space<hbm>> -> memref<1x1x256xf32, #tpu.memory_space<hbm>>
        %dma_start3A_49 = tpu.memref_squeeze %dma_start3A_48 : memref<1x1x256xf32, #tpu.memory_space<hbm>> -> memref<256xf32, #tpu.memory_space<hbm>>
        tpu.enqueue_dma source(%dma_start3A_49 : memref<256xf32, #tpu.memory_space<hbm>>) target(%arg11 : memref<256xf32, #tpu.memory_space<vmem>>) target_semaphore(%run_scoped3A_45 : memref<!tpu.dma_semaphore, #tpu.memory_space<semaphore_mem>>)
        %dma_wait3A_50 = tpu.memref_slice %arg3[%run_scoped3A_21, %run_scoped3A_22, %add3A_11] : memref<3x1x32768xf32, #tpu.memory_space<hbm>> -> memref<1x1x256xf32, #tpu.memory_space<hbm>>
        %dma_wait3A_51 = tpu.memref_squeeze %dma_wait3A_50 : memref<1x1x256xf32, #tpu.memory_space<hbm>> -> memref<256xf32, #tpu.memory_space<hbm>>
        %dma_wait3A_52 = tpu.memref_slice %arg3[%run_scoped3A_21, %run_scoped3A_22, %add3A_11] : memref<3x1x32768xf32, #tpu.memory_space<hbm>> -> memref<1x1x256xf32, #tpu.memory_space<hbm>>
        %dma_wait3A_53 = tpu.memref_squeeze %dma_wait3A_52 : memref<1x1x256xf32, #tpu.memory_space<hbm>> -> memref<256xf32, #tpu.memory_space<hbm>>
        tpu.wait_dma2 semaphore(%run_scoped3A_45 : memref<!tpu.dma_semaphore, #tpu.memory_space<semaphore_mem>>) src(%dma_wait3A_53 : memref<256xf32, #tpu.memory_space<hbm>>) dst(%arg11 : memref<256xf32, #tpu.memory_space<vmem>>)
        tpu.yield
      }) : () -> ()
      %dma_start3A = arith.constant 0 : i32
      %dma_start3A_23 = arith.constant 0 : i32
      %dma_start3A_24 = tpu.memref_slice %arg4[%dma_start3A, %dma_start3A_23] : memref<8192x64xf32, #tpu.memory_space<hbm>> -> memref<8192x64xf32, #tpu.memory_space<hbm>>
      tpu.enqueue_indirect_dma source(%dma_start3A_24 : memref<8192x64xf32, #tpu.memory_space<hbm>>) target(%arg12 : memref<256x64xf32, #tpu.memory_space<vmem>>) offsets(%arg6 : memref<256xi32, #tpu.memory_space<vmem>>) semaphore(%arg15 : memref<!tpu.dma_semaphore, #tpu.memory_space<semaphore_mem>>)
      %dma_start3A_25 = arith.constant 0 : i32
      %dma_start3A_26 = arith.constant 0 : i32
      %dma_start3A_27 = tpu.memref_slice %arg4[%dma_start3A_25, %dma_start3A_26] : memref<8192x64xf32, #tpu.memory_space<hbm>> -> memref<8192x64xf32, #tpu.memory_space<hbm>>
      tpu.enqueue_indirect_dma source(%dma_start3A_27 : memref<8192x64xf32, #tpu.memory_space<hbm>>) target(%arg13 : memref<256x64xf32, #tpu.memory_space<vmem>>) offsets(%arg7 : memref<256xi32, #tpu.memory_space<vmem>>) semaphore(%arg15 : memref<!tpu.dma_semaphore, #tpu.memory_space<semaphore_mem>>)
      %dma_start3A_28 = arith.constant 0 : i32
      %dma_start3A_29 = arith.constant 0 : i32
      %dma_start3A_30 = tpu.memref_slice %arg4[%dma_start3A_28, %dma_start3A_29] : memref<8192x64xf32, #tpu.memory_space<hbm>> -> memref<8192x64xf32, #tpu.memory_space<hbm>>
      tpu.enqueue_indirect_dma source(%dma_start3A_30 : memref<8192x64xf32, #tpu.memory_space<hbm>>) target(%arg14 : memref<256x64xf32, #tpu.memory_space<vmem>>) offsets(%arg8 : memref<256xi32, #tpu.memory_space<vmem>>) semaphore(%arg15 : memref<!tpu.dma_semaphore, #tpu.memory_space<semaphore_mem>>)
      %dma_wait3A = arith.constant 0 : i32
      %dma_wait3A_31 = arith.constant 0 : i32
      %dma_wait3A_32 = tpu.memref_slice %arg4[%dma_wait3A, %dma_wait3A_31] : memref<8192x64xf32, #tpu.memory_space<hbm>> -> memref<8192x64xf32, #tpu.memory_space<hbm>>
      tpu.wait_indirect_dma semaphore(%arg15 : memref<!tpu.dma_semaphore, #tpu.memory_space<semaphore_mem>>) src(%dma_wait3A_32 : memref<8192x64xf32, #tpu.memory_space<hbm>>) dst(%arg12 : memref<256x64xf32, #tpu.memory_space<vmem>>)
      %dma_wait3A_33 = arith.constant 0 : i32
      %dma_wait3A_34 = arith.constant 0 : i32
      %dma_wait3A_35 = tpu.memref_slice %arg4[%dma_wait3A_33, %dma_wait3A_34] : memref<8192x64xf32, #tpu.memory_space<hbm>> -> memref<8192x64xf32, #tpu.memory_space<hbm>>
      tpu.wait_indirect_dma semaphore(%arg15 : memref<!tpu.dma_semaphore, #tpu.memory_space<semaphore_mem>>) src(%dma_wait3A_35 : memref<8192x64xf32, #tpu.memory_space<hbm>>) dst(%arg13 : memref<256x64xf32, #tpu.memory_space<vmem>>)
      %dma_wait3A_36 = arith.constant 0 : i32
      %dma_wait3A_37 = arith.constant 0 : i32
      %dma_wait3A_38 = tpu.memref_slice %arg4[%dma_wait3A_36, %dma_wait3A_37] : memref<8192x64xf32, #tpu.memory_space<hbm>> -> memref<8192x64xf32, #tpu.memory_space<hbm>>
      tpu.wait_indirect_dma semaphore(%arg15 : memref<!tpu.dma_semaphore, #tpu.memory_space<semaphore_mem>>) src(%dma_wait3A_38 : memref<8192x64xf32, #tpu.memory_space<hbm>>) dst(%arg14 : memref<256x64xf32, #tpu.memory_space<vmem>>)
      %scan3A_39 = arith.constant 0 : i32
      %scan3A_40 = arith.constant 0 : i32
      %scan3A_41 = arith.constant 16 : i32
      %scan3A_42 = arith.addi %scan3A_40, %scan3A_41 : i32
      %scan3A_43 = arith.constant 1 : i32
      scf.for %scan3A_45 = %scan3A_40 to %scan3A_42 step %scan3A_43  : i32 {
        %mul3A_46 = arith.constant 16 : i32
        %mul3A_47 = arith.muli %scan3A_45, %mul3A_46 : i32
        %get3A = arith.index_cast %mul3A_47 : i32 to index
        %get3A_48 = tpu.vector_load %arg9[%get3A] {strides = array<i32>} : memref<256xf32, #tpu.memory_space<vmem>>, vector<16xf32>,
        %get3A_49 = vector.shape_cast %get3A_48 : vector<16xf32> to vector<16xf32>
        %get3A_50 = arith.index_cast %mul3A_47 : i32 to index
        %get3A_51 = tpu.vector_load %arg10[%get3A_50] {strides = array<i32>} : memref<256xf32, #tpu.memory_space<vmem>>, vector<16xf32>,
        %get3A_52 = vector.shape_cast %get3A_51 : vector<16xf32> to vector<16xf32>
        %get3A_53 = arith.index_cast %mul3A_47 : i32 to index
        %get3A_54 = tpu.vector_load %arg11[%get3A_53] {strides = array<i32>} : memref<256xf32, #tpu.memory_space<vmem>>, vector<16xf32>,
        %get3A_55 = vector.shape_cast %get3A_54 : vector<16xf32> to vector<16xf32>
        %broadcast_in_dim3A = arith.constant 0 : i32
        %broadcast_in_dim3A_56 = vector.broadcast %broadcast_in_dim3A : i32 to vector<16xi32>
        %lt3A = arith.constant 0 : i32
        %lt3A_57 = vector.broadcast %lt3A : i32 to vector<16xi32>
        %lt3A_58 = arith.cmpi slt, %broadcast_in_dim3A_56, %lt3A_57 : vector<16xi32>
        %add3A_59 = arith.constant 16 : i32
        %add3A_60 = vector.broadcast %add3A_59 : i32 to vector<16xi32>
        %add3A_61 = arith.addi %broadcast_in_dim3A_56, %add3A_60 : vector<16xi32>
        %select_n3A = arith.select %lt3A_58, %add3A_61, %broadcast_in_dim3A_56 : vector<16xi1>, vector<16xi32>
        %broadcast_in_dim3A_62 = vector.shape_cast %select_n3A : vector<16xi32> to vector<16x1xi32>
        %gather3A = vector.shape_cast %broadcast_in_dim3A_62 : vector<16x1xi32> to vector<16xi32>
        %gather3A_63 = tpu.dynamic_gather %get3A_49[%gather3A] in [0] : vector<16xf32>, vector<16xi32> -> vector<16xf32>
        %lt3A_64 = arith.constant 0 : i32
        %lt3A_65 = vector.broadcast %lt3A_64 : i32 to vector<16xi32>
        %lt3A_66 = arith.cmpi slt, %broadcast_in_dim3A_56, %lt3A_65 : vector<16xi32>
        %add3A_67 = arith.constant 16 : i32
        %add3A_68 = vector.broadcast %add3A_67 : i32 to vector<16xi32>
        %add3A_69 = arith.addi %broadcast_in_dim3A_56, %add3A_68 : vector<16xi32>
        %select_n3A_70 = arith.select %lt3A_66, %add3A_69, %broadcast_in_dim3A_56 : vector<16xi1>, vector<16xi32>
        %broadcast_in_dim3A_71 = vector.shape_cast %select_n3A_70 : vector<16xi32> to vector<16x1xi32>
        %gather3A_72 = vector.shape_cast %broadcast_in_dim3A_71 : vector<16x1xi32> to vector<16xi32>
        %gather3A_73 = tpu.dynamic_gather %get3A_52[%gather3A_72] in [0] : vector<16xf32>, vector<16xi32> -> vector<16xf32>
        %lt3A_74 = arith.constant 0 : i32
        %lt3A_75 = vector.broadcast %lt3A_74 : i32 to vector<16xi32>
        %lt3A_76 = arith.cmpi slt, %broadcast_in_dim3A_56, %lt3A_75 : vector<16xi32>
        %add3A_77 = arith.constant 16 : i32
        %add3A_78 = vector.broadcast %add3A_77 : i32 to vector<16xi32>
        %add3A_79 = arith.addi %broadcast_in_dim3A_56, %add3A_78 : vector<16xi32>
        %select_n3A_80 = arith.select %lt3A_76, %add3A_79, %broadcast_in_dim3A_56 : vector<16xi1>, vector<16xi32>
        %broadcast_in_dim3A_81 = vector.shape_cast %select_n3A_80 : vector<16xi32> to vector<16x1xi32>
        %gather3A_82 = vector.shape_cast %broadcast_in_dim3A_81 : vector<16x1xi32> to vector<16xi32>
        %gather3A_83 = tpu.dynamic_gather %get3A_55[%gather3A_82] in [0] : vector<16xf32>, vector<16xi32> -> vector<16xf32>
        %add3A_84 = arith.constant 0 : i32
        %add3A_85 = arith.addi %mul3A_47, %add3A_84 : i32
        %get3A_86 = arith.index_cast %add3A_85 : i32 to index
        %get3A_87 = arith.constant 0 : index
        %get3A_88 = tpu.vector_load %arg12[%get3A_86, %get3A_87] {strides = array<i32>} : memref<256x64xf32, #tpu.memory_space<vmem>>, vector<1x16xf32>,
        %get3A_89 = vector.shape_cast %get3A_88 : vector<1x16xf32> to vector<16xf32>
        %mul3A_90 = arith.mulf %gather3A_63, %get3A_89 : vector<16xf32>
        %get3A_91 = arith.index_cast %add3A_85 : i32 to index
        %get3A_92 = arith.constant 0 : index
        %get3A_93 = tpu.vector_load %arg13[%get3A_91, %get3A_92] {strides = array<i32>} : memref<256x64xf32, #tpu.memory_space<vmem>>, vector<1x16xf32>,
        %get3A_94 = vector.shape_cast %get3A_93 : vector<1x16xf32> to vector<16xf32>
        %mul3A_95 = arith.mulf %gather3A_73, %get3A_94 : vector<16xf32>
        %add3A_96 = arith.addf %mul3A_90, %mul3A_95 : vector<16xf32>
        %get3A_97 = arith.index_cast %add3A_85 : i32 to index
        %get3A_98 = arith.constant 0 : index
        %get3A_99 = tpu.vector_load %arg14[%get3A_97, %get3A_98] {strides = array<i32>} : memref<256x64xf32, #tpu.memory_space<vmem>>, vector<1x16xf32>,
        %get3A_100 = vector.shape_cast %get3A_99 : vector<1x16xf32> to vector<16xf32>
        %mul3A_101 = arith.mulf %gather3A_83, %get3A_100 : vector<16xf32>
        %add3A_102 = arith.addf %add3A_96, %mul3A_101 : vector<16xf32>
        %swap3A = arith.index_cast %add3A_85 : i32 to index
        %swap3A_103 = arith.constant 0 : index
        %swap3A_104 = tpu.vector_load %arg12[%swap3A, %swap3A_103] {strides = array<i32>} : memref<256x64xf32, #tpu.memory_space<vmem>>, vector<1x16xf32>,
        %swap3A_105 = vector.shape_cast %swap3A_104 : vector<1x16xf32> to vector<16xf32>
        %swap3A_106 = vector.shape_cast %add3A_102 : vector<16xf32> to vector<1x16xf32>
        tpu.vector_store %arg12[%swap3A, %swap3A_103], %swap3A_106 {strides = array<i32>} : memref<256x64xf32, #tpu.memory_space<vmem>>, vector<1x16xf32>,
        %get3A_107 = arith.index_cast %add3A_85 : i32 to index
        %get3A_108 = arith.constant 16 : index
        %get3A_109 = tpu.vector_load %arg12[%get3A_107, %get3A_108] {strides = array<i32>} : memref<256x64xf32, #tpu.memory_space<vmem>>, vector<1x16xf32>,
        %get3A_110 = vector.shape_cast %get3A_109 : vector<1x16xf32> to vector<16xf32>
        %mul3A_111 = arith.mulf %gather3A_63, %get3A_110 : vector<16xf32>
        %get3A_112 = arith.index_cast %add3A_85 : i32 to index
        %get3A_113 = arith.constant 16 : index
        %get3A_114 = tpu.vector_load %arg13[%get3A_112, %get3A_113] {strides = array<i32>} : memref<256x64xf32, #tpu.memory_space<vmem>>, vector<1x16xf32>,
        %get3A_115 = vector.shape_cast %get3A_114 : vector<1x16xf32> to vector<16xf32>
        %mul3A_116 = arith.mulf %gather3A_73, %get3A_115 : vector<16xf32>
        %add3A_117 = arith.addf %mul3A_111, %mul3A_116 : vector<16xf32>
        %get3A_118 = arith.index_cast %add3A_85 : i32 to index
        %get3A_119 = arith.constant 16 : index
        %get3A_120 = tpu.vector_load %arg14[%get3A_118, %get3A_119] {strides = array<i32>} : memref<256x64xf32, #tpu.memory_space<vmem>>, vector<1x16xf32>,
        %get3A_121 = vector.shape_cast %get3A_120 : vector<1x16xf32> to vector<16xf32>
        %mul3A_122 = arith.mulf %gather3A_83, %get3A_121 : vector<16xf32>
        %add3A_123 = arith.addf %add3A_117, %mul3A_122 : vector<16xf32>
        %swap3A_124 = arith.index_cast %add3A_85 : i32 to index
        %swap3A_125 = arith.constant 16 : index
        %swap3A_126 = tpu.vector_load %arg12[%swap3A_124, %swap3A_125] {strides = array<i32>} : memref<256x64xf32, #tpu.memory_space<vmem>>, vector<1x16xf32>,
        %swap3A_127 = vector.shape_cast %swap3A_126 : vector<1x16xf32> to vector<16xf32>
        %swap3A_128 = vector.shape_cast %add3A_123 : vector<16xf32> to vector<1x16xf32>
        tpu.vector_store %arg12[%swap3A_124, %swap3A_125], %swap3A_128 {strides = array<i32>} : memref<256x64xf32, #tpu.memory_space<vmem>>, vector<1x16xf32>,
        %get3A_129 = arith.index_cast %add3A_85 : i32 to index
        %get3A_130 = arith.constant 32 : index
        %get3A_131 = tpu.vector_load %arg12[%get3A_129, %get3A_130] {strides = array<i32>} : memref<256x64xf32, #tpu.memory_space<vmem>>, vector<1x16xf32>,
        %get3A_132 = vector.shape_cast %get3A_131 : vector<1x16xf32> to vector<16xf32>
        %mul3A_133 = arith.mulf %gather3A_63, %get3A_132 : vector<16xf32>
        %get3A_134 = arith.index_cast %add3A_85 : i32 to index
        %get3A_135 = arith.constant 32 : index
        %get3A_136 = tpu.vector_load %arg13[%get3A_134, %get3A_135] {strides = array<i32>} : memref<256x64xf32, #tpu.memory_space<vmem>>, vector<1x16xf32>,
        %get3A_137 = vector.shape_cast %get3A_136 : vector<1x16xf32> to vector<16xf32>
        %mul3A_138 = arith.mulf %gather3A_73, %get3A_137 : vector<16xf32>
        %add3A_139 = arith.addf %mul3A_133, %mul3A_138 : vector<16xf32>
        %get3A_140 = arith.index_cast %add3A_85 : i32 to index
        %get3A_141 = arith.constant 32 : index
        %get3A_142 = tpu.vector_load %arg14[%get3A_140, %get3A_141] {strides = array<i32>} : memref<256x64xf32, #tpu.memory_space<vmem>>, vector<1x16xf32>,
        %get3A_143 = vector.shape_cast %get3A_142 : vector<1x16xf32> to vector<16xf32>
        %mul3A_144 = arith.mulf %gather3A_83, %get3A_143 : vector<16xf32>
        %add3A_145 = arith.addf %add3A_139, %mul3A_144 : vector<16xf32>
        %swap3A_146 = arith.index_cast %add3A_85 : i32 to index
        %swap3A_147 = arith.constant 32 : index
        %swap3A_148 = tpu.vector_load %arg12[%swap3A_146, %swap3A_147] {strides = array<i32>} : memref<256x64xf32, #tpu.memory_space<vmem>>, vector<1x16xf32>,
        %swap3A_149 = vector.shape_cast %swap3A_148 : vector<1x16xf32> to vector<16xf32>
        %swap3A_150 = vector.shape_cast %add3A_145 : vector<16xf32> to vector<1x16xf32>
        tpu.vector_store %arg12[%swap3A_146, %swap3A_147], %swap3A_150 {strides = array<i32>} : memref<256x64xf32, #tpu.memory_space<vmem>>, vector<1x16xf32>,
        %get3A_151 = arith.index_cast %add3A_85 : i32 to index
        %get3A_152 = arith.constant 48 : index
        %get3A_153 = tpu.vector_load %arg12[%get3A_151, %get3A_152] {strides = array<i32>} : memref<256x64xf32, #tpu.memory_space<vmem>>, vector<1x16xf32>,
        %get3A_154 = vector.shape_cast %get3A_153 : vector<1x16xf32> to vector<16xf32>
        %mul3A_155 = arith.mulf %gather3A_63, %get3A_154 : vector<16xf32>
        %get3A_156 = arith.index_cast %add3A_85 : i32 to index
        %get3A_157 = arith.constant 48 : index
        %get3A_158 = tpu.vector_load %arg13[%get3A_156, %get3A_157] {strides = array<i32>} : memref<256x64xf32, #tpu.memory_space<vmem>>, vector<1x16xf32>,
        %get3A_159 = vector.shape_cast %get3A_158 : vector<1x16xf32> to vector<16xf32>
        %mul3A_160 = arith.mulf %gather3A_73, %get3A_159 : vector<16xf32>
        %add3A_161 = arith.addf %mul3A_155, %mul3A_160 : vector<16xf32>
        %get3A_162 = arith.index_cast %add3A_85 : i32 to index
        %get3A_163 = arith.constant 48 : index
        %get3A_164 = tpu.vector_load %arg14[%get3A_162, %get3A_163] {strides = array<i32>} : memref<256x64xf32, #tpu.memory_space<vmem>>, vector<1x16xf32>,
        %get3A_165 = vector.shape_cast %get3A_164 : vector<1x16xf32> to vector<16xf32>
        %mul3A_166 = arith.mulf %gather3A_83, %get3A_165 : vector<16xf32>
        %add3A_167 = arith.addf %add3A_161, %mul3A_166 : vector<16xf32>
        %swap3A_168 = arith.index_cast %add3A_85 : i32 to index
        %swap3A_169 = arith.constant 48 : index
        %swap3A_170 = tpu.vector_load %arg12[%swap3A_168, %swap3A_169] {strides = array<i32>} : memref<256x64xf32, #tpu.memory_space<vmem>>, vector<1x16xf32>,
        %swap3A_171 = vector.shape_cast %swap3A_170 : vector<1x16xf32> to vector<16xf32>
        %swap3A_172 = vector.shape_cast %add3A_167 : vector<16xf32> to vector<1x16xf32>
        tpu.vector_store %arg12[%swap3A_168, %swap3A_169], %swap3A_172 {strides = array<i32>} : memref<256x64xf32, #tpu.memory_space<vmem>>, vector<1x16xf32>,
        %broadcast_in_dim3A_173 = arith.constant 1 : i32
        %broadcast_in_dim3A_174 = vector.broadcast %broadcast_in_dim3A_173 : i32 to vector<16xi32>
        %lt3A_175 = arith.constant 0 : i32
        %lt3A_176 = vector.broadcast %lt3A_175 : i32 to vector<16xi32>
        %lt3A_177 = arith.cmpi slt, %broadcast_in_dim3A_174, %lt3A_176 : vector<16xi32>
        %add3A_178 = arith.constant 16 : i32
        %add3A_179 = vector.broadcast %add3A_178 : i32 to vector<16xi32>
        %add3A_180 = arith.addi %broadcast_in_dim3A_174, %add3A_179 : vector<16xi32>
        %select_n3A_181 = arith.select %lt3A_177, %add3A_180, %broadcast_in_dim3A_174 : vector<16xi1>, vector<16xi32>
        %broadcast_in_dim3A_182 = vector.shape_cast %select_n3A_181 : vector<16xi32> to vector<16x1xi32>
        %gather3A_183 = vector.shape_cast %broadcast_in_dim3A_182 : vector<16x1xi32> to vector<16xi32>
        %gather3A_184 = tpu.dynamic_gather %get3A_49[%gather3A_183] in [0] : vector<16xf32>, vector<16xi32> -> vector<16xf32>
        %lt3A_185 = arith.constant 0 : i32
        %lt3A_186 = vector.broadcast %lt3A_185 : i32 to vector<16xi32>
        %lt3A_187 = arith.cmpi slt, %broadcast_in_dim3A_174, %lt3A_186 : vector<16xi32>
        %add3A_188 = arith.constant 16 : i32
        %add3A_189 = vector.broadcast %add3A_188 : i32 to vector<16xi32>
        %add3A_190 = arith.addi %broadcast_in_dim3A_174, %add3A_189 : vector<16xi32>
        %select_n3A_191 = arith.select %lt3A_187, %add3A_190, %broadcast_in_dim3A_174 : vector<16xi1>, vector<16xi32>
        %broadcast_in_dim3A_192 = vector.shape_cast %select_n3A_191 : vector<16xi32> to vector<16x1xi32>
        %gather3A_193 = vector.shape_cast %broadcast_in_dim3A_192 : vector<16x1xi32> to vector<16xi32>
        %gather3A_194 = tpu.dynamic_gather %get3A_52[%gather3A_193] in [0] : vector<16xf32>, vector<16xi32> -> vector<16xf32>
        %lt3A_195 = arith.constant 0 : i32
        %lt3A_196 = vector.broadcast %lt3A_195 : i32 to vector<16xi32>
        %lt3A_197 = arith.cmpi slt, %broadcast_in_dim3A_174, %lt3A_196 : vector<16xi32>
        %add3A_198 = arith.constant 16 : i32
        %add3A_199 = vector.broadcast %add3A_198 : i32 to vector<16xi32>
        %add3A_200 = arith.addi %broadcast_in_dim3A_174, %add3A_199 : vector<16xi32>
        %select_n3A_201 = arith.select %lt3A_197, %add3A_200, %broadcast_in_dim3A_174 : vector<16xi1>, vector<16xi32>
        %broadcast_in_dim3A_202 = vector.shape_cast %select_n3A_201 : vector<16xi32> to vector<16x1xi32>
        %gather3A_203 = vector.shape_cast %broadcast_in_dim3A_202 : vector<16x1xi32> to vector<16xi32>
        %gather3A_204 = tpu.dynamic_gather %get3A_55[%gather3A_203] in [0] : vector<16xf32>, vector<16xi32> -> vector<16xf32>
        %add3A_205 = arith.constant 1 : i32
        %add3A_206 = arith.addi %mul3A_47, %add3A_205 : i32
        %get3A_207 = arith.index_cast %add3A_206 : i32 to index
        %get3A_208 = arith.constant 0 : index
        %get3A_209 = tpu.vector_load %arg12[%get3A_207, %get3A_208] {strides = array<i32>} : memref<256x64xf32, #tpu.memory_space<vmem>>, vector<1x16xf32>,
        %get3A_210 = vector.shape_cast %get3A_209 : vector<1x16xf32> to vector<16xf32>
        %mul3A_211 = arith.mulf %gather3A_184, %get3A_210 : vector<16xf32>
        %get3A_212 = arith.index_cast %add3A_206 : i32 to index
        %get3A_213 = arith.constant 0 : index
        %get3A_214 = tpu.vector_load %arg13[%get3A_212, %get3A_213] {strides = array<i32>} : memref<256x64xf32, #tpu.memory_space<vmem>>, vector<1x16xf32>,
        %get3A_215 = vector.shape_cast %get3A_214 : vector<1x16xf32> to vector<16xf32>
        %mul3A_216 = arith.mulf %gather3A_194, %get3A_215 : vector<16xf32>
        %add3A_217 = arith.addf %mul3A_211, %mul3A_216 : vector<16xf32>
        %get3A_218 = arith.index_cast %add3A_206 : i32 to index
        %get3A_219 = arith.constant 0 : index
        %get3A_220 = tpu.vector_load %arg14[%get3A_218, %get3A_219] {strides = array<i32>} : memref<256x64xf32, #tpu.memory_space<vmem>>, vector<1x16xf32>,
        %get3A_221 = vector.shape_cast %get3A_220 : vector<1x16xf32> to vector<16xf32>
        %mul3A_222 = arith.mulf %gather3A_204, %get3A_221 : vector<16xf32>
        %add3A_223 = arith.addf %add3A_217, %mul3A_222 : vector<16xf32>
        %swap3A_224 = arith.index_cast %add3A_206 : i32 to index
        %swap3A_225 = arith.constant 0 : index
        %swap3A_226 = tpu.vector_load %arg12[%swap3A_224, %swap3A_225] {strides = array<i32>} : memref<256x64xf32, #tpu.memory_space<vmem>>, vector<1x16xf32>,
        %swap3A_227 = vector.shape_cast %swap3A_226 : vector<1x16xf32> to vector<16xf32>
        %swap3A_228 = vector.shape_cast %add3A_223 : vector<16xf32> to vector<1x16xf32>
        tpu.vector_store %arg12[%swap3A_224, %swap3A_225], %swap3A_228 {strides = array<i32>} : memref<256x64xf32, #tpu.memory_space<vmem>>, vector<1x16xf32>,
        %get3A_229 = arith.index_cast %add3A_206 : i32 to index
        %get3A_230 = arith.constant 16 : index
        %get3A_231 = tpu.vector_load %arg12[%get3A_229, %get3A_230] {strides = array<i32>} : memref<256x64xf32, #tpu.memory_space<vmem>>, vector<1x16xf32>,
        %get3A_232 = vector.shape_cast %get3A_231 : vector<1x16xf32> to vector<16xf32>
        %mul3A_233 = arith.mulf %gather3A_184, %get3A_232 : vector<16xf32>
        %get3A_234 = arith.index_cast %add3A_206 : i32 to index
        %get3A_235 = arith.constant 16 : index
        %get3A_236 = tpu.vector_load %arg13[%get3A_234, %get3A_235] {strides = array<i32>} : memref<256x64xf32, #tpu.memory_space<vmem>>, vector<1x16xf32>,
        %get3A_237 = vector.shape_cast %get3A_236 : vector<1x16xf32> to vector<16xf32>
        %mul3A_238 = arith.mulf %gather3A_194, %get3A_237 : vector<16xf32>
        %add3A_239 = arith.addf %mul3A_233, %mul3A_238 : vector<16xf32>
        %get3A_240 = arith.index_cast %add3A_206 : i32 to index
        %get3A_241 = arith.constant 16 : index
        %get3A_242 = tpu.vector_load %arg14[%get3A_240, %get3A_241] {strides = array<i32>} : memref<256x64xf32, #tpu.memory_space<vmem>>, vector<1x16xf32>,
        %get3A_243 = vector.shape_cast %get3A_242 : vector<1x16xf32> to vector<16xf32>
        %mul3A_244 = arith.mulf %gather3A_204, %get3A_243 : vector<16xf32>
        %add3A_245 = arith.addf %add3A_239, %mul3A_244 : vector<16xf32>
        %swap3A_246 = arith.index_cast %add3A_206 : i32 to index
        %swap3A_247 = arith.constant 16 : index
        %swap3A_248 = tpu.vector_load %arg12[%swap3A_246, %swap3A_247] {strides = array<i32>} : memref<256x64xf32, #tpu.memory_space<vmem>>, vector<1x16xf32>,
        %swap3A_249 = vector.shape_cast %swap3A_248 : vector<1x16xf32> to vector<16xf32>
        %swap3A_250 = vector.shape_cast %add3A_245 : vector<16xf32> to vector<1x16xf32>
        tpu.vector_store %arg12[%swap3A_246, %swap3A_247], %swap3A_250 {strides = array<i32>} : memref<256x64xf32, #tpu.memory_space<vmem>>, vector<1x16xf32>,
        %get3A_251 = arith.index_cast %add3A_206 : i32 to index
        %get3A_252 = arith.constant 32 : index
        %get3A_253 = tpu.vector_load %arg12[%get3A_251, %get3A_252] {strides = array<i32>} : memref<256x64xf32, #tpu.memory_space<vmem>>, vector<1x16xf32>,
        %get3A_254 = vector.shape_cast %get3A_253 : vector<1x16xf32> to vector<16xf32>
        %mul3A_255 = arith.mulf %gather3A_184, %get3A_254 : vector<16xf32>
        %get3A_256 = arith.index_cast %add3A_206 : i32 to index
        %get3A_257 = arith.constant 32 : index
        %get3A_258 = tpu.vector_load %arg13[%get3A_256, %get3A_257] {strides = array<i32>} : memref<256x64xf32, #tpu.memory_space<vmem>>, vector<1x16xf32>,
        %get3A_259 = vector.shape_cast %get3A_258 : vector<1x16xf32> to vector<16xf32>
        %mul3A_260 = arith.mulf %gather3A_194, %get3A_259 : vector<16xf32>
        %add3A_261 = arith.addf %mul3A_255, %mul3A_260 : vector<16xf32>
        %get3A_262 = arith.index_cast %add3A_206 : i32 to index
        %get3A_263 = arith.constant 32 : index
        %get3A_264 = tpu.vector_load %arg14[%get3A_262, %get3A_263] {strides = array<i32>} : memref<256x64xf32, #tpu.memory_space<vmem>>, vector<1x16xf32>,
        %get3A_265 = vector.shape_cast %get3A_264 : vector<1x16xf32> to vector<16xf32>
        %mul3A_266 = arith.mulf %gather3A_204, %get3A_265 : vector<16xf32>
        %add3A_267 = arith.addf %add3A_261, %mul3A_266 : vector<16xf32>
        %swap3A_268 = arith.index_cast %add3A_206 : i32 to index
        %swap3A_269 = arith.constant 32 : index
        %swap3A_270 = tpu.vector_load %arg12[%swap3A_268, %swap3A_269] {strides = array<i32>} : memref<256x64xf32, #tpu.memory_space<vmem>>, vector<1x16xf32>,
        %swap3A_271 = vector.shape_cast %swap3A_270 : vector<1x16xf32> to vector<16xf32>
        %swap3A_272 = vector.shape_cast %add3A_267 : vector<16xf32> to vector<1x16xf32>
        tpu.vector_store %arg12[%swap3A_268, %swap3A_269], %swap3A_272 {strides = array<i32>} : memref<256x64xf32, #tpu.memory_space<vmem>>, vector<1x16xf32>,
        %get3A_273 = arith.index_cast %add3A_206 : i32 to index
        %get3A_274 = arith.constant 48 : index
        %get3A_275 = tpu.vector_load %arg12[%get3A_273, %get3A_274] {strides = array<i32>} : memref<256x64xf32, #tpu.memory_space<vmem>>, vector<1x16xf32>,
        %get3A_276 = vector.shape_cast %get3A_275 : vector<1x16xf32> to vector<16xf32>
        %mul3A_277 = arith.mulf %gather3A_184, %get3A_276 : vector<16xf32>
        %get3A_278 = arith.index_cast %add3A_206 : i32 to index
        %get3A_279 = arith.constant 48 : index
        %get3A_280 = tpu.vector_load %arg13[%get3A_278, %get3A_279] {strides = array<i32>} : memref<256x64xf32, #tpu.memory_space<vmem>>, vector<1x16xf32>,
        %get3A_281 = vector.shape_cast %get3A_280 : vector<1x16xf32> to vector<16xf32>
        %mul3A_282 = arith.mulf %gather3A_194, %get3A_281 : vector<16xf32>
        %add3A_283 = arith.addf %mul3A_277, %mul3A_282 : vector<16xf32>
        %get3A_284 = arith.index_cast %add3A_206 : i32 to index
        %get3A_285 = arith.constant 48 : index
        %get3A_286 = tpu.vector_load %arg14[%get3A_284, %get3A_285] {strides = array<i32>} : memref<256x64xf32, #tpu.memory_space<vmem>>, vector<1x16xf32>,
        %get3A_287 = vector.shape_cast %get3A_286 : vector<1x16xf32> to vector<16xf32>
        %mul3A_288 = arith.mulf %gather3A_204, %get3A_287 : vector<16xf32>
        %add3A_289 = arith.addf %add3A_283, %mul3A_288 : vector<16xf32>
        %swap3A_290 = arith.index_cast %add3A_206 : i32 to index
        %swap3A_291 = arith.constant 48 : index
        %swap3A_292 = tpu.vector_load %arg12[%swap3A_290, %swap3A_291] {strides = array<i32>} : memref<256x64xf32, #tpu.memory_space<vmem>>, vector<1x16xf32>,
        %swap3A_293 = vector.shape_cast %swap3A_292 : vector<1x16xf32> to vector<16xf32>
        %swap3A_294 = vector.shape_cast %add3A_289 : vector<16xf32> to vector<1x16xf32>
        tpu.vector_store %arg12[%swap3A_290, %swap3A_291], %swap3A_294 {strides = array<i32>} : memref<256x64xf32, #tpu.memory_space<vmem>>, vector<1x16xf32>,
        %broadcast_in_dim3A_295 = arith.constant 2 : i32
        %broadcast_in_dim3A_296 = vector.broadcast %broadcast_in_dim3A_295 : i32 to vector<16xi32>
        %lt3A_297 = arith.constant 0 : i32
        %lt3A_298 = vector.broadcast %lt3A_297 : i32 to vector<16xi32>
        %lt3A_299 = arith.cmpi slt, %broadcast_in_dim3A_296, %lt3A_298 : vector<16xi32>
        %add3A_300 = arith.constant 16 : i32
        %add3A_301 = vector.broadcast %add3A_300 : i32 to vector<16xi32>
        %add3A_302 = arith.addi %broadcast_in_dim3A_296, %add3A_301 : vector<16xi32>
        %select_n3A_303 = arith.select %lt3A_299, %add3A_302, %broadcast_in_dim3A_296 : vector<16xi1>, vector<16xi32>
        %broadcast_in_dim3A_304 = vector.shape_cast %select_n3A_303 : vector<16xi32> to vector<16x1xi32>
        %gather3A_305 = vector.shape_cast %broadcast_in_dim3A_304 : vector<16x1xi32> to vector<16xi32>
        %gather3A_306 = tpu.dynamic_gather %get3A_49[%gather3A_305] in [0] : vector<16xf32>, vector<16xi32> -> vector<16xf32>
        %lt3A_307 = arith.constant 0 : i32
        %lt3A_308 = vector.broadcast %lt3A_307 : i32 to vector<16xi32>
        %lt3A_309 = arith.cmpi slt, %broadcast_in_dim3A_296, %lt3A_308 : vector<16xi32>
        %add3A_310 = arith.constant 16 : i32
        %add3A_311 = vector.broadcast %add3A_310 : i32 to vector<16xi32>
        %add3A_312 = arith.addi %broadcast_in_dim3A_296, %add3A_311 : vector<16xi32>
        %select_n3A_313 = arith.select %lt3A_309, %add3A_312, %broadcast_in_dim3A_296 : vector<16xi1>, vector<16xi32>
        %broadcast_in_dim3A_314 = vector.shape_cast %select_n3A_313 : vector<16xi32> to vector<16x1xi32>
        %gather3A_315 = vector.shape_cast %broadcast_in_dim3A_314 : vector<16x1xi32> to vector<16xi32>
        %gather3A_316 = tpu.dynamic_gather %get3A_52[%gather3A_315] in [0] : vector<16xf32>, vector<16xi32> -> vector<16xf32>
        %lt3A_317 = arith.constant 0 : i32
        %lt3A_318 = vector.broadcast %lt3A_317 : i32 to vector<16xi32>
        %lt3A_319 = arith.cmpi slt, %broadcast_in_dim3A_296, %lt3A_318 : vector<16xi32>
        %add3A_320 = arith.constant 16 : i32
        %add3A_321 = vector.broadcast %add3A_320 : i32 to vector<16xi32>
        %add3A_322 = arith.addi %broadcast_in_dim3A_296, %add3A_321 : vector<16xi32>
        %select_n3A_323 = arith.select %lt3A_319, %add3A_322, %broadcast_in_dim3A_296 : vector<16xi1>, vector<16xi32>
        %broadcast_in_dim3A_324 = vector.shape_cast %select_n3A_323 : vector<16xi32> to vector<16x1xi32>
        %gather3A_325 = vector.shape_cast %broadcast_in_dim3A_324 : vector<16x1xi32> to vector<16xi32>
        %gather3A_326 = tpu.dynamic_gather %get3A_55[%gather3A_325] in [0] : vector<16xf32>, vector<16xi32> -> vector<16xf32>
        %add3A_327 = arith.constant 2 : i32
        %add3A_328 = arith.addi %mul3A_47, %add3A_327 : i32
        %get3A_329 = arith.index_cast %add3A_328 : i32 to index
        %get3A_330 = arith.constant 0 : index
        %get3A_331 = tpu.vector_load %arg12[%get3A_329, %get3A_330] {strides = array<i32>} : memref<256x64xf32, #tpu.memory_space<vmem>>, vector<1x16xf32>,
        %get3A_332 = vector.shape_cast %get3A_331 : vector<1x16xf32> to vector<16xf32>
        %mul3A_333 = arith.mulf %gather3A_306, %get3A_332 : vector<16xf32>
        %get3A_334 = arith.index_cast %add3A_328 : i32 to index
        %get3A_335 = arith.constant 0 : index
        %get3A_336 = tpu.vector_load %arg13[%get3A_334, %get3A_335] {strides = array<i32>} : memref<256x64xf32, #tpu.memory_space<vmem>>, vector<1x16xf32>,
        %get3A_337 = vector.shape_cast %get3A_336 : vector<1x16xf32> to vector<16xf32>
        %mul3A_338 = arith.mulf %gather3A_316, %get3A_337 : vector<16xf32>
        %add3A_339 = arith.addf %mul3A_333, %mul3A_338 : vector<16xf32>
        %get3A_340 = arith.index_cast %add3A_328 : i32 to index
        %get3A_341 = arith.constant 0 : index
        %get3A_342 = tpu.vector_load %arg14[%get3A_340, %get3A_341] {strides = array<i32>} : memref<256x64xf32, #tpu.memory_space<vmem>>, vector<1x16xf32>,
        %get3A_343 = vector.shape_cast %get3A_342 : vector<1x16xf32> to vector<16xf32>
        %mul3A_344 = arith.mulf %gather3A_326, %get3A_343 : vector<16xf32>
        %add3A_345 = arith.addf %add3A_339, %mul3A_344 : vector<16xf32>
        %swap3A_346 = arith.index_cast %add3A_328 : i32 to index
        %swap3A_347 = arith.constant 0 : index
        %swap3A_348 = tpu.vector_load %arg12[%swap3A_346, %swap3A_347] {strides = array<i32>} : memref<256x64xf32, #tpu.memory_space<vmem>>, vector<1x16xf32>,
        %swap3A_349 = vector.shape_cast %swap3A_348 : vector<1x16xf32> to vector<16xf32>
        %swap3A_350 = vector.shape_cast %add3A_345 : vector<16xf32> to vector<1x16xf32>
        tpu.vector_store %arg12[%swap3A_346, %swap3A_347], %swap3A_350 {strides = array<i32>} : memref<256x64xf32, #tpu.memory_space<vmem>>, vector<1x16xf32>,
        %get3A_351 = arith.index_cast %add3A_328 : i32 to index
        %get3A_352 = arith.constant 16 : index
        %get3A_353 = tpu.vector_load %arg12[%get3A_351, %get3A_352] {strides = array<i32>} : memref<256x64xf32, #tpu.memory_space<vmem>>, vector<1x16xf32>,
        %get3A_354 = vector.shape_cast %get3A_353 : vector<1x16xf32> to vector<16xf32>
        %mul3A_355 = arith.mulf %gather3A_306, %get3A_354 : vector<16xf32>
        %get3A_356 = arith.index_cast %add3A_328 : i32 to index
        %get3A_357 = arith.constant 16 : index
        %get3A_358 = tpu.vector_load %arg13[%get3A_356, %get3A_357] {strides = array<i32>} : memref<256x64xf32, #tpu.memory_space<vmem>>, vector<1x16xf32>,
        %get3A_359 = vector.shape_cast %get3A_358 : vector<1x16xf32> to vector<16xf32>
        %mul3A_360 = arith.mulf %gather3A_316, %get3A_359 : vector<16xf32>
        %add3A_361 = arith.addf %mul3A_355, %mul3A_360 : vector<16xf32>
        %get3A_362 = arith.index_cast %add3A_328 : i32 to index
        %get3A_363 = arith.constant 16 : index
        %get3A_364 = tpu.vector_load %arg14[%get3A_362, %get3A_363] {strides = array<i32>} : memref<256x64xf32, #tpu.memory_space<vmem>>, vector<1x16xf32>,
        %get3A_365 = vector.shape_cast %get3A_364 : vector<1x16xf32> to vector<16xf32>
        %mul3A_366 = arith.mulf %gather3A_326, %get3A_365 : vector<16xf32>
        %add3A_367 = arith.addf %add3A_361, %mul3A_366 : vector<16xf32>
        %swap3A_368 = arith.index_cast %add3A_328 : i32 to index
        %swap3A_369 = arith.constant 16 : index
        %swap3A_370 = tpu.vector_load %arg12[%swap3A_368, %swap3A_369] {strides = array<i32>} : memref<256x64xf32, #tpu.memory_space<vmem>>, vector<1x16xf32>,
        %swap3A_371 = vector.shape_cast %swap3A_370 : vector<1x16xf32> to vector<16xf32>
        %swap3A_372 = vector.shape_cast %add3A_367 : vector<16xf32> to vector<1x16xf32>
        tpu.vector_store %arg12[%swap3A_368, %swap3A_369], %swap3A_372 {strides = array<i32>} : memref<256x64xf32, #tpu.memory_space<vmem>>, vector<1x16xf32>,
        %get3A_373 = arith.index_cast %add3A_328 : i32 to index
        %get3A_374 = arith.constant 32 : index
        %get3A_375 = tpu.vector_load %arg12[%get3A_373, %get3A_374] {strides = array<i32>} : memref<256x64xf32, #tpu.memory_space<vmem>>, vector<1x16xf32>,
        %get3A_376 = vector.shape_cast %get3A_375 : vector<1x16xf32> to vector<16xf32>
        %mul3A_377 = arith.mulf %gather3A_306, %get3A_376 : vector<16xf32>
        %get3A_378 = arith.index_cast %add3A_328 : i32 to index
        %get3A_379 = arith.constant 32 : index
        %get3A_380 = tpu.vector_load %arg13[%get3A_378, %get3A_379] {strides = array<i32>} : memref<256x64xf32, #tpu.memory_space<vmem>>, vector<1x16xf32>,
        %get3A_381 = vector.shape_cast %get3A_380 : vector<1x16xf32> to vector<16xf32>
        %mul3A_382 = arith.mulf %gather3A_316, %get3A_381 : vector<16xf32>
        %add3A_383 = arith.addf %mul3A_377, %mul3A_382 : vector<16xf32>
        %get3A_384 = arith.index_cast %add3A_328 : i32 to index
        %get3A_385 = arith.constant 32 : index
        %get3A_386 = tpu.vector_load %arg14[%get3A_384, %get3A_385] {strides = array<i32>} : memref<256x64xf32, #tpu.memory_space<vmem>>, vector<1x16xf32>,
        %get3A_387 = vector.shape_cast %get3A_386 : vector<1x16xf32> to vector<16xf32>
        %mul3A_388 = arith.mulf %gather3A_326, %get3A_387 : vector<16xf32>
        %add3A_389 = arith.addf %add3A_383, %mul3A_388 : vector<16xf32>
        %swap3A_390 = arith.index_cast %add3A_328 : i32 to index
        %swap3A_391 = arith.constant 32 : index
        %swap3A_392 = tpu.vector_load %arg12[%swap3A_390, %swap3A_391] {strides = array<i32>} : memref<256x64xf32, #tpu.memory_space<vmem>>, vector<1x16xf32>,
        %swap3A_393 = vector.shape_cast %swap3A_392 : vector<1x16xf32> to vector<16xf32>
        %swap3A_394 = vector.shape_cast %add3A_389 : vector<16xf32> to vector<1x16xf32>
        tpu.vector_store %arg12[%swap3A_390, %swap3A_391], %swap3A_394 {strides = array<i32>} : memref<256x64xf32, #tpu.memory_space<vmem>>, vector<1x16xf32>,
        %get3A_395 = arith.index_cast %add3A_328 : i32 to index
        %get3A_396 = arith.constant 48 : index
        %get3A_397 = tpu.vector_load %arg12[%get3A_395, %get3A_396] {strides = array<i32>} : memref<256x64xf32, #tpu.memory_space<vmem>>, vector<1x16xf32>,
        %get3A_398 = vector.shape_cast %get3A_397 : vector<1x16xf32> to vector<16xf32>
        %mul3A_399 = arith.mulf %gather3A_306, %get3A_398 : vector<16xf32>
        %get3A_400 = arith.index_cast %add3A_328 : i32 to index
        %get3A_401 = arith.constant 48 : index
        %get3A_402 = tpu.vector_load %arg13[%get3A_400, %get3A_401] {strides = array<i32>} : memref<256x64xf32, #tpu.memory_space<vmem>>, vector<1x16xf32>,
        %get3A_403 = vector.shape_cast %get3A_402 : vector<1x16xf32> to vector<16xf32>
        %mul3A_404 = arith.mulf %gather3A_316, %get3A_403 : vector<16xf32>
        %add3A_405 = arith.addf %mul3A_399, %mul3A_404 : vector<16xf32>
        %get3A_406 = arith.index_cast %add3A_328 : i32 to index
        %get3A_407 = arith.constant 48 : index
        %get3A_408 = tpu.vector_load %arg14[%get3A_406, %get3A_407] {strides = array<i32>} : memref<256x64xf32, #tpu.memory_space<vmem>>, vector<1x16xf32>,
        %get3A_409 = vector.shape_cast %get3A_408 : vector<1x16xf32> to vector<16xf32>
        %mul3A_410 = arith.mulf %gather3A_326, %get3A_409 : vector<16xf32>
        %add3A_411 = arith.addf %add3A_405, %mul3A_410 : vector<16xf32>
        %swap3A_412 = arith.index_cast %add3A_328 : i32 to index
        %swap3A_413 = arith.constant 48 : index
        %swap3A_414 = tpu.vector_load %arg12[%swap3A_412, %swap3A_413] {strides = array<i32>} : memref<256x64xf32, #tpu.memory_space<vmem>>, vector<1x16xf32>,
        %swap3A_415 = vector.shape_cast %swap3A_414 : vector<1x16xf32> to vector<16xf32>
        %swap3A_416 = vector.shape_cast %add3A_411 : vector<16xf32> to vector<1x16xf32>
        tpu.vector_store %arg12[%swap3A_412, %swap3A_413], %swap3A_416 {strides = array<i32>} : memref<256x64xf32, #tpu.memory_space<vmem>>, vector<1x16xf32>,
        %broadcast_in_dim3A_417 = arith.constant 3 : i32
        %broadcast_in_dim3A_418 = vector.broadcast %broadcast_in_dim3A_417 : i32 to vector<16xi32>
        %lt3A_419 = arith.constant 0 : i32
        %lt3A_420 = vector.broadcast %lt3A_419 : i32 to vector<16xi32>
        %lt3A_421 = arith.cmpi slt, %broadcast_in_dim3A_418, %lt3A_420 : vector<16xi32>
        %add3A_422 = arith.constant 16 : i32
        %add3A_423 = vector.broadcast %add3A_422 : i32 to vector<16xi32>
        %add3A_424 = arith.addi %broadcast_in_dim3A_418, %add3A_423 : vector<16xi32>
        %select_n3A_425 = arith.select %lt3A_421, %add3A_424, %broadcast_in_dim3A_418 : vector<16xi1>, vector<16xi32>
        %broadcast_in_dim3A_426 = vector.shape_cast %select_n3A_425 : vector<16xi32> to vector<16x1xi32>
        %gather3A_427 = vector.shape_cast %broadcast_in_dim3A_426 : vector<16x1xi32> to vector<16xi32>
        %gather3A_428 = tpu.dynamic_gather %get3A_49[%gather3A_427] in [0] : vector<16xf32>, vector<16xi32> -> vector<16xf32>
        %lt3A_429 = arith.constant 0 : i32
        %lt3A_430 = vector.broadcast %lt3A_429 : i32 to vector<16xi32>
        %lt3A_431 = arith.cmpi slt, %broadcast_in_dim3A_418, %lt3A_430 : vector<16xi32>
        %add3A_432 = arith.constant 16 : i32
        %add3A_433 = vector.broadcast %add3A_432 : i32 to vector<16xi32>
        %add3A_434 = arith.addi %broadcast_in_dim3A_418, %add3A_433 : vector<16xi32>
        %select_n3A_435 = arith.select %lt3A_431, %add3A_434, %broadcast_in_dim3A_418 : vector<16xi1>, vector<16xi32>
        %broadcast_in_dim3A_436 = vector.shape_cast %select_n3A_435 : vector<16xi32> to vector<16x1xi32>
        %gather3A_437 = vector.shape_cast %broadcast_in_dim3A_436 : vector<16x1xi32> to vector<16xi32>
        %gather3A_438 = tpu.dynamic_gather %get3A_52[%gather3A_437] in [0] : vector<16xf32>, vector<16xi32> -> vector<16xf32>
        %lt3A_439 = arith.constant 0 : i32
        %lt3A_440 = vector.broadcast %lt3A_439 : i32 to vector<16xi32>
        %lt3A_441 = arith.cmpi slt, %broadcast_in_dim3A_418, %lt3A_440 : vector<16xi32>
        %add3A_442 = arith.constant 16 : i32
        %add3A_443 = vector.broadcast %add3A_442 : i32 to vector<16xi32>
        %add3A_444 = arith.addi %broadcast_in_dim3A_418, %add3A_443 : vector<16xi32>
        %select_n3A_445 = arith.select %lt3A_441, %add3A_444, %broadcast_in_dim3A_418 : vector<16xi1>, vector<16xi32>
        %broadcast_in_dim3A_446 = vector.shape_cast %select_n3A_445 : vector<16xi32> to vector<16x1xi32>
        %gather3A_447 = vector.shape_cast %broadcast_in_dim3A_446 : vector<16x1xi32> to vector<16xi32>
        %gather3A_448 = tpu.dynamic_gather %get3A_55[%gather3A_447] in [0] : vector<16xf32>, vector<16xi32> -> vector<16xf32>
        %add3A_449 = arith.constant 3 : i32
        %add3A_450 = arith.addi %mul3A_47, %add3A_449 : i32
        %get3A_451 = arith.index_cast %add3A_450 : i32 to index
        %get3A_452 = arith.constant 0 : index
        %get3A_453 = tpu.vector_load %arg12[%get3A_451, %get3A_452] {strides = array<i32>} : memref<256x64xf32, #tpu.memory_space<vmem>>, vector<1x16xf32>,
        %get3A_454 = vector.shape_cast %get3A_453 : vector<1x16xf32> to vector<16xf32>
        %mul3A_455 = arith.mulf %gather3A_428, %get3A_454 : vector<16xf32>
        %get3A_456 = arith.index_cast %add3A_450 : i32 to index
        %get3A_457 = arith.constant 0 : index
        %get3A_458 = tpu.vector_load %arg13[%get3A_456, %get3A_457] {strides = array<i32>} : memref<256x64xf32, #tpu.memory_space<vmem>>, vector<1x16xf32>,
        %get3A_459 = vector.shape_cast %get3A_458 : vector<1x16xf32> to vector<16xf32>
        %mul3A_460 = arith.mulf %gather3A_438, %get3A_459 : vector<16xf32>
        %add3A_461 = arith.addf %mul3A_455, %mul3A_460 : vector<16xf32>
        %get3A_462 = arith.index_cast %add3A_450 : i32 to index
        %get3A_463 = arith.constant 0 : index
        %get3A_464 = tpu.vector_load %arg14[%get3A_462, %get3A_463] {strides = array<i32>} : memref<256x64xf32, #tpu.memory_space<vmem>>, vector<1x16xf32>,
        %get3A_465 = vector.shape_cast %get3A_464 : vector<1x16xf32> to vector<16xf32>
        %mul3A_466 = arith.mulf %gather3A_448, %get3A_465 : vector<16xf32>
        %add3A_467 = arith.addf %add3A_461, %mul3A_466 : vector<16xf32>
        %swap3A_468 = arith.index_cast %add3A_450 : i32 to index
        %swap3A_469 = arith.constant 0 : index
        %swap3A_470 = tpu.vector_load %arg12[%swap3A_468, %swap3A_469] {strides = array<i32>} : memref<256x64xf32, #tpu.memory_space<vmem>>, vector<1x16xf32>,
        %swap3A_471 = vector.shape_cast %swap3A_470 : vector<1x16xf32> to vector<16xf32>
        %swap3A_472 = vector.shape_cast %add3A_467 : vector<16xf32> to vector<1x16xf32>
        tpu.vector_store %arg12[%swap3A_468, %swap3A_469], %swap3A_472 {strides = array<i32>} : memref<256x64xf32, #tpu.memory_space<vmem>>, vector<1x16xf32>,
        %get3A_473 = arith.index_cast %add3A_450 : i32 to index
        %get3A_474 = arith.constant 16 : index
        %get3A_475 = tpu.vector_load %arg12[%get3A_473, %get3A_474] {strides = array<i32>} : memref<256x64xf32, #tpu.memory_space<vmem>>, vector<1x16xf32>,
        %get3A_476 = vector.shape_cast %get3A_475 : vector<1x16xf32> to vector<16xf32>
        %mul3A_477 = arith.mulf %gather3A_428, %get3A_476 : vector<16xf32>
        %get3A_478 = arith.index_cast %add3A_450 : i32 to index
        %get3A_479 = arith.constant 16 : index
        %get3A_480 = tpu.vector_load %arg13[%get3A_478, %get3A_479] {strides = array<i32>} : memref<256x64xf32, #tpu.memory_space<vmem>>, vector<1x16xf32>,
        %get3A_481 = vector.shape_cast %get3A_480 : vector<1x16xf32> to vector<16xf32>
        %mul3A_482 = arith.mulf %gather3A_438, %get3A_481 : vector<16xf32>
        %add3A_483 = arith.addf %mul3A_477, %mul3A_482 : vector<16xf32>
        %get3A_484 = arith.index_cast %add3A_450 : i32 to index
        %get3A_485 = arith.constant 16 : index
        %get3A_486 = tpu.vector_load %arg14[%get3A_484, %get3A_485] {strides = array<i32>} : memref<256x64xf32, #tpu.memory_space<vmem>>, vector<1x16xf32>,
        %get3A_487 = vector.shape_cast %get3A_486 : vector<1x16xf32> to vector<16xf32>
        %mul3A_488 = arith.mulf %gather3A_448, %get3A_487 : vector<16xf32>
        %add3A_489 = arith.addf %add3A_483, %mul3A_488 : vector<16xf32>
        %swap3A_490 = arith.index_cast %add3A_450 : i32 to index
        %swap3A_491 = arith.constant 16 : index
        %swap3A_492 = tpu.vector_load %arg12[%swap3A_490, %swap3A_491] {strides = array<i32>} : memref<256x64xf32, #tpu.memory_space<vmem>>, vector<1x16xf32>,
        %swap3A_493 = vector.shape_cast %swap3A_492 : vector<1x16xf32> to vector<16xf32>
        %swap3A_494 = vector.shape_cast %add3A_489 : vector<16xf32> to vector<1x16xf32>
        tpu.vector_store %arg12[%swap3A_490, %swap3A_491], %swap3A_494 {strides = array<i32>} : memref<256x64xf32, #tpu.memory_space<vmem>>, vector<1x16xf32>,
        %get3A_495 = arith.index_cast %add3A_450 : i32 to index
        %get3A_496 = arith.constant 32 : index
        %get3A_497 = tpu.vector_load %arg12[%get3A_495, %get3A_496] {strides = array<i32>} : memref<256x64xf32, #tpu.memory_space<vmem>>, vector<1x16xf32>,
        %get3A_498 = vector.shape_cast %get3A_497 : vector<1x16xf32> to vector<16xf32>
        %mul3A_499 = arith.mulf %gather3A_428, %get3A_498 : vector<16xf32>
        %get3A_500 = arith.index_cast %add3A_450 : i32 to index
        %get3A_501 = arith.constant 32 : index
        %get3A_502 = tpu.vector_load %arg13[%get3A_500, %get3A_501] {strides = array<i32>} : memref<256x64xf32, #tpu.memory_space<vmem>>, vector<1x16xf32>,
        %get3A_503 = vector.shape_cast %get3A_502 : vector<1x16xf32> to vector<16xf32>
        %mul3A_504 = arith.mulf %gather3A_438, %get3A_503 : vector<16xf32>
        %add3A_505 = arith.addf %mul3A_499, %mul3A_504 : vector<16xf32>
        %get3A_506 = arith.index_cast %add3A_450 : i32 to index
        %get3A_507 = arith.constant 32 : index
        %get3A_508 = tpu.vector_load %arg14[%get3A_506, %get3A_507] {strides = array<i32>} : memref<256x64xf32, #tpu.memory_space<vmem>>, vector<1x16xf32>,
        %get3A_509 = vector.shape_cast %get3A_508 : vector<1x16xf32> to vector<16xf32>
        %mul3A_510 = arith.mulf %gather3A_448, %get3A_509 : vector<16xf32>
        %add3A_511 = arith.addf %add3A_505, %mul3A_510 : vector<16xf32>
        %swap3A_512 = arith.index_cast %add3A_450 : i32 to index
        %swap3A_513 = arith.constant 32 : index
        %swap3A_514 = tpu.vector_load %arg12[%swap3A_512, %swap3A_513] {strides = array<i32>} : memref<256x64xf32, #tpu.memory_space<vmem>>, vector<1x16xf32>,
        %swap3A_515 = vector.shape_cast %swap3A_514 : vector<1x16xf32> to vector<16xf32>
        %swap3A_516 = vector.shape_cast %add3A_511 : vector<16xf32> to vector<1x16xf32>
        tpu.vector_store %arg12[%swap3A_512, %swap3A_513], %swap3A_516 {strides = array<i32>} : memref<256x64xf32, #tpu.memory_space<vmem>>, vector<1x16xf32>,
        %get3A_517 = arith.index_cast %add3A_450 : i32 to index
        %get3A_518 = arith.constant 48 : index
        %get3A_519 = tpu.vector_load %arg12[%get3A_517, %get3A_518] {strides = array<i32>} : memref<256x64xf32, #tpu.memory_space<vmem>>, vector<1x16xf32>,
        %get3A_520 = vector.shape_cast %get3A_519 : vector<1x16xf32> to vector<16xf32>
        %mul3A_521 = arith.mulf %gather3A_428, %get3A_520 : vector<16xf32>
        %get3A_522 = arith.index_cast %add3A_450 : i32 to index
        %get3A_523 = arith.constant 48 : index
        %get3A_524 = tpu.vector_load %arg13[%get3A_522, %get3A_523] {strides = array<i32>} : memref<256x64xf32, #tpu.memory_space<vmem>>, vector<1x16xf32>,
        %get3A_525 = vector.shape_cast %get3A_524 : vector<1x16xf32> to vector<16xf32>
        %mul3A_526 = arith.mulf %gather3A_438, %get3A_525 : vector<16xf32>
        %add3A_527 = arith.addf %mul3A_521, %mul3A_526 : vector<16xf32>
        %get3A_528 = arith.index_cast %add3A_450 : i32 to index
        %get3A_529 = arith.constant 48 : index
        %get3A_530 = tpu.vector_load %arg14[%get3A_528, %get3A_529] {strides = array<i32>} : memref<256x64xf32, #tpu.memory_space<vmem>>, vector<1x16xf32>,
        %get3A_531 = vector.shape_cast %get3A_530 : vector<1x16xf32> to vector<16xf32>
        %mul3A_532 = arith.mulf %gather3A_448, %get3A_531 : vector<16xf32>
        %add3A_533 = arith.addf %add3A_527, %mul3A_532 : vector<16xf32>
        %swap3A_534 = arith.index_cast %add3A_450 : i32 to index
        %swap3A_535 = arith.constant 48 : index
        %swap3A_536 = tpu.vector_load %arg12[%swap3A_534, %swap3A_535] {strides = array<i32>} : memref<256x64xf32, #tpu.memory_space<vmem>>, vector<1x16xf32>,
        %swap3A_537 = vector.shape_cast %swap3A_536 : vector<1x16xf32> to vector<16xf32>
        %swap3A_538 = vector.shape_cast %add3A_533 : vector<16xf32> to vector<1x16xf32>
        tpu.vector_store %arg12[%swap3A_534, %swap3A_535], %swap3A_538 {strides = array<i32>} : memref<256x64xf32, #tpu.memory_space<vmem>>, vector<1x16xf32>,
        %broadcast_in_dim3A_539 = arith.constant 4 : i32
        %broadcast_in_dim3A_540 = vector.broadcast %broadcast_in_dim3A_539 : i32 to vector<16xi32>
        %lt3A_541 = arith.constant 0 : i32
        %lt3A_542 = vector.broadcast %lt3A_541 : i32 to vector<16xi32>
        %lt3A_543 = arith.cmpi slt, %broadcast_in_dim3A_540, %lt3A_542 : vector<16xi32>
        %add3A_544 = arith.constant 16 : i32
        %add3A_545 = vector.broadcast %add3A_544 : i32 to vector<16xi32>
        %add3A_546 = arith.addi %broadcast_in_dim3A_540, %add3A_545 : vector<16xi32>
        %select_n3A_547 = arith.select %lt3A_543, %add3A_546, %broadcast_in_dim3A_540 : vector<16xi1>, vector<16xi32>
        %broadcast_in_dim3A_548 = vector.shape_cast %select_n3A_547 : vector<16xi32> to vector<16x1xi32>
        %gather3A_549 = vector.shape_cast %broadcast_in_dim3A_548 : vector<16x1xi32> to vector<16xi32>
        %gather3A_550 = tpu.dynamic_gather %get3A_49[%gather3A_549] in [0] : vector<16xf32>, vector<16xi32> -> vector<16xf32>
        %lt3A_551 = arith.constant 0 : i32
        %lt3A_552 = vector.broadcast %lt3A_551 : i32 to vector<16xi32>
        %lt3A_553 = arith.cmpi slt, %broadcast_in_dim3A_540, %lt3A_552 : vector<16xi32>
        %add3A_554 = arith.constant 16 : i32
        %add3A_555 = vector.broadcast %add3A_554 : i32 to vector<16xi32>
        %add3A_556 = arith.addi %broadcast_in_dim3A_540, %add3A_555 : vector<16xi32>
        %select_n3A_557 = arith.select %lt3A_553, %add3A_556, %broadcast_in_dim3A_540 : vector<16xi1>, vector<16xi32>
        %broadcast_in_dim3A_558 = vector.shape_cast %select_n3A_557 : vector<16xi32> to vector<16x1xi32>
        %gather3A_559 = vector.shape_cast %broadcast_in_dim3A_558 : vector<16x1xi32> to vector<16xi32>
        %gather3A_560 = tpu.dynamic_gather %get3A_52[%gather3A_559] in [0] : vector<16xf32>, vector<16xi32> -> vector<16xf32>
        %lt3A_561 = arith.constant 0 : i32
        %lt3A_562 = vector.broadcast %lt3A_561 : i32 to vector<16xi32>
        %lt3A_563 = arith.cmpi slt, %broadcast_in_dim3A_540, %lt3A_562 : vector<16xi32>
        %add3A_564 = arith.constant 16 : i32
        %add3A_565 = vector.broadcast %add3A_564 : i32 to vector<16xi32>
        %add3A_566 = arith.addi %broadcast_in_dim3A_540, %add3A_565 : vector<16xi32>
        %select_n3A_567 = arith.select %lt3A_563, %add3A_566, %broadcast_in_dim3A_540 : vector<16xi1>, vector<16xi32>
        %broadcast_in_dim3A_568 = vector.shape_cast %select_n3A_567 : vector<16xi32> to vector<16x1xi32>
        %gather3A_569 = vector.shape_cast %broadcast_in_dim3A_568 : vector<16x1xi32> to vector<16xi32>
        %gather3A_570 = tpu.dynamic_gather %get3A_55[%gather3A_569] in [0] : vector<16xf32>, vector<16xi32> -> vector<16xf32>
        %add3A_571 = arith.constant 4 : i32
        %add3A_572 = arith.addi %mul3A_47, %add3A_571 : i32
        %get3A_573 = arith.index_cast %add3A_572 : i32 to index
        %get3A_574 = arith.constant 0 : index
        %get3A_575 = tpu.vector_load %arg12[%get3A_573, %get3A_574] {strides = array<i32>} : memref<256x64xf32, #tpu.memory_space<vmem>>, vector<1x16xf32>,
        %get3A_576 = vector.shape_cast %get3A_575 : vector<1x16xf32> to vector<16xf32>
        %mul3A_577 = arith.mulf %gather3A_550, %get3A_576 : vector<16xf32>
        %get3A_578 = arith.index_cast %add3A_572 : i32 to index
        %get3A_579 = arith.constant 0 : index
        %get3A_580 = tpu.vector_load %arg13[%get3A_578, %get3A_579] {strides = array<i32>} : memref<256x64xf32, #tpu.memory_space<vmem>>, vector<1x16xf32>,
        %get3A_581 = vector.shape_cast %get3A_580 : vector<1x16xf32> to vector<16xf32>
        %mul3A_582 = arith.mulf %gather3A_560, %get3A_581 : vector<16xf32>
        %add3A_583 = arith.addf %mul3A_577, %mul3A_582 : vector<16xf32>
        %get3A_584 = arith.index_cast %add3A_572 : i32 to index
        %get3A_585 = arith.constant 0 : index
        %get3A_586 = tpu.vector_load %arg14[%get3A_584, %get3A_585] {strides = array<i32>} : memref<256x64xf32, #tpu.memory_space<vmem>>, vector<1x16xf32>,
        %get3A_587 = vector.shape_cast %get3A_586 : vector<1x16xf32> to vector<16xf32>
        %mul3A_588 = arith.mulf %gather3A_570, %get3A_587 : vector<16xf32>
        %add3A_589 = arith.addf %add3A_583, %mul3A_588 : vector<16xf32>
        %swap3A_590 = arith.index_cast %add3A_572 : i32 to index
        %swap3A_591 = arith.constant 0 : index
        %swap3A_592 = tpu.vector_load %arg12[%swap3A_590, %swap3A_591] {strides = array<i32>} : memref<256x64xf32, #tpu.memory_space<vmem>>, vector<1x16xf32>,
        %swap3A_593 = vector.shape_cast %swap3A_592 : vector<1x16xf32> to vector<16xf32>
        %swap3A_594 = vector.shape_cast %add3A_589 : vector<16xf32> to vector<1x16xf32>
        tpu.vector_store %arg12[%swap3A_590, %swap3A_591], %swap3A_594 {strides = array<i32>} : memref<256x64xf32, #tpu.memory_space<vmem>>, vector<1x16xf32>,
        %get3A_595 = arith.index_cast %add3A_572 : i32 to index
        %get3A_596 = arith.constant 16 : index
        %get3A_597 = tpu.vector_load %arg12[%get3A_595, %get3A_596] {strides = array<i32>} : memref<256x64xf32, #tpu.memory_space<vmem>>, vector<1x16xf32>,
        %get3A_598 = vector.shape_cast %get3A_597 : vector<1x16xf32> to vector<16xf32>
        %mul3A_599 = arith.mulf %gather3A_550, %get3A_598 : vector<16xf32>
        %get3A_600 = arith.index_cast %add3A_572 : i32 to index
        %get3A_601 = arith.constant 16 : index
        %get3A_602 = tpu.vector_load %arg13[%get3A_600, %get3A_601] {strides = array<i32>} : memref<256x64xf32, #tpu.memory_space<vmem>>, vector<1x16xf32>,
        %get3A_603 = vector.shape_cast %get3A_602 : vector<1x16xf32> to vector<16xf32>
        %mul3A_604 = arith.mulf %gather3A_560, %get3A_603 : vector<16xf32>
        %add3A_605 = arith.addf %mul3A_599, %mul3A_604 : vector<16xf32>
        %get3A_606 = arith.index_cast %add3A_572 : i32 to index
        %get3A_607 = arith.constant 16 : index
        %get3A_608 = tpu.vector_load %arg14[%get3A_606, %get3A_607] {strides = array<i32>} : memref<256x64xf32, #tpu.memory_space<vmem>>, vector<1x16xf32>,
        %get3A_609 = vector.shape_cast %get3A_608 : vector<1x16xf32> to vector<16xf32>
        %mul3A_610 = arith.mulf %gather3A_570, %get3A_609 : vector<16xf32>
        %add3A_611 = arith.addf %add3A_605, %mul3A_610 : vector<16xf32>
        %swap3A_612 = arith.index_cast %add3A_572 : i32 to index
        %swap3A_613 = arith.constant 16 : index
        %swap3A_614 = tpu.vector_load %arg12[%swap3A_612, %swap3A_613] {strides = array<i32>} : memref<256x64xf32, #tpu.memory_space<vmem>>, vector<1x16xf32>,
        %swap3A_615 = vector.shape_cast %swap3A_614 : vector<1x16xf32> to vector<16xf32>
        %swap3A_616 = vector.shape_cast %add3A_611 : vector<16xf32> to vector<1x16xf32>
        tpu.vector_store %arg12[%swap3A_612, %swap3A_613], %swap3A_616 {strides = array<i32>} : memref<256x64xf32, #tpu.memory_space<vmem>>, vector<1x16xf32>,
        %get3A_617 = arith.index_cast %add3A_572 : i32 to index
        %get3A_618 = arith.constant 32 : index
        %get3A_619 = tpu.vector_load %arg12[%get3A_617, %get3A_618] {strides = array<i32>} : memref<256x64xf32, #tpu.memory_space<vmem>>, vector<1x16xf32>,
        %get3A_620 = vector.shape_cast %get3A_619 : vector<1x16xf32> to vector<16xf32>
        %mul3A_621 = arith.mulf %gather3A_550, %get3A_620 : vector<16xf32>
        %get3A_622 = arith.index_cast %add3A_572 : i32 to index
        %get3A_623 = arith.constant 32 : index
        %get3A_624 = tpu.vector_load %arg13[%get3A_622, %get3A_623] {strides = array<i32>} : memref<256x64xf32, #tpu.memory_space<vmem>>, vector<1x16xf32>,
        %get3A_625 = vector.shape_cast %get3A_624 : vector<1x16xf32> to vector<16xf32>
        %mul3A_626 = arith.mulf %gather3A_560, %get3A_625 : vector<16xf32>
        %add3A_627 = arith.addf %mul3A_621, %mul3A_626 : vector<16xf32>
        %get3A_628 = arith.index_cast %add3A_572 : i32 to index
        %get3A_629 = arith.constant 32 : index
        %get3A_630 = tpu.vector_load %arg14[%get3A_628, %get3A_629] {strides = array<i32>} : memref<256x64xf32, #tpu.memory_space<vmem>>, vector<1x16xf32>,
        %get3A_631 = vector.shape_cast %get3A_630 : vector<1x16xf32> to vector<16xf32>
        %mul3A_632 = arith.mulf %gather3A_570, %get3A_631 : vector<16xf32>
        %add3A_633 = arith.addf %add3A_627, %mul3A_632 : vector<16xf32>
        %swap3A_634 = arith.index_cast %add3A_572 : i32 to index
        %swap3A_635 = arith.constant 32 : index
        %swap3A_636 = tpu.vector_load %arg12[%swap3A_634, %swap3A_635] {strides = array<i32>} : memref<256x64xf32, #tpu.memory_space<vmem>>, vector<1x16xf32>,
        %swap3A_637 = vector.shape_cast %swap3A_636 : vector<1x16xf32> to vector<16xf32>
        %swap3A_638 = vector.shape_cast %add3A_633 : vector<16xf32> to vector<1x16xf32>
        tpu.vector_store %arg12[%swap3A_634, %swap3A_635], %swap3A_638 {strides = array<i32>} : memref<256x64xf32, #tpu.memory_space<vmem>>, vector<1x16xf32>,
        %get3A_639 = arith.index_cast %add3A_572 : i32 to index
        %get3A_640 = arith.constant 48 : index
        %get3A_641 = tpu.vector_load %arg12[%get3A_639, %get3A_640] {strides = array<i32>} : memref<256x64xf32, #tpu.memory_space<vmem>>, vector<1x16xf32>,
        %get3A_642 = vector.shape_cast %get3A_641 : vector<1x16xf32> to vector<16xf32>
        %mul3A_643 = arith.mulf %gather3A_550, %get3A_642 : vector<16xf32>
        %get3A_644 = arith.index_cast %add3A_572 : i32 to index
        %get3A_645 = arith.constant 48 : index
        %get3A_646 = tpu.vector_load %arg13[%get3A_644, %get3A_645] {strides = array<i32>} : memref<256x64xf32, #tpu.memory_space<vmem>>, vector<1x16xf32>,
        %get3A_647 = vector.shape_cast %get3A_646 : vector<1x16xf32> to vector<16xf32>
        %mul3A_648 = arith.mulf %gather3A_560, %get3A_647 : vector<16xf32>
        %add3A_649 = arith.addf %mul3A_643, %mul3A_648 : vector<16xf32>
        %get3A_650 = arith.index_cast %add3A_572 : i32 to index
        %get3A_651 = arith.constant 48 : index
        %get3A_652 = tpu.vector_load %arg14[%get3A_650, %get3A_651] {strides = array<i32>} : memref<256x64xf32, #tpu.memory_space<vmem>>, vector<1x16xf32>,
        %get3A_653 = vector.shape_cast %get3A_652 : vector<1x16xf32> to vector<16xf32>
        %mul3A_654 = arith.mulf %gather3A_570, %get3A_653 : vector<16xf32>
        %add3A_655 = arith.addf %add3A_649, %mul3A_654 : vector<16xf32>
        %swap3A_656 = arith.index_cast %add3A_572 : i32 to index
        %swap3A_657 = arith.constant 48 : index
        %swap3A_658 = tpu.vector_load %arg12[%swap3A_656, %swap3A_657] {strides = array<i32>} : memref<256x64xf32, #tpu.memory_space<vmem>>, vector<1x16xf32>,
        %swap3A_659 = vector.shape_cast %swap3A_658 : vector<1x16xf32> to vector<16xf32>
        %swap3A_660 = vector.shape_cast %add3A_655 : vector<16xf32> to vector<1x16xf32>
        tpu.vector_store %arg12[%swap3A_656, %swap3A_657], %swap3A_660 {strides = array<i32>} : memref<256x64xf32, #tpu.memory_space<vmem>>, vector<1x16xf32>,
        %broadcast_in_dim3A_661 = arith.constant 5 : i32
        %broadcast_in_dim3A_662 = vector.broadcast %broadcast_in_dim3A_661 : i32 to vector<16xi32>
        %lt3A_663 = arith.constant 0 : i32
        %lt3A_664 = vector.broadcast %lt3A_663 : i32 to vector<16xi32>
        %lt3A_665 = arith.cmpi slt, %broadcast_in_dim3A_662, %lt3A_664 : vector<16xi32>
        %add3A_666 = arith.constant 16 : i32
        %add3A_667 = vector.broadcast %add3A_666 : i32 to vector<16xi32>
        %add3A_668 = arith.addi %broadcast_in_dim3A_662, %add3A_667 : vector<16xi32>
        %select_n3A_669 = arith.select %lt3A_665, %add3A_668, %broadcast_in_dim3A_662 : vector<16xi1>, vector<16xi32>
        %broadcast_in_dim3A_670 = vector.shape_cast %select_n3A_669 : vector<16xi32> to vector<16x1xi32>
        %gather3A_671 = vector.shape_cast %broadcast_in_dim3A_670 : vector<16x1xi32> to vector<16xi32>
        %gather3A_672 = tpu.dynamic_gather %get3A_49[%gather3A_671] in [0] : vector<16xf32>, vector<16xi32> -> vector<16xf32>
        %lt3A_673 = arith.constant 0 : i32
        %lt3A_674 = vector.broadcast %lt3A_673 : i32 to vector<16xi32>
        %lt3A_675 = arith.cmpi slt, %broadcast_in_dim3A_662, %lt3A_674 : vector<16xi32>
        %add3A_676 = arith.constant 16 : i32
        %add3A_677 = vector.broadcast %add3A_676 : i32 to vector<16xi32>
        %add3A_678 = arith.addi %broadcast_in_dim3A_662, %add3A_677 : vector<16xi32>
        %select_n3A_679 = arith.select %lt3A_675, %add3A_678, %broadcast_in_dim3A_662 : vector<16xi1>, vector<16xi32>
        %broadcast_in_dim3A_680 = vector.shape_cast %select_n3A_679 : vector<16xi32> to vector<16x1xi32>
        %gather3A_681 = vector.shape_cast %broadcast_in_dim3A_680 : vector<16x1xi32> to vector<16xi32>
        %gather3A_682 = tpu.dynamic_gather %get3A_52[%gather3A_681] in [0] : vector<16xf32>, vector<16xi32> -> vector<16xf32>
        %lt3A_683 = arith.constant 0 : i32
        %lt3A_684 = vector.broadcast %lt3A_683 : i32 to vector<16xi32>
        %lt3A_685 = arith.cmpi slt, %broadcast_in_dim3A_662, %lt3A_684 : vector<16xi32>
        %add3A_686 = arith.constant 16 : i32
        %add3A_687 = vector.broadcast %add3A_686 : i32 to vector<16xi32>
        %add3A_688 = arith.addi %broadcast_in_dim3A_662, %add3A_687 : vector<16xi32>
        %select_n3A_689 = arith.select %lt3A_685, %add3A_688, %broadcast_in_dim3A_662 : vector<16xi1>, vector<16xi32>
        %broadcast_in_dim3A_690 = vector.shape_cast %select_n3A_689 : vector<16xi32> to vector<16x1xi32>
        %gather3A_691 = vector.shape_cast %broadcast_in_dim3A_690 : vector<16x1xi32> to vector<16xi32>
        %gather3A_692 = tpu.dynamic_gather %get3A_55[%gather3A_691] in [0] : vector<16xf32>, vector<16xi32> -> vector<16xf32>
        %add3A_693 = arith.constant 5 : i32
        %add3A_694 = arith.addi %mul3A_47, %add3A_693 : i32
        %get3A_695 = arith.index_cast %add3A_694 : i32 to index
        %get3A_696 = arith.constant 0 : index
        %get3A_697 = tpu.vector_load %arg12[%get3A_695, %get3A_696] {strides = array<i32>} : memref<256x64xf32, #tpu.memory_space<vmem>>, vector<1x16xf32>,
        %get3A_698 = vector.shape_cast %get3A_697 : vector<1x16xf32> to vector<16xf32>
        %mul3A_699 = arith.mulf %gather3A_672, %get3A_698 : vector<16xf32>
        %get3A_700 = arith.index_cast %add3A_694 : i32 to index
        %get3A_701 = arith.constant 0 : index
        %get3A_702 = tpu.vector_load %arg13[%get3A_700, %get3A_701] {strides = array<i32>} : memref<256x64xf32, #tpu.memory_space<vmem>>, vector<1x16xf32>,
        %get3A_703 = vector.shape_cast %get3A_702 : vector<1x16xf32> to vector<16xf32>
        %mul3A_704 = arith.mulf %gather3A_682, %get3A_703 : vector<16xf32>
        %add3A_705 = arith.addf %mul3A_699, %mul3A_704 : vector<16xf32>
        %get3A_706 = arith.index_cast %add3A_694 : i32 to index
        %get3A_707 = arith.constant 0 : index
        %get3A_708 = tpu.vector_load %arg14[%get3A_706, %get3A_707] {strides = array<i32>} : memref<256x64xf32, #tpu.memory_space<vmem>>, vector<1x16xf32>,
        %get3A_709 = vector.shape_cast %get3A_708 : vector<1x16xf32> to vector<16xf32>
        %mul3A_710 = arith.mulf %gather3A_692, %get3A_709 : vector<16xf32>
        %add3A_711 = arith.addf %add3A_705, %mul3A_710 : vector<16xf32>
        %swap3A_712 = arith.index_cast %add3A_694 : i32 to index
        %swap3A_713 = arith.constant 0 : index
        %swap3A_714 = tpu.vector_load %arg12[%swap3A_712, %swap3A_713] {strides = array<i32>} : memref<256x64xf32, #tpu.memory_space<vmem>>, vector<1x16xf32>,
        %swap3A_715 = vector.shape_cast %swap3A_714 : vector<1x16xf32> to vector<16xf32>
        %swap3A_716 = vector.shape_cast %add3A_711 : vector<16xf32> to vector<1x16xf32>
        tpu.vector_store %arg12[%swap3A_712, %swap3A_713], %swap3A_716 {strides = array<i32>} : memref<256x64xf32, #tpu.memory_space<vmem>>, vector<1x16xf32>,
        %get3A_717 = arith.index_cast %add3A_694 : i32 to index
        %get3A_718 = arith.constant 16 : index
        %get3A_719 = tpu.vector_load %arg12[%get3A_717, %get3A_718] {strides = array<i32>} : memref<256x64xf32, #tpu.memory_space<vmem>>, vector<1x16xf32>,
        %get3A_720 = vector.shape_cast %get3A_719 : vector<1x16xf32> to vector<16xf32>
        %mul3A_721 = arith.mulf %gather3A_672, %get3A_720 : vector<16xf32>
        %get3A_722 = arith.index_cast %add3A_694 : i32 to index
        %get3A_723 = arith.constant 16 : index
        %get3A_724 = tpu.vector_load %arg13[%get3A_722, %get3A_723] {strides = array<i32>} : memref<256x64xf32, #tpu.memory_space<vmem>>, vector<1x16xf32>,
        %get3A_725 = vector.shape_cast %get3A_724 : vector<1x16xf32> to vector<16xf32>
        %mul3A_726 = arith.mulf %gather3A_682, %get3A_725 : vector<16xf32>
        %add3A_727 = arith.addf %mul3A_721, %mul3A_726 : vector<16xf32>
        %get3A_728 = arith.index_cast %add3A_694 : i32 to index
        %get3A_729 = arith.constant 16 : index
        %get3A_730 = tpu.vector_load %arg14[%get3A_728, %get3A_729] {strides = array<i32>} : memref<256x64xf32, #tpu.memory_space<vmem>>, vector<1x16xf32>,
        %get3A_731 = vector.shape_cast %get3A_730 : vector<1x16xf32> to vector<16xf32>
        %mul3A_732 = arith.mulf %gather3A_692, %get3A_731 : vector<16xf32>
        %add3A_733 = arith.addf %add3A_727, %mul3A_732 : vector<16xf32>
        %swap3A_734 = arith.index_cast %add3A_694 : i32 to index
        %swap3A_735 = arith.constant 16 : index
        %swap3A_736 = tpu.vector_load %arg12[%swap3A_734, %swap3A_735] {strides = array<i32>} : memref<256x64xf32, #tpu.memory_space<vmem>>, vector<1x16xf32>,
        %swap3A_737 = vector.shape_cast %swap3A_736 : vector<1x16xf32> to vector<16xf32>
        %swap3A_738 = vector.shape_cast %add3A_733 : vector<16xf32> to vector<1x16xf32>
        tpu.vector_store %arg12[%swap3A_734, %swap3A_735], %swap3A_738 {strides = array<i32>} : memref<256x64xf32, #tpu.memory_space<vmem>>, vector<1x16xf32>,
        %get3A_739 = arith.index_cast %add3A_694 : i32 to index
        %get3A_740 = arith.constant 32 : index
        %get3A_741 = tpu.vector_load %arg12[%get3A_739, %get3A_740] {strides = array<i32>} : memref<256x64xf32, #tpu.memory_space<vmem>>, vector<1x16xf32>,
        %get3A_742 = vector.shape_cast %get3A_741 : vector<1x16xf32> to vector<16xf32>
        %mul3A_743 = arith.mulf %gather3A_672, %get3A_742 : vector<16xf32>
        %get3A_744 = arith.index_cast %add3A_694 : i32 to index
        %get3A_745 = arith.constant 32 : index
        %get3A_746 = tpu.vector_load %arg13[%get3A_744, %get3A_745] {strides = array<i32>} : memref<256x64xf32, #tpu.memory_space<vmem>>, vector<1x16xf32>,
        %get3A_747 = vector.shape_cast %get3A_746 : vector<1x16xf32> to vector<16xf32>
        %mul3A_748 = arith.mulf %gather3A_682, %get3A_747 : vector<16xf32>
        %add3A_749 = arith.addf %mul3A_743, %mul3A_748 : vector<16xf32>
        %get3A_750 = arith.index_cast %add3A_694 : i32 to index
        %get3A_751 = arith.constant 32 : index
        %get3A_752 = tpu.vector_load %arg14[%get3A_750, %get3A_751] {strides = array<i32>} : memref<256x64xf32, #tpu.memory_space<vmem>>, vector<1x16xf32>,
        %get3A_753 = vector.shape_cast %get3A_752 : vector<1x16xf32> to vector<16xf32>
        %mul3A_754 = arith.mulf %gather3A_692, %get3A_753 : vector<16xf32>
        %add3A_755 = arith.addf %add3A_749, %mul3A_754 : vector<16xf32>
        %swap3A_756 = arith.index_cast %add3A_694 : i32 to index
        %swap3A_757 = arith.constant 32 : index
        %swap3A_758 = tpu.vector_load %arg12[%swap3A_756, %swap3A_757] {strides = array<i32>} : memref<256x64xf32, #tpu.memory_space<vmem>>, vector<1x16xf32>,
        %swap3A_759 = vector.shape_cast %swap3A_758 : vector<1x16xf32> to vector<16xf32>
        %swap3A_760 = vector.shape_cast %add3A_755 : vector<16xf32> to vector<1x16xf32>
        tpu.vector_store %arg12[%swap3A_756, %swap3A_757], %swap3A_760 {strides = array<i32>} : memref<256x64xf32, #tpu.memory_space<vmem>>, vector<1x16xf32>,
        %get3A_761 = arith.index_cast %add3A_694 : i32 to index
        %get3A_762 = arith.constant 48 : index
        %get3A_763 = tpu.vector_load %arg12[%get3A_761, %get3A_762] {strides = array<i32>} : memref<256x64xf32, #tpu.memory_space<vmem>>, vector<1x16xf32>,
        %get3A_764 = vector.shape_cast %get3A_763 : vector<1x16xf32> to vector<16xf32>
        %mul3A_765 = arith.mulf %gather3A_672, %get3A_764 : vector<16xf32>
        %get3A_766 = arith.index_cast %add3A_694 : i32 to index
        %get3A_767 = arith.constant 48 : index
        %get3A_768 = tpu.vector_load %arg13[%get3A_766, %get3A_767] {strides = array<i32>} : memref<256x64xf32, #tpu.memory_space<vmem>>, vector<1x16xf32>,
        %get3A_769 = vector.shape_cast %get3A_768 : vector<1x16xf32> to vector<16xf32>
        %mul3A_770 = arith.mulf %gather3A_682, %get3A_769 : vector<16xf32>
        %add3A_771 = arith.addf %mul3A_765, %mul3A_770 : vector<16xf32>
        %get3A_772 = arith.index_cast %add3A_694 : i32 to index
        %get3A_773 = arith.constant 48 : index
        %get3A_774 = tpu.vector_load %arg14[%get3A_772, %get3A_773] {strides = array<i32>} : memref<256x64xf32, #tpu.memory_space<vmem>>, vector<1x16xf32>,
        %get3A_775 = vector.shape_cast %get3A_774 : vector<1x16xf32> to vector<16xf32>
        %mul3A_776 = arith.mulf %gather3A_692, %get3A_775 : vector<16xf32>
        %add3A_777 = arith.addf %add3A_771, %mul3A_776 : vector<16xf32>
        %swap3A_778 = arith.index_cast %add3A_694 : i32 to index
        %swap3A_779 = arith.constant 48 : index
        %swap3A_780 = tpu.vector_load %arg12[%swap3A_778, %swap3A_779] {strides = array<i32>} : memref<256x64xf32, #tpu.memory_space<vmem>>, vector<1x16xf32>,
        %swap3A_781 = vector.shape_cast %swap3A_780 : vector<1x16xf32> to vector<16xf32>
        %swap3A_782 = vector.shape_cast %add3A_777 : vector<16xf32> to vector<1x16xf32>
        tpu.vector_store %arg12[%swap3A_778, %swap3A_779], %swap3A_782 {strides = array<i32>} : memref<256x64xf32, #tpu.memory_space<vmem>>, vector<1x16xf32>,
        %broadcast_in_dim3A_783 = arith.constant 6 : i32
        %broadcast_in_dim3A_784 = vector.broadcast %broadcast_in_dim3A_783 : i32 to vector<16xi32>
        %lt3A_785 = arith.constant 0 : i32
        %lt3A_786 = vector.broadcast %lt3A_785 : i32 to vector<16xi32>
        %lt3A_787 = arith.cmpi slt, %broadcast_in_dim3A_784, %lt3A_786 : vector<16xi32>
        %add3A_788 = arith.constant 16 : i32
        %add3A_789 = vector.broadcast %add3A_788 : i32 to vector<16xi32>
        %add3A_790 = arith.addi %broadcast_in_dim3A_784, %add3A_789 : vector<16xi32>
        %select_n3A_791 = arith.select %lt3A_787, %add3A_790, %broadcast_in_dim3A_784 : vector<16xi1>, vector<16xi32>
        %broadcast_in_dim3A_792 = vector.shape_cast %select_n3A_791 : vector<16xi32> to vector<16x1xi32>
        %gather3A_793 = vector.shape_cast %broadcast_in_dim3A_792 : vector<16x1xi32> to vector<16xi32>
        %gather3A_794 = tpu.dynamic_gather %get3A_49[%gather3A_793] in [0] : vector<16xf32>, vector<16xi32> -> vector<16xf32>
        %lt3A_795 = arith.constant 0 : i32
        %lt3A_796 = vector.broadcast %lt3A_795 : i32 to vector<16xi32>
        %lt3A_797 = arith.cmpi slt, %broadcast_in_dim3A_784, %lt3A_796 : vector<16xi32>
        %add3A_798 = arith.constant 16 : i32
        %add3A_799 = vector.broadcast %add3A_798 : i32 to vector<16xi32>
        %add3A_800 = arith.addi %broadcast_in_dim3A_784, %add3A_799 : vector<16xi32>
        %select_n3A_801 = arith.select %lt3A_797, %add3A_800, %broadcast_in_dim3A_784 : vector<16xi1>, vector<16xi32>
        %broadcast_in_dim3A_802 = vector.shape_cast %select_n3A_801 : vector<16xi32> to vector<16x1xi32>
        %gather3A_803 = vector.shape_cast %broadcast_in_dim3A_802 : vector<16x1xi32> to vector<16xi32>
        %gather3A_804 = tpu.dynamic_gather %get3A_52[%gather3A_803] in [0] : vector<16xf32>, vector<16xi32> -> vector<16xf32>
        %lt3A_805 = arith.constant 0 : i32
        %lt3A_806 = vector.broadcast %lt3A_805 : i32 to vector<16xi32>
        %lt3A_807 = arith.cmpi slt, %broadcast_in_dim3A_784, %lt3A_806 : vector<16xi32>
        %add3A_808 = arith.constant 16 : i32
        %add3A_809 = vector.broadcast %add3A_808 : i32 to vector<16xi32>
        %add3A_810 = arith.addi %broadcast_in_dim3A_784, %add3A_809 : vector<16xi32>
        %select_n3A_811 = arith.select %lt3A_807, %add3A_810, %broadcast_in_dim3A_784 : vector<16xi1>, vector<16xi32>
        %broadcast_in_dim3A_812 = vector.shape_cast %select_n3A_811 : vector<16xi32> to vector<16x1xi32>
        %gather3A_813 = vector.shape_cast %broadcast_in_dim3A_812 : vector<16x1xi32> to vector<16xi32>
        %gather3A_814 = tpu.dynamic_gather %get3A_55[%gather3A_813] in [0] : vector<16xf32>, vector<16xi32> -> vector<16xf32>
        %add3A_815 = arith.constant 6 : i32
        %add3A_816 = arith.addi %mul3A_47, %add3A_815 : i32
        %get3A_817 = arith.index_cast %add3A_816 : i32 to index
        %get3A_818 = arith.constant 0 : index
        %get3A_819 = tpu.vector_load %arg12[%get3A_817, %get3A_818] {strides = array<i32>} : memref<256x64xf32, #tpu.memory_space<vmem>>, vector<1x16xf32>,
        %get3A_820 = vector.shape_cast %get3A_819 : vector<1x16xf32> to vector<16xf32>
        %mul3A_821 = arith.mulf %gather3A_794, %get3A_820 : vector<16xf32>
        %get3A_822 = arith.index_cast %add3A_816 : i32 to index
        %get3A_823 = arith.constant 0 : index
        %get3A_824 = tpu.vector_load %arg13[%get3A_822, %get3A_823] {strides = array<i32>} : memref<256x64xf32, #tpu.memory_space<vmem>>, vector<1x16xf32>,
        %get3A_825 = vector.shape_cast %get3A_824 : vector<1x16xf32> to vector<16xf32>
        %mul3A_826 = arith.mulf %gather3A_804, %get3A_825 : vector<16xf32>
        %add3A_827 = arith.addf %mul3A_821, %mul3A_826 : vector<16xf32>
        %get3A_828 = arith.index_cast %add3A_816 : i32 to index
        %get3A_829 = arith.constant 0 : index
        %get3A_830 = tpu.vector_load %arg14[%get3A_828, %get3A_829] {strides = array<i32>} : memref<256x64xf32, #tpu.memory_space<vmem>>, vector<1x16xf32>,
        %get3A_831 = vector.shape_cast %get3A_830 : vector<1x16xf32> to vector<16xf32>
        %mul3A_832 = arith.mulf %gather3A_814, %get3A_831 : vector<16xf32>
        %add3A_833 = arith.addf %add3A_827, %mul3A_832 : vector<16xf32>
        %swap3A_834 = arith.index_cast %add3A_816 : i32 to index
        %swap3A_835 = arith.constant 0 : index
        %swap3A_836 = tpu.vector_load %arg12[%swap3A_834, %swap3A_835] {strides = array<i32>} : memref<256x64xf32, #tpu.memory_space<vmem>>, vector<1x16xf32>,
        %swap3A_837 = vector.shape_cast %swap3A_836 : vector<1x16xf32> to vector<16xf32>
        %swap3A_838 = vector.shape_cast %add3A_833 : vector<16xf32> to vector<1x16xf32>
        tpu.vector_store %arg12[%swap3A_834, %swap3A_835], %swap3A_838 {strides = array<i32>} : memref<256x64xf32, #tpu.memory_space<vmem>>, vector<1x16xf32>,
        %get3A_839 = arith.index_cast %add3A_816 : i32 to index
        %get3A_840 = arith.constant 16 : index
        %get3A_841 = tpu.vector_load %arg12[%get3A_839, %get3A_840] {strides = array<i32>} : memref<256x64xf32, #tpu.memory_space<vmem>>, vector<1x16xf32>,
        %get3A_842 = vector.shape_cast %get3A_841 : vector<1x16xf32> to vector<16xf32>
        %mul3A_843 = arith.mulf %gather3A_794, %get3A_842 : vector<16xf32>
        %get3A_844 = arith.index_cast %add3A_816 : i32 to index
        %get3A_845 = arith.constant 16 : index
        %get3A_846 = tpu.vector_load %arg13[%get3A_844, %get3A_845] {strides = array<i32>} : memref<256x64xf32, #tpu.memory_space<vmem>>, vector<1x16xf32>,
        %get3A_847 = vector.shape_cast %get3A_846 : vector<1x16xf32> to vector<16xf32>
        %mul3A_848 = arith.mulf %gather3A_804, %get3A_847 : vector<16xf32>
        %add3A_849 = arith.addf %mul3A_843, %mul3A_848 : vector<16xf32>
        %get3A_850 = arith.index_cast %add3A_816 : i32 to index
        %get3A_851 = arith.constant 16 : index
        %get3A_852 = tpu.vector_load %arg14[%get3A_850, %get3A_851] {strides = array<i32>} : memref<256x64xf32, #tpu.memory_space<vmem>>, vector<1x16xf32>,
        %get3A_853 = vector.shape_cast %get3A_852 : vector<1x16xf32> to vector<16xf32>
        %mul3A_854 = arith.mulf %gather3A_814, %get3A_853 : vector<16xf32>
        %add3A_855 = arith.addf %add3A_849, %mul3A_854 : vector<16xf32>
        %swap3A_856 = arith.index_cast %add3A_816 : i32 to index
        %swap3A_857 = arith.constant 16 : index
        %swap3A_858 = tpu.vector_load %arg12[%swap3A_856, %swap3A_857] {strides = array<i32>} : memref<256x64xf32, #tpu.memory_space<vmem>>, vector<1x16xf32>,
        %swap3A_859 = vector.shape_cast %swap3A_858 : vector<1x16xf32> to vector<16xf32>
        %swap3A_860 = vector.shape_cast %add3A_855 : vector<16xf32> to vector<1x16xf32>
        tpu.vector_store %arg12[%swap3A_856, %swap3A_857], %swap3A_860 {strides = array<i32>} : memref<256x64xf32, #tpu.memory_space<vmem>>, vector<1x16xf32>,
        %get3A_861 = arith.index_cast %add3A_816 : i32 to index
        %get3A_862 = arith.constant 32 : index
        %get3A_863 = tpu.vector_load %arg12[%get3A_861, %get3A_862] {strides = array<i32>} : memref<256x64xf32, #tpu.memory_space<vmem>>, vector<1x16xf32>,
        %get3A_864 = vector.shape_cast %get3A_863 : vector<1x16xf32> to vector<16xf32>
        %mul3A_865 = arith.mulf %gather3A_794, %get3A_864 : vector<16xf32>
        %get3A_866 = arith.index_cast %add3A_816 : i32 to index
        %get3A_867 = arith.constant 32 : index
        %get3A_868 = tpu.vector_load %arg13[%get3A_866, %get3A_867] {strides = array<i32>} : memref<256x64xf32, #tpu.memory_space<vmem>>, vector<1x16xf32>,
        %get3A_869 = vector.shape_cast %get3A_868 : vector<1x16xf32> to vector<16xf32>
        %mul3A_870 = arith.mulf %gather3A_804, %get3A_869 : vector<16xf32>
        %add3A_871 = arith.addf %mul3A_865, %mul3A_870 : vector<16xf32>
        %get3A_872 = arith.index_cast %add3A_816 : i32 to index
        %get3A_873 = arith.constant 32 : index
        %get3A_874 = tpu.vector_load %arg14[%get3A_872, %get3A_873] {strides = array<i32>} : memref<256x64xf32, #tpu.memory_space<vmem>>, vector<1x16xf32>,
        %get3A_875 = vector.shape_cast %get3A_874 : vector<1x16xf32> to vector<16xf32>
        %mul3A_876 = arith.mulf %gather3A_814, %get3A_875 : vector<16xf32>
        %add3A_877 = arith.addf %add3A_871, %mul3A_876 : vector<16xf32>
        %swap3A_878 = arith.index_cast %add3A_816 : i32 to index
        %swap3A_879 = arith.constant 32 : index
        %swap3A_880 = tpu.vector_load %arg12[%swap3A_878, %swap3A_879] {strides = array<i32>} : memref<256x64xf32, #tpu.memory_space<vmem>>, vector<1x16xf32>,
        %swap3A_881 = vector.shape_cast %swap3A_880 : vector<1x16xf32> to vector<16xf32>
        %swap3A_882 = vector.shape_cast %add3A_877 : vector<16xf32> to vector<1x16xf32>
        tpu.vector_store %arg12[%swap3A_878, %swap3A_879], %swap3A_882 {strides = array<i32>} : memref<256x64xf32, #tpu.memory_space<vmem>>, vector<1x16xf32>,
        %get3A_883 = arith.index_cast %add3A_816 : i32 to index
        %get3A_884 = arith.constant 48 : index
        %get3A_885 = tpu.vector_load %arg12[%get3A_883, %get3A_884] {strides = array<i32>} : memref<256x64xf32, #tpu.memory_space<vmem>>, vector<1x16xf32>,
        %get3A_886 = vector.shape_cast %get3A_885 : vector<1x16xf32> to vector<16xf32>
        %mul3A_887 = arith.mulf %gather3A_794, %get3A_886 : vector<16xf32>
        %get3A_888 = arith.index_cast %add3A_816 : i32 to index
        %get3A_889 = arith.constant 48 : index
        %get3A_890 = tpu.vector_load %arg13[%get3A_888, %get3A_889] {strides = array<i32>} : memref<256x64xf32, #tpu.memory_space<vmem>>, vector<1x16xf32>,
        %get3A_891 = vector.shape_cast %get3A_890 : vector<1x16xf32> to vector<16xf32>
        %mul3A_892 = arith.mulf %gather3A_804, %get3A_891 : vector<16xf32>
        %add3A_893 = arith.addf %mul3A_887, %mul3A_892 : vector<16xf32>
        %get3A_894 = arith.index_cast %add3A_816 : i32 to index
        %get3A_895 = arith.constant 48 : index
        %get3A_896 = tpu.vector_load %arg14[%get3A_894, %get3A_895] {strides = array<i32>} : memref<256x64xf32, #tpu.memory_space<vmem>>, vector<1x16xf32>,
        %get3A_897 = vector.shape_cast %get3A_896 : vector<1x16xf32> to vector<16xf32>
        %mul3A_898 = arith.mulf %gather3A_814, %get3A_897 : vector<16xf32>
        %add3A_899 = arith.addf %add3A_893, %mul3A_898 : vector<16xf32>
        %swap3A_900 = arith.index_cast %add3A_816 : i32 to index
        %swap3A_901 = arith.constant 48 : index
        %swap3A_902 = tpu.vector_load %arg12[%swap3A_900, %swap3A_901] {strides = array<i32>} : memref<256x64xf32, #tpu.memory_space<vmem>>, vector<1x16xf32>,
        %swap3A_903 = vector.shape_cast %swap3A_902 : vector<1x16xf32> to vector<16xf32>
        %swap3A_904 = vector.shape_cast %add3A_899 : vector<16xf32> to vector<1x16xf32>
        tpu.vector_store %arg12[%swap3A_900, %swap3A_901], %swap3A_904 {strides = array<i32>} : memref<256x64xf32, #tpu.memory_space<vmem>>, vector<1x16xf32>,
        %broadcast_in_dim3A_905 = arith.constant 7 : i32
        %broadcast_in_dim3A_906 = vector.broadcast %broadcast_in_dim3A_905 : i32 to vector<16xi32>
        %lt3A_907 = arith.constant 0 : i32
        %lt3A_908 = vector.broadcast %lt3A_907 : i32 to vector<16xi32>
        %lt3A_909 = arith.cmpi slt, %broadcast_in_dim3A_906, %lt3A_908 : vector<16xi32>
        %add3A_910 = arith.constant 16 : i32
        %add3A_911 = vector.broadcast %add3A_910 : i32 to vector<16xi32>
        %add3A_912 = arith.addi %broadcast_in_dim3A_906, %add3A_911 : vector<16xi32>
        %select_n3A_913 = arith.select %lt3A_909, %add3A_912, %broadcast_in_dim3A_906 : vector<16xi1>, vector<16xi32>
        %broadcast_in_dim3A_914 = vector.shape_cast %select_n3A_913 : vector<16xi32> to vector<16x1xi32>
        %gather3A_915 = vector.shape_cast %broadcast_in_dim3A_914 : vector<16x1xi32> to vector<16xi32>
        %gather3A_916 = tpu.dynamic_gather %get3A_49[%gather3A_915] in [0] : vector<16xf32>, vector<16xi32> -> vector<16xf32>
        %lt3A_917 = arith.constant 0 : i32
        %lt3A_918 = vector.broadcast %lt3A_917 : i32 to vector<16xi32>
        %lt3A_919 = arith.cmpi slt, %broadcast_in_dim3A_906, %lt3A_918 : vector<16xi32>
        %add3A_920 = arith.constant 16 : i32
        %add3A_921 = vector.broadcast %add3A_920 : i32 to vector<16xi32>
        %add3A_922 = arith.addi %broadcast_in_dim3A_906, %add3A_921 : vector<16xi32>
        %select_n3A_923 = arith.select %lt3A_919, %add3A_922, %broadcast_in_dim3A_906 : vector<16xi1>, vector<16xi32>
        %broadcast_in_dim3A_924 = vector.shape_cast %select_n3A_923 : vector<16xi32> to vector<16x1xi32>
        %gather3A_925 = vector.shape_cast %broadcast_in_dim3A_924 : vector<16x1xi32> to vector<16xi32>
        %gather3A_926 = tpu.dynamic_gather %get3A_52[%gather3A_925] in [0] : vector<16xf32>, vector<16xi32> -> vector<16xf32>
        %lt3A_927 = arith.constant 0 : i32
        %lt3A_928 = vector.broadcast %lt3A_927 : i32 to vector<16xi32>
        %lt3A_929 = arith.cmpi slt, %broadcast_in_dim3A_906, %lt3A_928 : vector<16xi32>
        %add3A_930 = arith.constant 16 : i32
        %add3A_931 = vector.broadcast %add3A_930 : i32 to vector<16xi32>
        %add3A_932 = arith.addi %broadcast_in_dim3A_906, %add3A_931 : vector<16xi32>
        %select_n3A_933 = arith.select %lt3A_929, %add3A_932, %broadcast_in_dim3A_906 : vector<16xi1>, vector<16xi32>
        %broadcast_in_dim3A_934 = vector.shape_cast %select_n3A_933 : vector<16xi32> to vector<16x1xi32>
        %gather3A_935 = vector.shape_cast %broadcast_in_dim3A_934 : vector<16x1xi32> to vector<16xi32>
        %gather3A_936 = tpu.dynamic_gather %get3A_55[%gather3A_935] in [0] : vector<16xf32>, vector<16xi32> -> vector<16xf32>
        %add3A_937 = arith.constant 7 : i32
        %add3A_938 = arith.addi %mul3A_47, %add3A_937 : i32
        %get3A_939 = arith.index_cast %add3A_938 : i32 to index
        %get3A_940 = arith.constant 0 : index
        %get3A_941 = tpu.vector_load %arg12[%get3A_939, %get3A_940] {strides = array<i32>} : memref<256x64xf32, #tpu.memory_space<vmem>>, vector<1x16xf32>,
        %get3A_942 = vector.shape_cast %get3A_941 : vector<1x16xf32> to vector<16xf32>
        %mul3A_943 = arith.mulf %gather3A_916, %get3A_942 : vector<16xf32>
        %get3A_944 = arith.index_cast %add3A_938 : i32 to index
        %get3A_945 = arith.constant 0 : index
        %get3A_946 = tpu.vector_load %arg13[%get3A_944, %get3A_945] {strides = array<i32>} : memref<256x64xf32, #tpu.memory_space<vmem>>, vector<1x16xf32>,
        %get3A_947 = vector.shape_cast %get3A_946 : vector<1x16xf32> to vector<16xf32>
        %mul3A_948 = arith.mulf %gather3A_926, %get3A_947 : vector<16xf32>
        %add3A_949 = arith.addf %mul3A_943, %mul3A_948 : vector<16xf32>
        %get3A_950 = arith.index_cast %add3A_938 : i32 to index
        %get3A_951 = arith.constant 0 : index
        %get3A_952 = tpu.vector_load %arg14[%get3A_950, %get3A_951] {strides = array<i32>} : memref<256x64xf32, #tpu.memory_space<vmem>>, vector<1x16xf32>,
        %get3A_953 = vector.shape_cast %get3A_952 : vector<1x16xf32> to vector<16xf32>
        %mul3A_954 = arith.mulf %gather3A_936, %get3A_953 : vector<16xf32>
        %add3A_955 = arith.addf %add3A_949, %mul3A_954 : vector<16xf32>
        %swap3A_956 = arith.index_cast %add3A_938 : i32 to index
        %swap3A_957 = arith.constant 0 : index
        %swap3A_958 = tpu.vector_load %arg12[%swap3A_956, %swap3A_957] {strides = array<i32>} : memref<256x64xf32, #tpu.memory_space<vmem>>, vector<1x16xf32>,
        %swap3A_959 = vector.shape_cast %swap3A_958 : vector<1x16xf32> to vector<16xf32>
        %swap3A_960 = vector.shape_cast %add3A_955 : vector<16xf32> to vector<1x16xf32>
        tpu.vector_store %arg12[%swap3A_956, %swap3A_957], %swap3A_960 {strides = array<i32>} : memref<256x64xf32, #tpu.memory_space<vmem>>, vector<1x16xf32>,
        %get3A_961 = arith.index_cast %add3A_938 : i32 to index
        %get3A_962 = arith.constant 16 : index
        %get3A_963 = tpu.vector_load %arg12[%get3A_961, %get3A_962] {strides = array<i32>} : memref<256x64xf32, #tpu.memory_space<vmem>>, vector<1x16xf32>,
        %get3A_964 = vector.shape_cast %get3A_963 : vector<1x16xf32> to vector<16xf32>
        %mul3A_965 = arith.mulf %gather3A_916, %get3A_964 : vector<16xf32>
        %get3A_966 = arith.index_cast %add3A_938 : i32 to index
        %get3A_967 = arith.constant 16 : index
        %get3A_968 = tpu.vector_load %arg13[%get3A_966, %get3A_967] {strides = array<i32>} : memref<256x64xf32, #tpu.memory_space<vmem>>, vector<1x16xf32>,
        %get3A_969 = vector.shape_cast %get3A_968 : vector<1x16xf32> to vector<16xf32>
        %mul3A_970 = arith.mulf %gather3A_926, %get3A_969 : vector<16xf32>
        %add3A_971 = arith.addf %mul3A_965, %mul3A_970 : vector<16xf32>
        %get3A_972 = arith.index_cast %add3A_938 : i32 to index
        %get3A_973 = arith.constant 16 : index
        %get3A_974 = tpu.vector_load %arg14[%get3A_972, %get3A_973] {strides = array<i32>} : memref<256x64xf32, #tpu.memory_space<vmem>>, vector<1x16xf32>,
        %get3A_975 = vector.shape_cast %get3A_974 : vector<1x16xf32> to vector<16xf32>
        %mul3A_976 = arith.mulf %gather3A_936, %get3A_975 : vector<16xf32>
        %add3A_977 = arith.addf %add3A_971, %mul3A_976 : vector<16xf32>
        %swap3A_978 = arith.index_cast %add3A_938 : i32 to index
        %swap3A_979 = arith.constant 16 : index
        %swap3A_980 = tpu.vector_load %arg12[%swap3A_978, %swap3A_979] {strides = array<i32>} : memref<256x64xf32, #tpu.memory_space<vmem>>, vector<1x16xf32>,
        %swap3A_981 = vector.shape_cast %swap3A_980 : vector<1x16xf32> to vector<16xf32>
        %swap3A_982 = vector.shape_cast %add3A_977 : vector<16xf32> to vector<1x16xf32>
        tpu.vector_store %arg12[%swap3A_978, %swap3A_979], %swap3A_982 {strides = array<i32>} : memref<256x64xf32, #tpu.memory_space<vmem>>, vector<1x16xf32>,
        %get3A_983 = arith.index_cast %add3A_938 : i32 to index
        %get3A_984 = arith.constant 32 : index
        %get3A_985 = tpu.vector_load %arg12[%get3A_983, %get3A_984] {strides = array<i32>} : memref<256x64xf32, #tpu.memory_space<vmem>>, vector<1x16xf32>,
        %get3A_986 = vector.shape_cast %get3A_985 : vector<1x16xf32> to vector<16xf32>
        %mul3A_987 = arith.mulf %gather3A_916, %get3A_986 : vector<16xf32>
        %get3A_988 = arith.index_cast %add3A_938 : i32 to index
        %get3A_989 = arith.constant 32 : index
        %get3A_990 = tpu.vector_load %arg13[%get3A_988, %get3A_989] {strides = array<i32>} : memref<256x64xf32, #tpu.memory_space<vmem>>, vector<1x16xf32>,
        %get3A_991 = vector.shape_cast %get3A_990 : vector<1x16xf32> to vector<16xf32>
        %mul3A_992 = arith.mulf %gather3A_926, %get3A_991 : vector<16xf32>
        %add3A_993 = arith.addf %mul3A_987, %mul3A_992 : vector<16xf32>
        %get3A_994 = arith.index_cast %add3A_938 : i32 to index
        %get3A_995 = arith.constant 32 : index
        %get3A_996 = tpu.vector_load %arg14[%get3A_994, %get3A_995] {strides = array<i32>} : memref<256x64xf32, #tpu.memory_space<vmem>>, vector<1x16xf32>,
        %get3A_997 = vector.shape_cast %get3A_996 : vector<1x16xf32> to vector<16xf32>
        %mul3A_998 = arith.mulf %gather3A_936, %get3A_997 : vector<16xf32>
        %add3A_999 = arith.addf %add3A_993, %mul3A_998 : vector<16xf32>
        %swap3A_1000 = arith.index_cast %add3A_938 : i32 to index
        %swap3A_1001 = arith.constant 32 : index
        %swap3A_1002 = tpu.vector_load %arg12[%swap3A_1000, %swap3A_1001] {strides = array<i32>} : memref<256x64xf32, #tpu.memory_space<vmem>>, vector<1x16xf32>,
        %swap3A_1003 = vector.shape_cast %swap3A_1002 : vector<1x16xf32> to vector<16xf32>
        %swap3A_1004 = vector.shape_cast %add3A_999 : vector<16xf32> to vector<1x16xf32>
        tpu.vector_store %arg12[%swap3A_1000, %swap3A_1001], %swap3A_1004 {strides = array<i32>} : memref<256x64xf32, #tpu.memory_space<vmem>>, vector<1x16xf32>,
        %get3A_1005 = arith.index_cast %add3A_938 : i32 to index
        %get3A_1006 = arith.constant 48 : index
        %get3A_1007 = tpu.vector_load %arg12[%get3A_1005, %get3A_1006] {strides = array<i32>} : memref<256x64xf32, #tpu.memory_space<vmem>>, vector<1x16xf32>,
        %get3A_1008 = vector.shape_cast %get3A_1007 : vector<1x16xf32> to vector<16xf32>
        %mul3A_1009 = arith.mulf %gather3A_916, %get3A_1008 : vector<16xf32>
        %get3A_1010 = arith.index_cast %add3A_938 : i32 to index
        %get3A_1011 = arith.constant 48 : index
        %get3A_1012 = tpu.vector_load %arg13[%get3A_1010, %get3A_1011] {strides = array<i32>} : memref<256x64xf32, #tpu.memory_space<vmem>>, vector<1x16xf32>,
        %get3A_1013 = vector.shape_cast %get3A_1012 : vector<1x16xf32> to vector<16xf32>
        %mul3A_1014 = arith.mulf %gather3A_926, %get3A_1013 : vector<16xf32>
        %add3A_1015 = arith.addf %mul3A_1009, %mul3A_1014 : vector<16xf32>
        %get3A_1016 = arith.index_cast %add3A_938 : i32 to index
        %get3A_1017 = arith.constant 48 : index
        %get3A_1018 = tpu.vector_load %arg14[%get3A_1016, %get3A_1017] {strides = array<i32>} : memref<256x64xf32, #tpu.memory_space<vmem>>, vector<1x16xf32>,
        %get3A_1019 = vector.shape_cast %get3A_1018 : vector<1x16xf32> to vector<16xf32>
        %mul3A_1020 = arith.mulf %gather3A_936, %get3A_1019 : vector<16xf32>
        %add3A_1021 = arith.addf %add3A_1015, %mul3A_1020 : vector<16xf32>
        %swap3A_1022 = arith.index_cast %add3A_938 : i32 to index
        %swap3A_1023 = arith.constant 48 : index
        %swap3A_1024 = tpu.vector_load %arg12[%swap3A_1022, %swap3A_1023] {strides = array<i32>} : memref<256x64xf32, #tpu.memory_space<vmem>>, vector<1x16xf32>,
        %swap3A_1025 = vector.shape_cast %swap3A_1024 : vector<1x16xf32> to vector<16xf32>
        %swap3A_1026 = vector.shape_cast %add3A_1021 : vector<16xf32> to vector<1x16xf32>
        tpu.vector_store %arg12[%swap3A_1022, %swap3A_1023], %swap3A_1026 {strides = array<i32>} : memref<256x64xf32, #tpu.memory_space<vmem>>, vector<1x16xf32>,
        %broadcast_in_dim3A_1027 = arith.constant 8 : i32
        %broadcast_in_dim3A_1028 = vector.broadcast %broadcast_in_dim3A_1027 : i32 to vector<16xi32>
        %lt3A_1029 = arith.constant 0 : i32
        %lt3A_1030 = vector.broadcast %lt3A_1029 : i32 to vector<16xi32>
        %lt3A_1031 = arith.cmpi slt, %broadcast_in_dim3A_1028, %lt3A_1030 : vector<16xi32>
        %add3A_1032 = arith.constant 16 : i32
        %add3A_1033 = vector.broadcast %add3A_1032 : i32 to vector<16xi32>
        %add3A_1034 = arith.addi %broadcast_in_dim3A_1028, %add3A_1033 : vector<16xi32>
        %select_n3A_1035 = arith.select %lt3A_1031, %add3A_1034, %broadcast_in_dim3A_1028 : vector<16xi1>, vector<16xi32>
        %broadcast_in_dim3A_1036 = vector.shape_cast %select_n3A_1035 : vector<16xi32> to vector<16x1xi32>
        %gather3A_1037 = vector.shape_cast %broadcast_in_dim3A_1036 : vector<16x1xi32> to vector<16xi32>
        %gather3A_1038 = tpu.dynamic_gather %get3A_49[%gather3A_1037] in [0] : vector<16xf32>, vector<16xi32> -> vector<16xf32>
        %lt3A_1039 = arith.constant 0 : i32
        %lt3A_1040 = vector.broadcast %lt3A_1039 : i32 to vector<16xi32>
        %lt3A_1041 = arith.cmpi slt, %broadcast_in_dim3A_1028, %lt3A_1040 : vector<16xi32>
        %add3A_1042 = arith.constant 16 : i32
        %add3A_1043 = vector.broadcast %add3A_1042 : i32 to vector<16xi32>
        %add3A_1044 = arith.addi %broadcast_in_dim3A_1028, %add3A_1043 : vector<16xi32>
        %select_n3A_1045 = arith.select %lt3A_1041, %add3A_1044, %broadcast_in_dim3A_1028 : vector<16xi1>, vector<16xi32>
        %broadcast_in_dim3A_1046 = vector.shape_cast %select_n3A_1045 : vector<16xi32> to vector<16x1xi32>
        %gather3A_1047 = vector.shape_cast %broadcast_in_dim3A_1046 : vector<16x1xi32> to vector<16xi32>
        %gather3A_1048 = tpu.dynamic_gather %get3A_52[%gather3A_1047] in [0] : vector<16xf32>, vector<16xi32> -> vector<16xf32>
        %lt3A_1049 = arith.constant 0 : i32
        %lt3A_1050 = vector.broadcast %lt3A_1049 : i32 to vector<16xi32>
        %lt3A_1051 = arith.cmpi slt, %broadcast_in_dim3A_1028, %lt3A_1050 : vector<16xi32>
        %add3A_1052 = arith.constant 16 : i32
        %add3A_1053 = vector.broadcast %add3A_1052 : i32 to vector<16xi32>
        %add3A_1054 = arith.addi %broadcast_in_dim3A_1028, %add3A_1053 : vector<16xi32>
        %select_n3A_1055 = arith.select %lt3A_1051, %add3A_1054, %broadcast_in_dim3A_1028 : vector<16xi1>, vector<16xi32>
        %broadcast_in_dim3A_1056 = vector.shape_cast %select_n3A_1055 : vector<16xi32> to vector<16x1xi32>
        %gather3A_1057 = vector.shape_cast %broadcast_in_dim3A_1056 : vector<16x1xi32> to vector<16xi32>
        %gather3A_1058 = tpu.dynamic_gather %get3A_55[%gather3A_1057] in [0] : vector<16xf32>, vector<16xi32> -> vector<16xf32>
        %add3A_1059 = arith.constant 8 : i32
        %add3A_1060 = arith.addi %mul3A_47, %add3A_1059 : i32
        %get3A_1061 = arith.index_cast %add3A_1060 : i32 to index
        %get3A_1062 = arith.constant 0 : index
        %get3A_1063 = tpu.vector_load %arg12[%get3A_1061, %get3A_1062] {strides = array<i32>} : memref<256x64xf32, #tpu.memory_space<vmem>>, vector<1x16xf32>,
        %get3A_1064 = vector.shape_cast %get3A_1063 : vector<1x16xf32> to vector<16xf32>
        %mul3A_1065 = arith.mulf %gather3A_1038, %get3A_1064 : vector<16xf32>
        %get3A_1066 = arith.index_cast %add3A_1060 : i32 to index
        %get3A_1067 = arith.constant 0 : index
        %get3A_1068 = tpu.vector_load %arg13[%get3A_1066, %get3A_1067] {strides = array<i32>} : memref<256x64xf32, #tpu.memory_space<vmem>>, vector<1x16xf32>,
        %get3A_1069 = vector.shape_cast %get3A_1068 : vector<1x16xf32> to vector<16xf32>
        %mul3A_1070 = arith.mulf %gather3A_1048, %get3A_1069 : vector<16xf32>
        %add3A_1071 = arith.addf %mul3A_1065, %mul3A_1070 : vector<16xf32>
        %get3A_1072 = arith.index_cast %add3A_1060 : i32 to index
        %get3A_1073 = arith.constant 0 : index
        %get3A_1074 = tpu.vector_load %arg14[%get3A_1072, %get3A_1073] {strides = array<i32>} : memref<256x64xf32, #tpu.memory_space<vmem>>, vector<1x16xf32>,
        %get3A_1075 = vector.shape_cast %get3A_1074 : vector<1x16xf32> to vector<16xf32>
        %mul3A_1076 = arith.mulf %gather3A_1058, %get3A_1075 : vector<16xf32>
        %add3A_1077 = arith.addf %add3A_1071, %mul3A_1076 : vector<16xf32>
        %swap3A_1078 = arith.index_cast %add3A_1060 : i32 to index
        %swap3A_1079 = arith.constant 0 : index
        %swap3A_1080 = tpu.vector_load %arg12[%swap3A_1078, %swap3A_1079] {strides = array<i32>} : memref<256x64xf32, #tpu.memory_space<vmem>>, vector<1x16xf32>,
        %swap3A_1081 = vector.shape_cast %swap3A_1080 : vector<1x16xf32> to vector<16xf32>
        %swap3A_1082 = vector.shape_cast %add3A_1077 : vector<16xf32> to vector<1x16xf32>
        tpu.vector_store %arg12[%swap3A_1078, %swap3A_1079], %swap3A_1082 {strides = array<i32>} : memref<256x64xf32, #tpu.memory_space<vmem>>, vector<1x16xf32>,
        %get3A_1083 = arith.index_cast %add3A_1060 : i32 to index
        %get3A_1084 = arith.constant 16 : index
        %get3A_1085 = tpu.vector_load %arg12[%get3A_1083, %get3A_1084] {strides = array<i32>} : memref<256x64xf32, #tpu.memory_space<vmem>>, vector<1x16xf32>,
        %get3A_1086 = vector.shape_cast %get3A_1085 : vector<1x16xf32> to vector<16xf32>
        %mul3A_1087 = arith.mulf %gather3A_1038, %get3A_1086 : vector<16xf32>
        %get3A_1088 = arith.index_cast %add3A_1060 : i32 to index
        %get3A_1089 = arith.constant 16 : index
        %get3A_1090 = tpu.vector_load %arg13[%get3A_1088, %get3A_1089] {strides = array<i32>} : memref<256x64xf32, #tpu.memory_space<vmem>>, vector<1x16xf32>,
        %get3A_1091 = vector.shape_cast %get3A_1090 : vector<1x16xf32> to vector<16xf32>
        %mul3A_1092 = arith.mulf %gather3A_1048, %get3A_1091 : vector<16xf32>
        %add3A_1093 = arith.addf %mul3A_1087, %mul3A_1092 : vector<16xf32>
        %get3A_1094 = arith.index_cast %add3A_1060 : i32 to index
        %get3A_1095 = arith.constant 16 : index
        %get3A_1096 = tpu.vector_load %arg14[%get3A_1094, %get3A_1095] {strides = array<i32>} : memref<256x64xf32, #tpu.memory_space<vmem>>, vector<1x16xf32>,
        %get3A_1097 = vector.shape_cast %get3A_1096 : vector<1x16xf32> to vector<16xf32>
        %mul3A_1098 = arith.mulf %gather3A_1058, %get3A_1097 : vector<16xf32>
        %add3A_1099 = arith.addf %add3A_1093, %mul3A_1098 : vector<16xf32>
        %swap3A_1100 = arith.index_cast %add3A_1060 : i32 to index
        %swap3A_1101 = arith.constant 16 : index
        %swap3A_1102 = tpu.vector_load %arg12[%swap3A_1100, %swap3A_1101] {strides = array<i32>} : memref<256x64xf32, #tpu.memory_space<vmem>>, vector<1x16xf32>,
        %swap3A_1103 = vector.shape_cast %swap3A_1102 : vector<1x16xf32> to vector<16xf32>
        %swap3A_1104 = vector.shape_cast %add3A_1099 : vector<16xf32> to vector<1x16xf32>
        tpu.vector_store %arg12[%swap3A_1100, %swap3A_1101], %swap3A_1104 {strides = array<i32>} : memref<256x64xf32, #tpu.memory_space<vmem>>, vector<1x16xf32>,
        %get3A_1105 = arith.index_cast %add3A_1060 : i32 to index
        %get3A_1106 = arith.constant 32 : index
        %get3A_1107 = tpu.vector_load %arg12[%get3A_1105, %get3A_1106] {strides = array<i32>} : memref<256x64xf32, #tpu.memory_space<vmem>>, vector<1x16xf32>,
        %get3A_1108 = vector.shape_cast %get3A_1107 : vector<1x16xf32> to vector<16xf32>
        %mul3A_1109 = arith.mulf %gather3A_1038, %get3A_1108 : vector<16xf32>
        %get3A_1110 = arith.index_cast %add3A_1060 : i32 to index
        %get3A_1111 = arith.constant 32 : index
        %get3A_1112 = tpu.vector_load %arg13[%get3A_1110, %get3A_1111] {strides = array<i32>} : memref<256x64xf32, #tpu.memory_space<vmem>>, vector<1x16xf32>,
        %get3A_1113 = vector.shape_cast %get3A_1112 : vector<1x16xf32> to vector<16xf32>
        %mul3A_1114 = arith.mulf %gather3A_1048, %get3A_1113 : vector<16xf32>
        %add3A_1115 = arith.addf %mul3A_1109, %mul3A_1114 : vector<16xf32>
        %get3A_1116 = arith.index_cast %add3A_1060 : i32 to index
        %get3A_1117 = arith.constant 32 : index
        %get3A_1118 = tpu.vector_load %arg14[%get3A_1116, %get3A_1117] {strides = array<i32>} : memref<256x64xf32, #tpu.memory_space<vmem>>, vector<1x16xf32>,
        %get3A_1119 = vector.shape_cast %get3A_1118 : vector<1x16xf32> to vector<16xf32>
        %mul3A_1120 = arith.mulf %gather3A_1058, %get3A_1119 : vector<16xf32>
        %add3A_1121 = arith.addf %add3A_1115, %mul3A_1120 : vector<16xf32>
        %swap3A_1122 = arith.index_cast %add3A_1060 : i32 to index
        %swap3A_1123 = arith.constant 32 : index
        %swap3A_1124 = tpu.vector_load %arg12[%swap3A_1122, %swap3A_1123] {strides = array<i32>} : memref<256x64xf32, #tpu.memory_space<vmem>>, vector<1x16xf32>,
        %swap3A_1125 = vector.shape_cast %swap3A_1124 : vector<1x16xf32> to vector<16xf32>
        %swap3A_1126 = vector.shape_cast %add3A_1121 : vector<16xf32> to vector<1x16xf32>
        tpu.vector_store %arg12[%swap3A_1122, %swap3A_1123], %swap3A_1126 {strides = array<i32>} : memref<256x64xf32, #tpu.memory_space<vmem>>, vector<1x16xf32>,
        %get3A_1127 = arith.index_cast %add3A_1060 : i32 to index
        %get3A_1128 = arith.constant 48 : index
        %get3A_1129 = tpu.vector_load %arg12[%get3A_1127, %get3A_1128] {strides = array<i32>} : memref<256x64xf32, #tpu.memory_space<vmem>>, vector<1x16xf32>,
        %get3A_1130 = vector.shape_cast %get3A_1129 : vector<1x16xf32> to vector<16xf32>
        %mul3A_1131 = arith.mulf %gather3A_1038, %get3A_1130 : vector<16xf32>
        %get3A_1132 = arith.index_cast %add3A_1060 : i32 to index
        %get3A_1133 = arith.constant 48 : index
        %get3A_1134 = tpu.vector_load %arg13[%get3A_1132, %get3A_1133] {strides = array<i32>} : memref<256x64xf32, #tpu.memory_space<vmem>>, vector<1x16xf32>,
        %get3A_1135 = vector.shape_cast %get3A_1134 : vector<1x16xf32> to vector<16xf32>
        %mul3A_1136 = arith.mulf %gather3A_1048, %get3A_1135 : vector<16xf32>
        %add3A_1137 = arith.addf %mul3A_1131, %mul3A_1136 : vector<16xf32>
        %get3A_1138 = arith.index_cast %add3A_1060 : i32 to index
        %get3A_1139 = arith.constant 48 : index
        %get3A_1140 = tpu.vector_load %arg14[%get3A_1138, %get3A_1139] {strides = array<i32>} : memref<256x64xf32, #tpu.memory_space<vmem>>, vector<1x16xf32>,
        %get3A_1141 = vector.shape_cast %get3A_1140 : vector<1x16xf32> to vector<16xf32>
        %mul3A_1142 = arith.mulf %gather3A_1058, %get3A_1141 : vector<16xf32>
        %add3A_1143 = arith.addf %add3A_1137, %mul3A_1142 : vector<16xf32>
        %swap3A_1144 = arith.index_cast %add3A_1060 : i32 to index
        %swap3A_1145 = arith.constant 48 : index
        %swap3A_1146 = tpu.vector_load %arg12[%swap3A_1144, %swap3A_1145] {strides = array<i32>} : memref<256x64xf32, #tpu.memory_space<vmem>>, vector<1x16xf32>,
        %swap3A_1147 = vector.shape_cast %swap3A_1146 : vector<1x16xf32> to vector<16xf32>
        %swap3A_1148 = vector.shape_cast %add3A_1143 : vector<16xf32> to vector<1x16xf32>
        tpu.vector_store %arg12[%swap3A_1144, %swap3A_1145], %swap3A_1148 {strides = array<i32>} : memref<256x64xf32, #tpu.memory_space<vmem>>, vector<1x16xf32>,
        %broadcast_in_dim3A_1149 = arith.constant 9 : i32
        %broadcast_in_dim3A_1150 = vector.broadcast %broadcast_in_dim3A_1149 : i32 to vector<16xi32>
        %lt3A_1151 = arith.constant 0 : i32
        %lt3A_1152 = vector.broadcast %lt3A_1151 : i32 to vector<16xi32>
        %lt3A_1153 = arith.cmpi slt, %broadcast_in_dim3A_1150, %lt3A_1152 : vector<16xi32>
        %add3A_1154 = arith.constant 16 : i32
        %add3A_1155 = vector.broadcast %add3A_1154 : i32 to vector<16xi32>
        %add3A_1156 = arith.addi %broadcast_in_dim3A_1150, %add3A_1155 : vector<16xi32>
        %select_n3A_1157 = arith.select %lt3A_1153, %add3A_1156, %broadcast_in_dim3A_1150 : vector<16xi1>, vector<16xi32>
        %broadcast_in_dim3A_1158 = vector.shape_cast %select_n3A_1157 : vector<16xi32> to vector<16x1xi32>
        %gather3A_1159 = vector.shape_cast %broadcast_in_dim3A_1158 : vector<16x1xi32> to vector<16xi32>
        %gather3A_1160 = tpu.dynamic_gather %get3A_49[%gather3A_1159] in [0] : vector<16xf32>, vector<16xi32> -> vector<16xf32>
        %lt3A_1161 = arith.constant 0 : i32
        %lt3A_1162 = vector.broadcast %lt3A_1161 : i32 to vector<16xi32>
        %lt3A_1163 = arith.cmpi slt, %broadcast_in_dim3A_1150, %lt3A_1162 : vector<16xi32>
        %add3A_1164 = arith.constant 16 : i32
        %add3A_1165 = vector.broadcast %add3A_1164 : i32 to vector<16xi32>
        %add3A_1166 = arith.addi %broadcast_in_dim3A_1150, %add3A_1165 : vector<16xi32>
        %select_n3A_1167 = arith.select %lt3A_1163, %add3A_1166, %broadcast_in_dim3A_1150 : vector<16xi1>, vector<16xi32>
        %broadcast_in_dim3A_1168 = vector.shape_cast %select_n3A_1167 : vector<16xi32> to vector<16x1xi32>
        %gather3A_1169 = vector.shape_cast %broadcast_in_dim3A_1168 : vector<16x1xi32> to vector<16xi32>
        %gather3A_1170 = tpu.dynamic_gather %get3A_52[%gather3A_1169] in [0] : vector<16xf32>, vector<16xi32> -> vector<16xf32>
        %lt3A_1171 = arith.constant 0 : i32
        %lt3A_1172 = vector.broadcast %lt3A_1171 : i32 to vector<16xi32>
        %lt3A_1173 = arith.cmpi slt, %broadcast_in_dim3A_1150, %lt3A_1172 : vector<16xi32>
        %add3A_1174 = arith.constant 16 : i32
        %add3A_1175 = vector.broadcast %add3A_1174 : i32 to vector<16xi32>
        %add3A_1176 = arith.addi %broadcast_in_dim3A_1150, %add3A_1175 : vector<16xi32>
        %select_n3A_1177 = arith.select %lt3A_1173, %add3A_1176, %broadcast_in_dim3A_1150 : vector<16xi1>, vector<16xi32>
        %broadcast_in_dim3A_1178 = vector.shape_cast %select_n3A_1177 : vector<16xi32> to vector<16x1xi32>
        %gather3A_1179 = vector.shape_cast %broadcast_in_dim3A_1178 : vector<16x1xi32> to vector<16xi32>
        %gather3A_1180 = tpu.dynamic_gather %get3A_55[%gather3A_1179] in [0] : vector<16xf32>, vector<16xi32> -> vector<16xf32>
        %add3A_1181 = arith.constant 9 : i32
        %add3A_1182 = arith.addi %mul3A_47, %add3A_1181 : i32
        %get3A_1183 = arith.index_cast %add3A_1182 : i32 to index
        %get3A_1184 = arith.constant 0 : index
        %get3A_1185 = tpu.vector_load %arg12[%get3A_1183, %get3A_1184] {strides = array<i32>} : memref<256x64xf32, #tpu.memory_space<vmem>>, vector<1x16xf32>,
        %get3A_1186 = vector.shape_cast %get3A_1185 : vector<1x16xf32> to vector<16xf32>
        %mul3A_1187 = arith.mulf %gather3A_1160, %get3A_1186 : vector<16xf32>
        %get3A_1188 = arith.index_cast %add3A_1182 : i32 to index
        %get3A_1189 = arith.constant 0 : index
        %get3A_1190 = tpu.vector_load %arg13[%get3A_1188, %get3A_1189] {strides = array<i32>} : memref<256x64xf32, #tpu.memory_space<vmem>>, vector<1x16xf32>,
        %get3A_1191 = vector.shape_cast %get3A_1190 : vector<1x16xf32> to vector<16xf32>
        %mul3A_1192 = arith.mulf %gather3A_1170, %get3A_1191 : vector<16xf32>
        %add3A_1193 = arith.addf %mul3A_1187, %mul3A_1192 : vector<16xf32>
        %get3A_1194 = arith.index_cast %add3A_1182 : i32 to index
        %get3A_1195 = arith.constant 0 : index
        %get3A_1196 = tpu.vector_load %arg14[%get3A_1194, %get3A_1195] {strides = array<i32>} : memref<256x64xf32, #tpu.memory_space<vmem>>, vector<1x16xf32>,
        %get3A_1197 = vector.shape_cast %get3A_1196 : vector<1x16xf32> to vector<16xf32>
        %mul3A_1198 = arith.mulf %gather3A_1180, %get3A_1197 : vector<16xf32>
        %add3A_1199 = arith.addf %add3A_1193, %mul3A_1198 : vector<16xf32>
        %swap3A_1200 = arith.index_cast %add3A_1182 : i32 to index
        %swap3A_1201 = arith.constant 0 : index
        %swap3A_1202 = tpu.vector_load %arg12[%swap3A_1200, %swap3A_1201] {strides = array<i32>} : memref<256x64xf32, #tpu.memory_space<vmem>>, vector<1x16xf32>,
        %swap3A_1203 = vector.shape_cast %swap3A_1202 : vector<1x16xf32> to vector<16xf32>
        %swap3A_1204 = vector.shape_cast %add3A_1199 : vector<16xf32> to vector<1x16xf32>
        tpu.vector_store %arg12[%swap3A_1200, %swap3A_1201], %swap3A_1204 {strides = array<i32>} : memref<256x64xf32, #tpu.memory_space<vmem>>, vector<1x16xf32>,
        %get3A_1205 = arith.index_cast %add3A_1182 : i32 to index
        %get3A_1206 = arith.constant 16 : index
        %get3A_1207 = tpu.vector_load %arg12[%get3A_1205, %get3A_1206] {strides = array<i32>} : memref<256x64xf32, #tpu.memory_space<vmem>>, vector<1x16xf32>,
        %get3A_1208 = vector.shape_cast %get3A_1207 : vector<1x16xf32> to vector<16xf32>
        %mul3A_1209 = arith.mulf %gather3A_1160, %get3A_1208 : vector<16xf32>
        %get3A_1210 = arith.index_cast %add3A_1182 : i32 to index
        %get3A_1211 = arith.constant 16 : index
        %get3A_1212 = tpu.vector_load %arg13[%get3A_1210, %get3A_1211] {strides = array<i32>} : memref<256x64xf32, #tpu.memory_space<vmem>>, vector<1x16xf32>,
        %get3A_1213 = vector.shape_cast %get3A_1212 : vector<1x16xf32> to vector<16xf32>
        %mul3A_1214 = arith.mulf %gather3A_1170, %get3A_1213 : vector<16xf32>
        %add3A_1215 = arith.addf %mul3A_1209, %mul3A_1214 : vector<16xf32>
        %get3A_1216 = arith.index_cast %add3A_1182 : i32 to index
        %get3A_1217 = arith.constant 16 : index
        %get3A_1218 = tpu.vector_load %arg14[%get3A_1216, %get3A_1217] {strides = array<i32>} : memref<256x64xf32, #tpu.memory_space<vmem>>, vector<1x16xf32>,
        %get3A_1219 = vector.shape_cast %get3A_1218 : vector<1x16xf32> to vector<16xf32>
        %mul3A_1220 = arith.mulf %gather3A_1180, %get3A_1219 : vector<16xf32>
        %add3A_1221 = arith.addf %add3A_1215, %mul3A_1220 : vector<16xf32>
        %swap3A_1222 = arith.index_cast %add3A_1182 : i32 to index
        %swap3A_1223 = arith.constant 16 : index
        %swap3A_1224 = tpu.vector_load %arg12[%swap3A_1222, %swap3A_1223] {strides = array<i32>} : memref<256x64xf32, #tpu.memory_space<vmem>>, vector<1x16xf32>,
        %swap3A_1225 = vector.shape_cast %swap3A_1224 : vector<1x16xf32> to vector<16xf32>
        %swap3A_1226 = vector.shape_cast %add3A_1221 : vector<16xf32> to vector<1x16xf32>
        tpu.vector_store %arg12[%swap3A_1222, %swap3A_1223], %swap3A_1226 {strides = array<i32>} : memref<256x64xf32, #tpu.memory_space<vmem>>, vector<1x16xf32>,
        %get3A_1227 = arith.index_cast %add3A_1182 : i32 to index
        %get3A_1228 = arith.constant 32 : index
        %get3A_1229 = tpu.vector_load %arg12[%get3A_1227, %get3A_1228] {strides = array<i32>} : memref<256x64xf32, #tpu.memory_space<vmem>>, vector<1x16xf32>,
        %get3A_1230 = vector.shape_cast %get3A_1229 : vector<1x16xf32> to vector<16xf32>
        %mul3A_1231 = arith.mulf %gather3A_1160, %get3A_1230 : vector<16xf32>
        %get3A_1232 = arith.index_cast %add3A_1182 : i32 to index
        %get3A_1233 = arith.constant 32 : index
        %get3A_1234 = tpu.vector_load %arg13[%get3A_1232, %get3A_1233] {strides = array<i32>} : memref<256x64xf32, #tpu.memory_space<vmem>>, vector<1x16xf32>,
        %get3A_1235 = vector.shape_cast %get3A_1234 : vector<1x16xf32> to vector<16xf32>
        %mul3A_1236 = arith.mulf %gather3A_1170, %get3A_1235 : vector<16xf32>
        %add3A_1237 = arith.addf %mul3A_1231, %mul3A_1236 : vector<16xf32>
        %get3A_1238 = arith.index_cast %add3A_1182 : i32 to index
        %get3A_1239 = arith.constant 32 : index
        %get3A_1240 = tpu.vector_load %arg14[%get3A_1238, %get3A_1239] {strides = array<i32>} : memref<256x64xf32, #tpu.memory_space<vmem>>, vector<1x16xf32>,
        %get3A_1241 = vector.shape_cast %get3A_1240 : vector<1x16xf32> to vector<16xf32>
        %mul3A_1242 = arith.mulf %gather3A_1180, %get3A_1241 : vector<16xf32>
        %add3A_1243 = arith.addf %add3A_1237, %mul3A_1242 : vector<16xf32>
        %swap3A_1244 = arith.index_cast %add3A_1182 : i32 to index
        %swap3A_1245 = arith.constant 32 : index
        %swap3A_1246 = tpu.vector_load %arg12[%swap3A_1244, %swap3A_1245] {strides = array<i32>} : memref<256x64xf32, #tpu.memory_space<vmem>>, vector<1x16xf32>,
        %swap3A_1247 = vector.shape_cast %swap3A_1246 : vector<1x16xf32> to vector<16xf32>
        %swap3A_1248 = vector.shape_cast %add3A_1243 : vector<16xf32> to vector<1x16xf32>
        tpu.vector_store %arg12[%swap3A_1244, %swap3A_1245], %swap3A_1248 {strides = array<i32>} : memref<256x64xf32, #tpu.memory_space<vmem>>, vector<1x16xf32>,
        %get3A_1249 = arith.index_cast %add3A_1182 : i32 to index
        %get3A_1250 = arith.constant 48 : index
        %get3A_1251 = tpu.vector_load %arg12[%get3A_1249, %get3A_1250] {strides = array<i32>} : memref<256x64xf32, #tpu.memory_space<vmem>>, vector<1x16xf32>,
        %get3A_1252 = vector.shape_cast %get3A_1251 : vector<1x16xf32> to vector<16xf32>
        %mul3A_1253 = arith.mulf %gather3A_1160, %get3A_1252 : vector<16xf32>
        %get3A_1254 = arith.index_cast %add3A_1182 : i32 to index
        %get3A_1255 = arith.constant 48 : index
        %get3A_1256 = tpu.vector_load %arg13[%get3A_1254, %get3A_1255] {strides = array<i32>} : memref<256x64xf32, #tpu.memory_space<vmem>>, vector<1x16xf32>,
        %get3A_1257 = vector.shape_cast %get3A_1256 : vector<1x16xf32> to vector<16xf32>
        %mul3A_1258 = arith.mulf %gather3A_1170, %get3A_1257 : vector<16xf32>
        %add3A_1259 = arith.addf %mul3A_1253, %mul3A_1258 : vector<16xf32>
        %get3A_1260 = arith.index_cast %add3A_1182 : i32 to index
        %get3A_1261 = arith.constant 48 : index
        %get3A_1262 = tpu.vector_load %arg14[%get3A_1260, %get3A_1261] {strides = array<i32>} : memref<256x64xf32, #tpu.memory_space<vmem>>, vector<1x16xf32>,
        %get3A_1263 = vector.shape_cast %get3A_1262 : vector<1x16xf32> to vector<16xf32>
        %mul3A_1264 = arith.mulf %gather3A_1180, %get3A_1263 : vector<16xf32>
        %add3A_1265 = arith.addf %add3A_1259, %mul3A_1264 : vector<16xf32>
        %swap3A_1266 = arith.index_cast %add3A_1182 : i32 to index
        %swap3A_1267 = arith.constant 48 : index
        %swap3A_1268 = tpu.vector_load %arg12[%swap3A_1266, %swap3A_1267] {strides = array<i32>} : memref<256x64xf32, #tpu.memory_space<vmem>>, vector<1x16xf32>,
        %swap3A_1269 = vector.shape_cast %swap3A_1268 : vector<1x16xf32> to vector<16xf32>
        %swap3A_1270 = vector.shape_cast %add3A_1265 : vector<16xf32> to vector<1x16xf32>
        tpu.vector_store %arg12[%swap3A_1266, %swap3A_1267], %swap3A_1270 {strides = array<i32>} : memref<256x64xf32, #tpu.memory_space<vmem>>, vector<1x16xf32>,
        %broadcast_in_dim3A_1271 = arith.constant 10 : i32
        %broadcast_in_dim3A_1272 = vector.broadcast %broadcast_in_dim3A_1271 : i32 to vector<16xi32>
        %lt3A_1273 = arith.constant 0 : i32
        %lt3A_1274 = vector.broadcast %lt3A_1273 : i32 to vector<16xi32>
        %lt3A_1275 = arith.cmpi slt, %broadcast_in_dim3A_1272, %lt3A_1274 : vector<16xi32>
        %add3A_1276 = arith.constant 16 : i32
        %add3A_1277 = vector.broadcast %add3A_1276 : i32 to vector<16xi32>
        %add3A_1278 = arith.addi %broadcast_in_dim3A_1272, %add3A_1277 : vector<16xi32>
        %select_n3A_1279 = arith.select %lt3A_1275, %add3A_1278, %broadcast_in_dim3A_1272 : vector<16xi1>, vector<16xi32>
        %broadcast_in_dim3A_1280 = vector.shape_cast %select_n3A_1279 : vector<16xi32> to vector<16x1xi32>
        %gather3A_1281 = vector.shape_cast %broadcast_in_dim3A_1280 : vector<16x1xi32> to vector<16xi32>
        %gather3A_1282 = tpu.dynamic_gather %get3A_49[%gather3A_1281] in [0] : vector<16xf32>, vector<16xi32> -> vector<16xf32>
        %lt3A_1283 = arith.constant 0 : i32
        %lt3A_1284 = vector.broadcast %lt3A_1283 : i32 to vector<16xi32>
        %lt3A_1285 = arith.cmpi slt, %broadcast_in_dim3A_1272, %lt3A_1284 : vector<16xi32>
        %add3A_1286 = arith.constant 16 : i32
        %add3A_1287 = vector.broadcast %add3A_1286 : i32 to vector<16xi32>
        %add3A_1288 = arith.addi %broadcast_in_dim3A_1272, %add3A_1287 : vector<16xi32>
        %select_n3A_1289 = arith.select %lt3A_1285, %add3A_1288, %broadcast_in_dim3A_1272 : vector<16xi1>, vector<16xi32>
        %broadcast_in_dim3A_1290 = vector.shape_cast %select_n3A_1289 : vector<16xi32> to vector<16x1xi32>
        %gather3A_1291 = vector.shape_cast %broadcast_in_dim3A_1290 : vector<16x1xi32> to vector<16xi32>
        %gather3A_1292 = tpu.dynamic_gather %get3A_52[%gather3A_1291] in [0] : vector<16xf32>, vector<16xi32> -> vector<16xf32>
        %lt3A_1293 = arith.constant 0 : i32
        %lt3A_1294 = vector.broadcast %lt3A_1293 : i32 to vector<16xi32>
        %lt3A_1295 = arith.cmpi slt, %broadcast_in_dim3A_1272, %lt3A_1294 : vector<16xi32>
        %add3A_1296 = arith.constant 16 : i32
        %add3A_1297 = vector.broadcast %add3A_1296 : i32 to vector<16xi32>
        %add3A_1298 = arith.addi %broadcast_in_dim3A_1272, %add3A_1297 : vector<16xi32>
        %select_n3A_1299 = arith.select %lt3A_1295, %add3A_1298, %broadcast_in_dim3A_1272 : vector<16xi1>, vector<16xi32>
        %broadcast_in_dim3A_1300 = vector.shape_cast %select_n3A_1299 : vector<16xi32> to vector<16x1xi32>
        %gather3A_1301 = vector.shape_cast %broadcast_in_dim3A_1300 : vector<16x1xi32> to vector<16xi32>
        %gather3A_1302 = tpu.dynamic_gather %get3A_55[%gather3A_1301] in [0] : vector<16xf32>, vector<16xi32> -> vector<16xf32>
        %add3A_1303 = arith.constant 10 : i32
        %add3A_1304 = arith.addi %mul3A_47, %add3A_1303 : i32
        %get3A_1305 = arith.index_cast %add3A_1304 : i32 to index
        %get3A_1306 = arith.constant 0 : index
        %get3A_1307 = tpu.vector_load %arg12[%get3A_1305, %get3A_1306] {strides = array<i32>} : memref<256x64xf32, #tpu.memory_space<vmem>>, vector<1x16xf32>,
        %get3A_1308 = vector.shape_cast %get3A_1307 : vector<1x16xf32> to vector<16xf32>
        %mul3A_1309 = arith.mulf %gather3A_1282, %get3A_1308 : vector<16xf32>
        %get3A_1310 = arith.index_cast %add3A_1304 : i32 to index
        %get3A_1311 = arith.constant 0 : index
        %get3A_1312 = tpu.vector_load %arg13[%get3A_1310, %get3A_1311] {strides = array<i32>} : memref<256x64xf32, #tpu.memory_space<vmem>>, vector<1x16xf32>,
        %get3A_1313 = vector.shape_cast %get3A_1312 : vector<1x16xf32> to vector<16xf32>
        %mul3A_1314 = arith.mulf %gather3A_1292, %get3A_1313 : vector<16xf32>
        %add3A_1315 = arith.addf %mul3A_1309, %mul3A_1314 : vector<16xf32>
        %get3A_1316 = arith.index_cast %add3A_1304 : i32 to index
        %get3A_1317 = arith.constant 0 : index
        %get3A_1318 = tpu.vector_load %arg14[%get3A_1316, %get3A_1317] {strides = array<i32>} : memref<256x64xf32, #tpu.memory_space<vmem>>, vector<1x16xf32>,
        %get3A_1319 = vector.shape_cast %get3A_1318 : vector<1x16xf32> to vector<16xf32>
        %mul3A_1320 = arith.mulf %gather3A_1302, %get3A_1319 : vector<16xf32>
        %add3A_1321 = arith.addf %add3A_1315, %mul3A_1320 : vector<16xf32>
        %swap3A_1322 = arith.index_cast %add3A_1304 : i32 to index
        %swap3A_1323 = arith.constant 0 : index
        %swap3A_1324 = tpu.vector_load %arg12[%swap3A_1322, %swap3A_1323] {strides = array<i32>} : memref<256x64xf32, #tpu.memory_space<vmem>>, vector<1x16xf32>,
        %swap3A_1325 = vector.shape_cast %swap3A_1324 : vector<1x16xf32> to vector<16xf32>
        %swap3A_1326 = vector.shape_cast %add3A_1321 : vector<16xf32> to vector<1x16xf32>
        tpu.vector_store %arg12[%swap3A_1322, %swap3A_1323], %swap3A_1326 {strides = array<i32>} : memref<256x64xf32, #tpu.memory_space<vmem>>, vector<1x16xf32>,
        %get3A_1327 = arith.index_cast %add3A_1304 : i32 to index
        %get3A_1328 = arith.constant 16 : index
        %get3A_1329 = tpu.vector_load %arg12[%get3A_1327, %get3A_1328] {strides = array<i32>} : memref<256x64xf32, #tpu.memory_space<vmem>>, vector<1x16xf32>,
        %get3A_1330 = vector.shape_cast %get3A_1329 : vector<1x16xf32> to vector<16xf32>
        %mul3A_1331 = arith.mulf %gather3A_1282, %get3A_1330 : vector<16xf32>
        %get3A_1332 = arith.index_cast %add3A_1304 : i32 to index
        %get3A_1333 = arith.constant 16 : index
        %get3A_1334 = tpu.vector_load %arg13[%get3A_1332, %get3A_1333] {strides = array<i32>} : memref<256x64xf32, #tpu.memory_space<vmem>>, vector<1x16xf32>,
        %get3A_1335 = vector.shape_cast %get3A_1334 : vector<1x16xf32> to vector<16xf32>
        %mul3A_1336 = arith.mulf %gather3A_1292, %get3A_1335 : vector<16xf32>
        %add3A_1337 = arith.addf %mul3A_1331, %mul3A_1336 : vector<16xf32>
        %get3A_1338 = arith.index_cast %add3A_1304 : i32 to index
        %get3A_1339 = arith.constant 16 : index
        %get3A_1340 = tpu.vector_load %arg14[%get3A_1338, %get3A_1339] {strides = array<i32>} : memref<256x64xf32, #tpu.memory_space<vmem>>, vector<1x16xf32>,
        %get3A_1341 = vector.shape_cast %get3A_1340 : vector<1x16xf32> to vector<16xf32>
        %mul3A_1342 = arith.mulf %gather3A_1302, %get3A_1341 : vector<16xf32>
        %add3A_1343 = arith.addf %add3A_1337, %mul3A_1342 : vector<16xf32>
        %swap3A_1344 = arith.index_cast %add3A_1304 : i32 to index
        %swap3A_1345 = arith.constant 16 : index
        %swap3A_1346 = tpu.vector_load %arg12[%swap3A_1344, %swap3A_1345] {strides = array<i32>} : memref<256x64xf32, #tpu.memory_space<vmem>>, vector<1x16xf32>,
        %swap3A_1347 = vector.shape_cast %swap3A_1346 : vector<1x16xf32> to vector<16xf32>
        %swap3A_1348 = vector.shape_cast %add3A_1343 : vector<16xf32> to vector<1x16xf32>
        tpu.vector_store %arg12[%swap3A_1344, %swap3A_1345], %swap3A_1348 {strides = array<i32>} : memref<256x64xf32, #tpu.memory_space<vmem>>, vector<1x16xf32>,
        %get3A_1349 = arith.index_cast %add3A_1304 : i32 to index
        %get3A_1350 = arith.constant 32 : index
        %get3A_1351 = tpu.vector_load %arg12[%get3A_1349, %get3A_1350] {strides = array<i32>} : memref<256x64xf32, #tpu.memory_space<vmem>>, vector<1x16xf32>,
        %get3A_1352 = vector.shape_cast %get3A_1351 : vector<1x16xf32> to vector<16xf32>
        %mul3A_1353 = arith.mulf %gather3A_1282, %get3A_1352 : vector<16xf32>
        %get3A_1354 = arith.index_cast %add3A_1304 : i32 to index
        %get3A_1355 = arith.constant 32 : index
        %get3A_1356 = tpu.vector_load %arg13[%get3A_1354, %get3A_1355] {strides = array<i32>} : memref<256x64xf32, #tpu.memory_space<vmem>>, vector<1x16xf32>,
        %get3A_1357 = vector.shape_cast %get3A_1356 : vector<1x16xf32> to vector<16xf32>
        %mul3A_1358 = arith.mulf %gather3A_1292, %get3A_1357 : vector<16xf32>
        %add3A_1359 = arith.addf %mul3A_1353, %mul3A_1358 : vector<16xf32>
        %get3A_1360 = arith.index_cast %add3A_1304 : i32 to index
        %get3A_1361 = arith.constant 32 : index
        %get3A_1362 = tpu.vector_load %arg14[%get3A_1360, %get3A_1361] {strides = array<i32>} : memref<256x64xf32, #tpu.memory_space<vmem>>, vector<1x16xf32>,
        %get3A_1363 = vector.shape_cast %get3A_1362 : vector<1x16xf32> to vector<16xf32>
        %mul3A_1364 = arith.mulf %gather3A_1302, %get3A_1363 : vector<16xf32>
        %add3A_1365 = arith.addf %add3A_1359, %mul3A_1364 : vector<16xf32>
        %swap3A_1366 = arith.index_cast %add3A_1304 : i32 to index
        %swap3A_1367 = arith.constant 32 : index
        %swap3A_1368 = tpu.vector_load %arg12[%swap3A_1366, %swap3A_1367] {strides = array<i32>} : memref<256x64xf32, #tpu.memory_space<vmem>>, vector<1x16xf32>,
        %swap3A_1369 = vector.shape_cast %swap3A_1368 : vector<1x16xf32> to vector<16xf32>
        %swap3A_1370 = vector.shape_cast %add3A_1365 : vector<16xf32> to vector<1x16xf32>
        tpu.vector_store %arg12[%swap3A_1366, %swap3A_1367], %swap3A_1370 {strides = array<i32>} : memref<256x64xf32, #tpu.memory_space<vmem>>, vector<1x16xf32>,
        %get3A_1371 = arith.index_cast %add3A_1304 : i32 to index
        %get3A_1372 = arith.constant 48 : index
        %get3A_1373 = tpu.vector_load %arg12[%get3A_1371, %get3A_1372] {strides = array<i32>} : memref<256x64xf32, #tpu.memory_space<vmem>>, vector<1x16xf32>,
        %get3A_1374 = vector.shape_cast %get3A_1373 : vector<1x16xf32> to vector<16xf32>
        %mul3A_1375 = arith.mulf %gather3A_1282, %get3A_1374 : vector<16xf32>
        %get3A_1376 = arith.index_cast %add3A_1304 : i32 to index
        %get3A_1377 = arith.constant 48 : index
        %get3A_1378 = tpu.vector_load %arg13[%get3A_1376, %get3A_1377] {strides = array<i32>} : memref<256x64xf32, #tpu.memory_space<vmem>>, vector<1x16xf32>,
        %get3A_1379 = vector.shape_cast %get3A_1378 : vector<1x16xf32> to vector<16xf32>
        %mul3A_1380 = arith.mulf %gather3A_1292, %get3A_1379 : vector<16xf32>
        %add3A_1381 = arith.addf %mul3A_1375, %mul3A_1380 : vector<16xf32>
        %get3A_1382 = arith.index_cast %add3A_1304 : i32 to index
        %get3A_1383 = arith.constant 48 : index
        %get3A_1384 = tpu.vector_load %arg14[%get3A_1382, %get3A_1383] {strides = array<i32>} : memref<256x64xf32, #tpu.memory_space<vmem>>, vector<1x16xf32>,
        %get3A_1385 = vector.shape_cast %get3A_1384 : vector<1x16xf32> to vector<16xf32>
        %mul3A_1386 = arith.mulf %gather3A_1302, %get3A_1385 : vector<16xf32>
        %add3A_1387 = arith.addf %add3A_1381, %mul3A_1386 : vector<16xf32>
        %swap3A_1388 = arith.index_cast %add3A_1304 : i32 to index
        %swap3A_1389 = arith.constant 48 : index
        %swap3A_1390 = tpu.vector_load %arg12[%swap3A_1388, %swap3A_1389] {strides = array<i32>} : memref<256x64xf32, #tpu.memory_space<vmem>>, vector<1x16xf32>,
        %swap3A_1391 = vector.shape_cast %swap3A_1390 : vector<1x16xf32> to vector<16xf32>
        %swap3A_1392 = vector.shape_cast %add3A_1387 : vector<16xf32> to vector<1x16xf32>
        tpu.vector_store %arg12[%swap3A_1388, %swap3A_1389], %swap3A_1392 {strides = array<i32>} : memref<256x64xf32, #tpu.memory_space<vmem>>, vector<1x16xf32>,
        %broadcast_in_dim3A_1393 = arith.constant 11 : i32
        %broadcast_in_dim3A_1394 = vector.broadcast %broadcast_in_dim3A_1393 : i32 to vector<16xi32>
        %lt3A_1395 = arith.constant 0 : i32
        %lt3A_1396 = vector.broadcast %lt3A_1395 : i32 to vector<16xi32>
        %lt3A_1397 = arith.cmpi slt, %broadcast_in_dim3A_1394, %lt3A_1396 : vector<16xi32>
        %add3A_1398 = arith.constant 16 : i32
        %add3A_1399 = vector.broadcast %add3A_1398 : i32 to vector<16xi32>
        %add3A_1400 = arith.addi %broadcast_in_dim3A_1394, %add3A_1399 : vector<16xi32>
        %select_n3A_1401 = arith.select %lt3A_1397, %add3A_1400, %broadcast_in_dim3A_1394 : vector<16xi1>, vector<16xi32>
        %broadcast_in_dim3A_1402 = vector.shape_cast %select_n3A_1401 : vector<16xi32> to vector<16x1xi32>
        %gather3A_1403 = vector.shape_cast %broadcast_in_dim3A_1402 : vector<16x1xi32> to vector<16xi32>
        %gather3A_1404 = tpu.dynamic_gather %get3A_49[%gather3A_1403] in [0] : vector<16xf32>, vector<16xi32> -> vector<16xf32>
        %lt3A_1405 = arith.constant 0 : i32
        %lt3A_1406 = vector.broadcast %lt3A_1405 : i32 to vector<16xi32>
        %lt3A_1407 = arith.cmpi slt, %broadcast_in_dim3A_1394, %lt3A_1406 : vector<16xi32>
        %add3A_1408 = arith.constant 16 : i32
        %add3A_1409 = vector.broadcast %add3A_1408 : i32 to vector<16xi32>
        %add3A_1410 = arith.addi %broadcast_in_dim3A_1394, %add3A_1409 : vector<16xi32>
        %select_n3A_1411 = arith.select %lt3A_1407, %add3A_1410, %broadcast_in_dim3A_1394 : vector<16xi1>, vector<16xi32>
        %broadcast_in_dim3A_1412 = vector.shape_cast %select_n3A_1411 : vector<16xi32> to vector<16x1xi32>
        %gather3A_1413 = vector.shape_cast %broadcast_in_dim3A_1412 : vector<16x1xi32> to vector<16xi32>
        %gather3A_1414 = tpu.dynamic_gather %get3A_52[%gather3A_1413] in [0] : vector<16xf32>, vector<16xi32> -> vector<16xf32>
        %lt3A_1415 = arith.constant 0 : i32
        %lt3A_1416 = vector.broadcast %lt3A_1415 : i32 to vector<16xi32>
        %lt3A_1417 = arith.cmpi slt, %broadcast_in_dim3A_1394, %lt3A_1416 : vector<16xi32>
        %add3A_1418 = arith.constant 16 : i32
        %add3A_1419 = vector.broadcast %add3A_1418 : i32 to vector<16xi32>
        %add3A_1420 = arith.addi %broadcast_in_dim3A_1394, %add3A_1419 : vector<16xi32>
        %select_n3A_1421 = arith.select %lt3A_1417, %add3A_1420, %broadcast_in_dim3A_1394 : vector<16xi1>, vector<16xi32>
        %broadcast_in_dim3A_1422 = vector.shape_cast %select_n3A_1421 : vector<16xi32> to vector<16x1xi32>
        %gather3A_1423 = vector.shape_cast %broadcast_in_dim3A_1422 : vector<16x1xi32> to vector<16xi32>
        %gather3A_1424 = tpu.dynamic_gather %get3A_55[%gather3A_1423] in [0] : vector<16xf32>, vector<16xi32> -> vector<16xf32>
        %add3A_1425 = arith.constant 11 : i32
        %add3A_1426 = arith.addi %mul3A_47, %add3A_1425 : i32
        %get3A_1427 = arith.index_cast %add3A_1426 : i32 to index
        %get3A_1428 = arith.constant 0 : index
        %get3A_1429 = tpu.vector_load %arg12[%get3A_1427, %get3A_1428] {strides = array<i32>} : memref<256x64xf32, #tpu.memory_space<vmem>>, vector<1x16xf32>,
        %get3A_1430 = vector.shape_cast %get3A_1429 : vector<1x16xf32> to vector<16xf32>
        %mul3A_1431 = arith.mulf %gather3A_1404, %get3A_1430 : vector<16xf32>
        %get3A_1432 = arith.index_cast %add3A_1426 : i32 to index
        %get3A_1433 = arith.constant 0 : index
        %get3A_1434 = tpu.vector_load %arg13[%get3A_1432, %get3A_1433] {strides = array<i32>} : memref<256x64xf32, #tpu.memory_space<vmem>>, vector<1x16xf32>,
        %get3A_1435 = vector.shape_cast %get3A_1434 : vector<1x16xf32> to vector<16xf32>
        %mul3A_1436 = arith.mulf %gather3A_1414, %get3A_1435 : vector<16xf32>
        %add3A_1437 = arith.addf %mul3A_1431, %mul3A_1436 : vector<16xf32>
        %get3A_1438 = arith.index_cast %add3A_1426 : i32 to index
        %get3A_1439 = arith.constant 0 : index
        %get3A_1440 = tpu.vector_load %arg14[%get3A_1438, %get3A_1439] {strides = array<i32>} : memref<256x64xf32, #tpu.memory_space<vmem>>, vector<1x16xf32>,
        %get3A_1441 = vector.shape_cast %get3A_1440 : vector<1x16xf32> to vector<16xf32>
        %mul3A_1442 = arith.mulf %gather3A_1424, %get3A_1441 : vector<16xf32>
        %add3A_1443 = arith.addf %add3A_1437, %mul3A_1442 : vector<16xf32>
        %swap3A_1444 = arith.index_cast %add3A_1426 : i32 to index
        %swap3A_1445 = arith.constant 0 : index
        %swap3A_1446 = tpu.vector_load %arg12[%swap3A_1444, %swap3A_1445] {strides = array<i32>} : memref<256x64xf32, #tpu.memory_space<vmem>>, vector<1x16xf32>,
        %swap3A_1447 = vector.shape_cast %swap3A_1446 : vector<1x16xf32> to vector<16xf32>
        %swap3A_1448 = vector.shape_cast %add3A_1443 : vector<16xf32> to vector<1x16xf32>
        tpu.vector_store %arg12[%swap3A_1444, %swap3A_1445], %swap3A_1448 {strides = array<i32>} : memref<256x64xf32, #tpu.memory_space<vmem>>, vector<1x16xf32>,
        %get3A_1449 = arith.index_cast %add3A_1426 : i32 to index
        %get3A_1450 = arith.constant 16 : index
        %get3A_1451 = tpu.vector_load %arg12[%get3A_1449, %get3A_1450] {strides = array<i32>} : memref<256x64xf32, #tpu.memory_space<vmem>>, vector<1x16xf32>,
        %get3A_1452 = vector.shape_cast %get3A_1451 : vector<1x16xf32> to vector<16xf32>
        %mul3A_1453 = arith.mulf %gather3A_1404, %get3A_1452 : vector<16xf32>
        %get3A_1454 = arith.index_cast %add3A_1426 : i32 to index
        %get3A_1455 = arith.constant 16 : index
        %get3A_1456 = tpu.vector_load %arg13[%get3A_1454, %get3A_1455] {strides = array<i32>} : memref<256x64xf32, #tpu.memory_space<vmem>>, vector<1x16xf32>,
        %get3A_1457 = vector.shape_cast %get3A_1456 : vector<1x16xf32> to vector<16xf32>
        %mul3A_1458 = arith.mulf %gather3A_1414, %get3A_1457 : vector<16xf32>
        %add3A_1459 = arith.addf %mul3A_1453, %mul3A_1458 : vector<16xf32>
        %get3A_1460 = arith.index_cast %add3A_1426 : i32 to index
        %get3A_1461 = arith.constant 16 : index
        %get3A_1462 = tpu.vector_load %arg14[%get3A_1460, %get3A_1461] {strides = array<i32>} : memref<256x64xf32, #tpu.memory_space<vmem>>, vector<1x16xf32>,
        %get3A_1463 = vector.shape_cast %get3A_1462 : vector<1x16xf32> to vector<16xf32>
        %mul3A_1464 = arith.mulf %gather3A_1424, %get3A_1463 : vector<16xf32>
        %add3A_1465 = arith.addf %add3A_1459, %mul3A_1464 : vector<16xf32>
        %swap3A_1466 = arith.index_cast %add3A_1426 : i32 to index
        %swap3A_1467 = arith.constant 16 : index
        %swap3A_1468 = tpu.vector_load %arg12[%swap3A_1466, %swap3A_1467] {strides = array<i32>} : memref<256x64xf32, #tpu.memory_space<vmem>>, vector<1x16xf32>,
        %swap3A_1469 = vector.shape_cast %swap3A_1468 : vector<1x16xf32> to vector<16xf32>
        %swap3A_1470 = vector.shape_cast %add3A_1465 : vector<16xf32> to vector<1x16xf32>
        tpu.vector_store %arg12[%swap3A_1466, %swap3A_1467], %swap3A_1470 {strides = array<i32>} : memref<256x64xf32, #tpu.memory_space<vmem>>, vector<1x16xf32>,
        %get3A_1471 = arith.index_cast %add3A_1426 : i32 to index
        %get3A_1472 = arith.constant 32 : index
        %get3A_1473 = tpu.vector_load %arg12[%get3A_1471, %get3A_1472] {strides = array<i32>} : memref<256x64xf32, #tpu.memory_space<vmem>>, vector<1x16xf32>,
        %get3A_1474 = vector.shape_cast %get3A_1473 : vector<1x16xf32> to vector<16xf32>
        %mul3A_1475 = arith.mulf %gather3A_1404, %get3A_1474 : vector<16xf32>
        %get3A_1476 = arith.index_cast %add3A_1426 : i32 to index
        %get3A_1477 = arith.constant 32 : index
        %get3A_1478 = tpu.vector_load %arg13[%get3A_1476, %get3A_1477] {strides = array<i32>} : memref<256x64xf32, #tpu.memory_space<vmem>>, vector<1x16xf32>,
        %get3A_1479 = vector.shape_cast %get3A_1478 : vector<1x16xf32> to vector<16xf32>
        %mul3A_1480 = arith.mulf %gather3A_1414, %get3A_1479 : vector<16xf32>
        %add3A_1481 = arith.addf %mul3A_1475, %mul3A_1480 : vector<16xf32>
        %get3A_1482 = arith.index_cast %add3A_1426 : i32 to index
        %get3A_1483 = arith.constant 32 : index
        %get3A_1484 = tpu.vector_load %arg14[%get3A_1482, %get3A_1483] {strides = array<i32>} : memref<256x64xf32, #tpu.memory_space<vmem>>, vector<1x16xf32>,
        %get3A_1485 = vector.shape_cast %get3A_1484 : vector<1x16xf32> to vector<16xf32>
        %mul3A_1486 = arith.mulf %gather3A_1424, %get3A_1485 : vector<16xf32>
        %add3A_1487 = arith.addf %add3A_1481, %mul3A_1486 : vector<16xf32>
        %swap3A_1488 = arith.index_cast %add3A_1426 : i32 to index
        %swap3A_1489 = arith.constant 32 : index
        %swap3A_1490 = tpu.vector_load %arg12[%swap3A_1488, %swap3A_1489] {strides = array<i32>} : memref<256x64xf32, #tpu.memory_space<vmem>>, vector<1x16xf32>,
        %swap3A_1491 = vector.shape_cast %swap3A_1490 : vector<1x16xf32> to vector<16xf32>
        %swap3A_1492 = vector.shape_cast %add3A_1487 : vector<16xf32> to vector<1x16xf32>
        tpu.vector_store %arg12[%swap3A_1488, %swap3A_1489], %swap3A_1492 {strides = array<i32>} : memref<256x64xf32, #tpu.memory_space<vmem>>, vector<1x16xf32>,
        %get3A_1493 = arith.index_cast %add3A_1426 : i32 to index
        %get3A_1494 = arith.constant 48 : index
        %get3A_1495 = tpu.vector_load %arg12[%get3A_1493, %get3A_1494] {strides = array<i32>} : memref<256x64xf32, #tpu.memory_space<vmem>>, vector<1x16xf32>,
        %get3A_1496 = vector.shape_cast %get3A_1495 : vector<1x16xf32> to vector<16xf32>
        %mul3A_1497 = arith.mulf %gather3A_1404, %get3A_1496 : vector<16xf32>
        %get3A_1498 = arith.index_cast %add3A_1426 : i32 to index
        %get3A_1499 = arith.constant 48 : index
        %get3A_1500 = tpu.vector_load %arg13[%get3A_1498, %get3A_1499] {strides = array<i32>} : memref<256x64xf32, #tpu.memory_space<vmem>>, vector<1x16xf32>,
        %get3A_1501 = vector.shape_cast %get3A_1500 : vector<1x16xf32> to vector<16xf32>
        %mul3A_1502 = arith.mulf %gather3A_1414, %get3A_1501 : vector<16xf32>
        %add3A_1503 = arith.addf %mul3A_1497, %mul3A_1502 : vector<16xf32>
        %get3A_1504 = arith.index_cast %add3A_1426 : i32 to index
        %get3A_1505 = arith.constant 48 : index
        %get3A_1506 = tpu.vector_load %arg14[%get3A_1504, %get3A_1505] {strides = array<i32>} : memref<256x64xf32, #tpu.memory_space<vmem>>, vector<1x16xf32>,
        %get3A_1507 = vector.shape_cast %get3A_1506 : vector<1x16xf32> to vector<16xf32>
        %mul3A_1508 = arith.mulf %gather3A_1424, %get3A_1507 : vector<16xf32>
        %add3A_1509 = arith.addf %add3A_1503, %mul3A_1508 : vector<16xf32>
        %swap3A_1510 = arith.index_cast %add3A_1426 : i32 to index
        %swap3A_1511 = arith.constant 48 : index
        %swap3A_1512 = tpu.vector_load %arg12[%swap3A_1510, %swap3A_1511] {strides = array<i32>} : memref<256x64xf32, #tpu.memory_space<vmem>>, vector<1x16xf32>,
        %swap3A_1513 = vector.shape_cast %swap3A_1512 : vector<1x16xf32> to vector<16xf32>
        %swap3A_1514 = vector.shape_cast %add3A_1509 : vector<16xf32> to vector<1x16xf32>
        tpu.vector_store %arg12[%swap3A_1510, %swap3A_1511], %swap3A_1514 {strides = array<i32>} : memref<256x64xf32, #tpu.memory_space<vmem>>, vector<1x16xf32>,
        %broadcast_in_dim3A_1515 = arith.constant 12 : i32
        %broadcast_in_dim3A_1516 = vector.broadcast %broadcast_in_dim3A_1515 : i32 to vector<16xi32>
        %lt3A_1517 = arith.constant 0 : i32
        %lt3A_1518 = vector.broadcast %lt3A_1517 : i32 to vector<16xi32>
        %lt3A_1519 = arith.cmpi slt, %broadcast_in_dim3A_1516, %lt3A_1518 : vector<16xi32>
        %add3A_1520 = arith.constant 16 : i32
        %add3A_1521 = vector.broadcast %add3A_1520 : i32 to vector<16xi32>
        %add3A_1522 = arith.addi %broadcast_in_dim3A_1516, %add3A_1521 : vector<16xi32>
        %select_n3A_1523 = arith.select %lt3A_1519, %add3A_1522, %broadcast_in_dim3A_1516 : vector<16xi1>, vector<16xi32>
        %broadcast_in_dim3A_1524 = vector.shape_cast %select_n3A_1523 : vector<16xi32> to vector<16x1xi32>
        %gather3A_1525 = vector.shape_cast %broadcast_in_dim3A_1524 : vector<16x1xi32> to vector<16xi32>
        %gather3A_1526 = tpu.dynamic_gather %get3A_49[%gather3A_1525] in [0] : vector<16xf32>, vector<16xi32> -> vector<16xf32>
        %lt3A_1527 = arith.constant 0 : i32
        %lt3A_1528 = vector.broadcast %lt3A_1527 : i32 to vector<16xi32>
        %lt3A_1529 = arith.cmpi slt, %broadcast_in_dim3A_1516, %lt3A_1528 : vector<16xi32>
        %add3A_1530 = arith.constant 16 : i32
        %add3A_1531 = vector.broadcast %add3A_1530 : i32 to vector<16xi32>
        %add3A_1532 = arith.addi %broadcast_in_dim3A_1516, %add3A_1531 : vector<16xi32>
        %select_n3A_1533 = arith.select %lt3A_1529, %add3A_1532, %broadcast_in_dim3A_1516 : vector<16xi1>, vector<16xi32>
        %broadcast_in_dim3A_1534 = vector.shape_cast %select_n3A_1533 : vector<16xi32> to vector<16x1xi32>
        %gather3A_1535 = vector.shape_cast %broadcast_in_dim3A_1534 : vector<16x1xi32> to vector<16xi32>
        %gather3A_1536 = tpu.dynamic_gather %get3A_52[%gather3A_1535] in [0] : vector<16xf32>, vector<16xi32> -> vector<16xf32>
        %lt3A_1537 = arith.constant 0 : i32
        %lt3A_1538 = vector.broadcast %lt3A_1537 : i32 to vector<16xi32>
        %lt3A_1539 = arith.cmpi slt, %broadcast_in_dim3A_1516, %lt3A_1538 : vector<16xi32>
        %add3A_1540 = arith.constant 16 : i32
        %add3A_1541 = vector.broadcast %add3A_1540 : i32 to vector<16xi32>
        %add3A_1542 = arith.addi %broadcast_in_dim3A_1516, %add3A_1541 : vector<16xi32>
        %select_n3A_1543 = arith.select %lt3A_1539, %add3A_1542, %broadcast_in_dim3A_1516 : vector<16xi1>, vector<16xi32>
        %broadcast_in_dim3A_1544 = vector.shape_cast %select_n3A_1543 : vector<16xi32> to vector<16x1xi32>
        %gather3A_1545 = vector.shape_cast %broadcast_in_dim3A_1544 : vector<16x1xi32> to vector<16xi32>
        %gather3A_1546 = tpu.dynamic_gather %get3A_55[%gather3A_1545] in [0] : vector<16xf32>, vector<16xi32> -> vector<16xf32>
        %add3A_1547 = arith.constant 12 : i32
        %add3A_1548 = arith.addi %mul3A_47, %add3A_1547 : i32
        %get3A_1549 = arith.index_cast %add3A_1548 : i32 to index
        %get3A_1550 = arith.constant 0 : index
        %get3A_1551 = tpu.vector_load %arg12[%get3A_1549, %get3A_1550] {strides = array<i32>} : memref<256x64xf32, #tpu.memory_space<vmem>>, vector<1x16xf32>,
        %get3A_1552 = vector.shape_cast %get3A_1551 : vector<1x16xf32> to vector<16xf32>
        %mul3A_1553 = arith.mulf %gather3A_1526, %get3A_1552 : vector<16xf32>
        %get3A_1554 = arith.index_cast %add3A_1548 : i32 to index
        %get3A_1555 = arith.constant 0 : index
        %get3A_1556 = tpu.vector_load %arg13[%get3A_1554, %get3A_1555] {strides = array<i32>} : memref<256x64xf32, #tpu.memory_space<vmem>>, vector<1x16xf32>,
        %get3A_1557 = vector.shape_cast %get3A_1556 : vector<1x16xf32> to vector<16xf32>
        %mul3A_1558 = arith.mulf %gather3A_1536, %get3A_1557 : vector<16xf32>
        %add3A_1559 = arith.addf %mul3A_1553, %mul3A_1558 : vector<16xf32>
        %get3A_1560 = arith.index_cast %add3A_1548 : i32 to index
        %get3A_1561 = arith.constant 0 : index
        %get3A_1562 = tpu.vector_load %arg14[%get3A_1560, %get3A_1561] {strides = array<i32>} : memref<256x64xf32, #tpu.memory_space<vmem>>, vector<1x16xf32>,
        %get3A_1563 = vector.shape_cast %get3A_1562 : vector<1x16xf32> to vector<16xf32>
        %mul3A_1564 = arith.mulf %gather3A_1546, %get3A_1563 : vector<16xf32>
        %add3A_1565 = arith.addf %add3A_1559, %mul3A_1564 : vector<16xf32>
        %swap3A_1566 = arith.index_cast %add3A_1548 : i32 to index
        %swap3A_1567 = arith.constant 0 : index
        %swap3A_1568 = tpu.vector_load %arg12[%swap3A_1566, %swap3A_1567] {strides = array<i32>} : memref<256x64xf32, #tpu.memory_space<vmem>>, vector<1x16xf32>,
        %swap3A_1569 = vector.shape_cast %swap3A_1568 : vector<1x16xf32> to vector<16xf32>
        %swap3A_1570 = vector.shape_cast %add3A_1565 : vector<16xf32> to vector<1x16xf32>
        tpu.vector_store %arg12[%swap3A_1566, %swap3A_1567], %swap3A_1570 {strides = array<i32>} : memref<256x64xf32, #tpu.memory_space<vmem>>, vector<1x16xf32>,
        %get3A_1571 = arith.index_cast %add3A_1548 : i32 to index
        %get3A_1572 = arith.constant 16 : index
        %get3A_1573 = tpu.vector_load %arg12[%get3A_1571, %get3A_1572] {strides = array<i32>} : memref<256x64xf32, #tpu.memory_space<vmem>>, vector<1x16xf32>,
        %get3A_1574 = vector.shape_cast %get3A_1573 : vector<1x16xf32> to vector<16xf32>
        %mul3A_1575 = arith.mulf %gather3A_1526, %get3A_1574 : vector<16xf32>
        %get3A_1576 = arith.index_cast %add3A_1548 : i32 to index
        %get3A_1577 = arith.constant 16 : index
        %get3A_1578 = tpu.vector_load %arg13[%get3A_1576, %get3A_1577] {strides = array<i32>} : memref<256x64xf32, #tpu.memory_space<vmem>>, vector<1x16xf32>,
        %get3A_1579 = vector.shape_cast %get3A_1578 : vector<1x16xf32> to vector<16xf32>
        %mul3A_1580 = arith.mulf %gather3A_1536, %get3A_1579 : vector<16xf32>
        %add3A_1581 = arith.addf %mul3A_1575, %mul3A_1580 : vector<16xf32>
        %get3A_1582 = arith.index_cast %add3A_1548 : i32 to index
        %get3A_1583 = arith.constant 16 : index
        %get3A_1584 = tpu.vector_load %arg14[%get3A_1582, %get3A_1583] {strides = array<i32>} : memref<256x64xf32, #tpu.memory_space<vmem>>, vector<1x16xf32>,
        %get3A_1585 = vector.shape_cast %get3A_1584 : vector<1x16xf32> to vector<16xf32>
        %mul3A_1586 = arith.mulf %gather3A_1546, %get3A_1585 : vector<16xf32>
        %add3A_1587 = arith.addf %add3A_1581, %mul3A_1586 : vector<16xf32>
        %swap3A_1588 = arith.index_cast %add3A_1548 : i32 to index
        %swap3A_1589 = arith.constant 16 : index
        %swap3A_1590 = tpu.vector_load %arg12[%swap3A_1588, %swap3A_1589] {strides = array<i32>} : memref<256x64xf32, #tpu.memory_space<vmem>>, vector<1x16xf32>,
        %swap3A_1591 = vector.shape_cast %swap3A_1590 : vector<1x16xf32> to vector<16xf32>
        %swap3A_1592 = vector.shape_cast %add3A_1587 : vector<16xf32> to vector<1x16xf32>
        tpu.vector_store %arg12[%swap3A_1588, %swap3A_1589], %swap3A_1592 {strides = array<i32>} : memref<256x64xf32, #tpu.memory_space<vmem>>, vector<1x16xf32>,
        %get3A_1593 = arith.index_cast %add3A_1548 : i32 to index
        %get3A_1594 = arith.constant 32 : index
        %get3A_1595 = tpu.vector_load %arg12[%get3A_1593, %get3A_1594] {strides = array<i32>} : memref<256x64xf32, #tpu.memory_space<vmem>>, vector<1x16xf32>,
        %get3A_1596 = vector.shape_cast %get3A_1595 : vector<1x16xf32> to vector<16xf32>
        %mul3A_1597 = arith.mulf %gather3A_1526, %get3A_1596 : vector<16xf32>
        %get3A_1598 = arith.index_cast %add3A_1548 : i32 to index
        %get3A_1599 = arith.constant 32 : index
        %get3A_1600 = tpu.vector_load %arg13[%get3A_1598, %get3A_1599] {strides = array<i32>} : memref<256x64xf32, #tpu.memory_space<vmem>>, vector<1x16xf32>,
        %get3A_1601 = vector.shape_cast %get3A_1600 : vector<1x16xf32> to vector<16xf32>
        %mul3A_1602 = arith.mulf %gather3A_1536, %get3A_1601 : vector<16xf32>
        %add3A_1603 = arith.addf %mul3A_1597, %mul3A_1602 : vector<16xf32>
        %get3A_1604 = arith.index_cast %add3A_1548 : i32 to index
        %get3A_1605 = arith.constant 32 : index
        %get3A_1606 = tpu.vector_load %arg14[%get3A_1604, %get3A_1605] {strides = array<i32>} : memref<256x64xf32, #tpu.memory_space<vmem>>, vector<1x16xf32>,
        %get3A_1607 = vector.shape_cast %get3A_1606 : vector<1x16xf32> to vector<16xf32>
        %mul3A_1608 = arith.mulf %gather3A_1546, %get3A_1607 : vector<16xf32>
        %add3A_1609 = arith.addf %add3A_1603, %mul3A_1608 : vector<16xf32>
        %swap3A_1610 = arith.index_cast %add3A_1548 : i32 to index
        %swap3A_1611 = arith.constant 32 : index
        %swap3A_1612 = tpu.vector_load %arg12[%swap3A_1610, %swap3A_1611] {strides = array<i32>} : memref<256x64xf32, #tpu.memory_space<vmem>>, vector<1x16xf32>,
        %swap3A_1613 = vector.shape_cast %swap3A_1612 : vector<1x16xf32> to vector<16xf32>
        %swap3A_1614 = vector.shape_cast %add3A_1609 : vector<16xf32> to vector<1x16xf32>
        tpu.vector_store %arg12[%swap3A_1610, %swap3A_1611], %swap3A_1614 {strides = array<i32>} : memref<256x64xf32, #tpu.memory_space<vmem>>, vector<1x16xf32>,
        %get3A_1615 = arith.index_cast %add3A_1548 : i32 to index
        %get3A_1616 = arith.constant 48 : index
        %get3A_1617 = tpu.vector_load %arg12[%get3A_1615, %get3A_1616] {strides = array<i32>} : memref<256x64xf32, #tpu.memory_space<vmem>>, vector<1x16xf32>,
        %get3A_1618 = vector.shape_cast %get3A_1617 : vector<1x16xf32> to vector<16xf32>
        %mul3A_1619 = arith.mulf %gather3A_1526, %get3A_1618 : vector<16xf32>
        %get3A_1620 = arith.index_cast %add3A_1548 : i32 to index
        %get3A_1621 = arith.constant 48 : index
        %get3A_1622 = tpu.vector_load %arg13[%get3A_1620, %get3A_1621] {strides = array<i32>} : memref<256x64xf32, #tpu.memory_space<vmem>>, vector<1x16xf32>,
        %get3A_1623 = vector.shape_cast %get3A_1622 : vector<1x16xf32> to vector<16xf32>
        %mul3A_1624 = arith.mulf %gather3A_1536, %get3A_1623 : vector<16xf32>
        %add3A_1625 = arith.addf %mul3A_1619, %mul3A_1624 : vector<16xf32>
        %get3A_1626 = arith.index_cast %add3A_1548 : i32 to index
        %get3A_1627 = arith.constant 48 : index
        %get3A_1628 = tpu.vector_load %arg14[%get3A_1626, %get3A_1627] {strides = array<i32>} : memref<256x64xf32, #tpu.memory_space<vmem>>, vector<1x16xf32>,
        %get3A_1629 = vector.shape_cast %get3A_1628 : vector<1x16xf32> to vector<16xf32>
        %mul3A_1630 = arith.mulf %gather3A_1546, %get3A_1629 : vector<16xf32>
        %add3A_1631 = arith.addf %add3A_1625, %mul3A_1630 : vector<16xf32>
        %swap3A_1632 = arith.index_cast %add3A_1548 : i32 to index
        %swap3A_1633 = arith.constant 48 : index
        %swap3A_1634 = tpu.vector_load %arg12[%swap3A_1632, %swap3A_1633] {strides = array<i32>} : memref<256x64xf32, #tpu.memory_space<vmem>>, vector<1x16xf32>,
        %swap3A_1635 = vector.shape_cast %swap3A_1634 : vector<1x16xf32> to vector<16xf32>
        %swap3A_1636 = vector.shape_cast %add3A_1631 : vector<16xf32> to vector<1x16xf32>
        tpu.vector_store %arg12[%swap3A_1632, %swap3A_1633], %swap3A_1636 {strides = array<i32>} : memref<256x64xf32, #tpu.memory_space<vmem>>, vector<1x16xf32>,
        %broadcast_in_dim3A_1637 = arith.constant 13 : i32
        %broadcast_in_dim3A_1638 = vector.broadcast %broadcast_in_dim3A_1637 : i32 to vector<16xi32>
        %lt3A_1639 = arith.constant 0 : i32
        %lt3A_1640 = vector.broadcast %lt3A_1639 : i32 to vector<16xi32>
        %lt3A_1641 = arith.cmpi slt, %broadcast_in_dim3A_1638, %lt3A_1640 : vector<16xi32>
        %add3A_1642 = arith.constant 16 : i32
        %add3A_1643 = vector.broadcast %add3A_1642 : i32 to vector<16xi32>
        %add3A_1644 = arith.addi %broadcast_in_dim3A_1638, %add3A_1643 : vector<16xi32>
        %select_n3A_1645 = arith.select %lt3A_1641, %add3A_1644, %broadcast_in_dim3A_1638 : vector<16xi1>, vector<16xi32>
        %broadcast_in_dim3A_1646 = vector.shape_cast %select_n3A_1645 : vector<16xi32> to vector<16x1xi32>
        %gather3A_1647 = vector.shape_cast %broadcast_in_dim3A_1646 : vector<16x1xi32> to vector<16xi32>
        %gather3A_1648 = tpu.dynamic_gather %get3A_49[%gather3A_1647] in [0] : vector<16xf32>, vector<16xi32> -> vector<16xf32>
        %lt3A_1649 = arith.constant 0 : i32
        %lt3A_1650 = vector.broadcast %lt3A_1649 : i32 to vector<16xi32>
        %lt3A_1651 = arith.cmpi slt, %broadcast_in_dim3A_1638, %lt3A_1650 : vector<16xi32>
        %add3A_1652 = arith.constant 16 : i32
        %add3A_1653 = vector.broadcast %add3A_1652 : i32 to vector<16xi32>
        %add3A_1654 = arith.addi %broadcast_in_dim3A_1638, %add3A_1653 : vector<16xi32>
        %select_n3A_1655 = arith.select %lt3A_1651, %add3A_1654, %broadcast_in_dim3A_1638 : vector<16xi1>, vector<16xi32>
        %broadcast_in_dim3A_1656 = vector.shape_cast %select_n3A_1655 : vector<16xi32> to vector<16x1xi32>
        %gather3A_1657 = vector.shape_cast %broadcast_in_dim3A_1656 : vector<16x1xi32> to vector<16xi32>
        %gather3A_1658 = tpu.dynamic_gather %get3A_52[%gather3A_1657] in [0] : vector<16xf32>, vector<16xi32> -> vector<16xf32>
        %lt3A_1659 = arith.constant 0 : i32
        %lt3A_1660 = vector.broadcast %lt3A_1659 : i32 to vector<16xi32>
        %lt3A_1661 = arith.cmpi slt, %broadcast_in_dim3A_1638, %lt3A_1660 : vector<16xi32>
        %add3A_1662 = arith.constant 16 : i32
        %add3A_1663 = vector.broadcast %add3A_1662 : i32 to vector<16xi32>
        %add3A_1664 = arith.addi %broadcast_in_dim3A_1638, %add3A_1663 : vector<16xi32>
        %select_n3A_1665 = arith.select %lt3A_1661, %add3A_1664, %broadcast_in_dim3A_1638 : vector<16xi1>, vector<16xi32>
        %broadcast_in_dim3A_1666 = vector.shape_cast %select_n3A_1665 : vector<16xi32> to vector<16x1xi32>
        %gather3A_1667 = vector.shape_cast %broadcast_in_dim3A_1666 : vector<16x1xi32> to vector<16xi32>
        %gather3A_1668 = tpu.dynamic_gather %get3A_55[%gather3A_1667] in [0] : vector<16xf32>, vector<16xi32> -> vector<16xf32>
        %add3A_1669 = arith.constant 13 : i32
        %add3A_1670 = arith.addi %mul3A_47, %add3A_1669 : i32
        %get3A_1671 = arith.index_cast %add3A_1670 : i32 to index
        %get3A_1672 = arith.constant 0 : index
        %get3A_1673 = tpu.vector_load %arg12[%get3A_1671, %get3A_1672] {strides = array<i32>} : memref<256x64xf32, #tpu.memory_space<vmem>>, vector<1x16xf32>,
        %get3A_1674 = vector.shape_cast %get3A_1673 : vector<1x16xf32> to vector<16xf32>
        %mul3A_1675 = arith.mulf %gather3A_1648, %get3A_1674 : vector<16xf32>
        %get3A_1676 = arith.index_cast %add3A_1670 : i32 to index
        %get3A_1677 = arith.constant 0 : index
        %get3A_1678 = tpu.vector_load %arg13[%get3A_1676, %get3A_1677] {strides = array<i32>} : memref<256x64xf32, #tpu.memory_space<vmem>>, vector<1x16xf32>,
        %get3A_1679 = vector.shape_cast %get3A_1678 : vector<1x16xf32> to vector<16xf32>
        %mul3A_1680 = arith.mulf %gather3A_1658, %get3A_1679 : vector<16xf32>
        %add3A_1681 = arith.addf %mul3A_1675, %mul3A_1680 : vector<16xf32>
        %get3A_1682 = arith.index_cast %add3A_1670 : i32 to index
        %get3A_1683 = arith.constant 0 : index
        %get3A_1684 = tpu.vector_load %arg14[%get3A_1682, %get3A_1683] {strides = array<i32>} : memref<256x64xf32, #tpu.memory_space<vmem>>, vector<1x16xf32>,
        %get3A_1685 = vector.shape_cast %get3A_1684 : vector<1x16xf32> to vector<16xf32>
        %mul3A_1686 = arith.mulf %gather3A_1668, %get3A_1685 : vector<16xf32>
        %add3A_1687 = arith.addf %add3A_1681, %mul3A_1686 : vector<16xf32>
        %swap3A_1688 = arith.index_cast %add3A_1670 : i32 to index
        %swap3A_1689 = arith.constant 0 : index
        %swap3A_1690 = tpu.vector_load %arg12[%swap3A_1688, %swap3A_1689] {strides = array<i32>} : memref<256x64xf32, #tpu.memory_space<vmem>>, vector<1x16xf32>,
        %swap3A_1691 = vector.shape_cast %swap3A_1690 : vector<1x16xf32> to vector<16xf32>
        %swap3A_1692 = vector.shape_cast %add3A_1687 : vector<16xf32> to vector<1x16xf32>
        tpu.vector_store %arg12[%swap3A_1688, %swap3A_1689], %swap3A_1692 {strides = array<i32>} : memref<256x64xf32, #tpu.memory_space<vmem>>, vector<1x16xf32>,
        %get3A_1693 = arith.index_cast %add3A_1670 : i32 to index
        %get3A_1694 = arith.constant 16 : index
        %get3A_1695 = tpu.vector_load %arg12[%get3A_1693, %get3A_1694] {strides = array<i32>} : memref<256x64xf32, #tpu.memory_space<vmem>>, vector<1x16xf32>,
        %get3A_1696 = vector.shape_cast %get3A_1695 : vector<1x16xf32> to vector<16xf32>
        %mul3A_1697 = arith.mulf %gather3A_1648, %get3A_1696 : vector<16xf32>
        %get3A_1698 = arith.index_cast %add3A_1670 : i32 to index
        %get3A_1699 = arith.constant 16 : index
        %get3A_1700 = tpu.vector_load %arg13[%get3A_1698, %get3A_1699] {strides = array<i32>} : memref<256x64xf32, #tpu.memory_space<vmem>>, vector<1x16xf32>,
        %get3A_1701 = vector.shape_cast %get3A_1700 : vector<1x16xf32> to vector<16xf32>
        %mul3A_1702 = arith.mulf %gather3A_1658, %get3A_1701 : vector<16xf32>
        %add3A_1703 = arith.addf %mul3A_1697, %mul3A_1702 : vector<16xf32>
        %get3A_1704 = arith.index_cast %add3A_1670 : i32 to index
        %get3A_1705 = arith.constant 16 : index
        %get3A_1706 = tpu.vector_load %arg14[%get3A_1704, %get3A_1705] {strides = array<i32>} : memref<256x64xf32, #tpu.memory_space<vmem>>, vector<1x16xf32>,
        %get3A_1707 = vector.shape_cast %get3A_1706 : vector<1x16xf32> to vector<16xf32>
        %mul3A_1708 = arith.mulf %gather3A_1668, %get3A_1707 : vector<16xf32>
        %add3A_1709 = arith.addf %add3A_1703, %mul3A_1708 : vector<16xf32>
        %swap3A_1710 = arith.index_cast %add3A_1670 : i32 to index
        %swap3A_1711 = arith.constant 16 : index
        %swap3A_1712 = tpu.vector_load %arg12[%swap3A_1710, %swap3A_1711] {strides = array<i32>} : memref<256x64xf32, #tpu.memory_space<vmem>>, vector<1x16xf32>,
        %swap3A_1713 = vector.shape_cast %swap3A_1712 : vector<1x16xf32> to vector<16xf32>
        %swap3A_1714 = vector.shape_cast %add3A_1709 : vector<16xf32> to vector<1x16xf32>
        tpu.vector_store %arg12[%swap3A_1710, %swap3A_1711], %swap3A_1714 {strides = array<i32>} : memref<256x64xf32, #tpu.memory_space<vmem>>, vector<1x16xf32>,
        %get3A_1715 = arith.index_cast %add3A_1670 : i32 to index
        %get3A_1716 = arith.constant 32 : index
        %get3A_1717 = tpu.vector_load %arg12[%get3A_1715, %get3A_1716] {strides = array<i32>} : memref<256x64xf32, #tpu.memory_space<vmem>>, vector<1x16xf32>,
        %get3A_1718 = vector.shape_cast %get3A_1717 : vector<1x16xf32> to vector<16xf32>
        %mul3A_1719 = arith.mulf %gather3A_1648, %get3A_1718 : vector<16xf32>
        %get3A_1720 = arith.index_cast %add3A_1670 : i32 to index
        %get3A_1721 = arith.constant 32 : index
        %get3A_1722 = tpu.vector_load %arg13[%get3A_1720, %get3A_1721] {strides = array<i32>} : memref<256x64xf32, #tpu.memory_space<vmem>>, vector<1x16xf32>,
        %get3A_1723 = vector.shape_cast %get3A_1722 : vector<1x16xf32> to vector<16xf32>
        %mul3A_1724 = arith.mulf %gather3A_1658, %get3A_1723 : vector<16xf32>
        %add3A_1725 = arith.addf %mul3A_1719, %mul3A_1724 : vector<16xf32>
        %get3A_1726 = arith.index_cast %add3A_1670 : i32 to index
        %get3A_1727 = arith.constant 32 : index
        %get3A_1728 = tpu.vector_load %arg14[%get3A_1726, %get3A_1727] {strides = array<i32>} : memref<256x64xf32, #tpu.memory_space<vmem>>, vector<1x16xf32>,
        %get3A_1729 = vector.shape_cast %get3A_1728 : vector<1x16xf32> to vector<16xf32>
        %mul3A_1730 = arith.mulf %gather3A_1668, %get3A_1729 : vector<16xf32>
        %add3A_1731 = arith.addf %add3A_1725, %mul3A_1730 : vector<16xf32>
        %swap3A_1732 = arith.index_cast %add3A_1670 : i32 to index
        %swap3A_1733 = arith.constant 32 : index
        %swap3A_1734 = tpu.vector_load %arg12[%swap3A_1732, %swap3A_1733] {strides = array<i32>} : memref<256x64xf32, #tpu.memory_space<vmem>>, vector<1x16xf32>,
        %swap3A_1735 = vector.shape_cast %swap3A_1734 : vector<1x16xf32> to vector<16xf32>
        %swap3A_1736 = vector.shape_cast %add3A_1731 : vector<16xf32> to vector<1x16xf32>
        tpu.vector_store %arg12[%swap3A_1732, %swap3A_1733], %swap3A_1736 {strides = array<i32>} : memref<256x64xf32, #tpu.memory_space<vmem>>, vector<1x16xf32>,
        %get3A_1737 = arith.index_cast %add3A_1670 : i32 to index
        %get3A_1738 = arith.constant 48 : index
        %get3A_1739 = tpu.vector_load %arg12[%get3A_1737, %get3A_1738] {strides = array<i32>} : memref<256x64xf32, #tpu.memory_space<vmem>>, vector<1x16xf32>,
        %get3A_1740 = vector.shape_cast %get3A_1739 : vector<1x16xf32> to vector<16xf32>
        %mul3A_1741 = arith.mulf %gather3A_1648, %get3A_1740 : vector<16xf32>
        %get3A_1742 = arith.index_cast %add3A_1670 : i32 to index
        %get3A_1743 = arith.constant 48 : index
        %get3A_1744 = tpu.vector_load %arg13[%get3A_1742, %get3A_1743] {strides = array<i32>} : memref<256x64xf32, #tpu.memory_space<vmem>>, vector<1x16xf32>,
        %get3A_1745 = vector.shape_cast %get3A_1744 : vector<1x16xf32> to vector<16xf32>
        %mul3A_1746 = arith.mulf %gather3A_1658, %get3A_1745 : vector<16xf32>
        %add3A_1747 = arith.addf %mul3A_1741, %mul3A_1746 : vector<16xf32>
        %get3A_1748 = arith.index_cast %add3A_1670 : i32 to index
        %get3A_1749 = arith.constant 48 : index
        %get3A_1750 = tpu.vector_load %arg14[%get3A_1748, %get3A_1749] {strides = array<i32>} : memref<256x64xf32, #tpu.memory_space<vmem>>, vector<1x16xf32>,
        %get3A_1751 = vector.shape_cast %get3A_1750 : vector<1x16xf32> to vector<16xf32>
        %mul3A_1752 = arith.mulf %gather3A_1668, %get3A_1751 : vector<16xf32>
        %add3A_1753 = arith.addf %add3A_1747, %mul3A_1752 : vector<16xf32>
        %swap3A_1754 = arith.index_cast %add3A_1670 : i32 to index
        %swap3A_1755 = arith.constant 48 : index
        %swap3A_1756 = tpu.vector_load %arg12[%swap3A_1754, %swap3A_1755] {strides = array<i32>} : memref<256x64xf32, #tpu.memory_space<vmem>>, vector<1x16xf32>,
        %swap3A_1757 = vector.shape_cast %swap3A_1756 : vector<1x16xf32> to vector<16xf32>
        %swap3A_1758 = vector.shape_cast %add3A_1753 : vector<16xf32> to vector<1x16xf32>
        tpu.vector_store %arg12[%swap3A_1754, %swap3A_1755], %swap3A_1758 {strides = array<i32>} : memref<256x64xf32, #tpu.memory_space<vmem>>, vector<1x16xf32>,
        %broadcast_in_dim3A_1759 = arith.constant 14 : i32
        %broadcast_in_dim3A_1760 = vector.broadcast %broadcast_in_dim3A_1759 : i32 to vector<16xi32>
        %lt3A_1761 = arith.constant 0 : i32
        %lt3A_1762 = vector.broadcast %lt3A_1761 : i32 to vector<16xi32>
        %lt3A_1763 = arith.cmpi slt, %broadcast_in_dim3A_1760, %lt3A_1762 : vector<16xi32>
        %add3A_1764 = arith.constant 16 : i32
        %add3A_1765 = vector.broadcast %add3A_1764 : i32 to vector<16xi32>
        %add3A_1766 = arith.addi %broadcast_in_dim3A_1760, %add3A_1765 : vector<16xi32>
        %select_n3A_1767 = arith.select %lt3A_1763, %add3A_1766, %broadcast_in_dim3A_1760 : vector<16xi1>, vector<16xi32>
        %broadcast_in_dim3A_1768 = vector.shape_cast %select_n3A_1767 : vector<16xi32> to vector<16x1xi32>
        %gather3A_1769 = vector.shape_cast %broadcast_in_dim3A_1768 : vector<16x1xi32> to vector<16xi32>
        %gather3A_1770 = tpu.dynamic_gather %get3A_49[%gather3A_1769] in [0] : vector<16xf32>, vector<16xi32> -> vector<16xf32>
        %lt3A_1771 = arith.constant 0 : i32
        %lt3A_1772 = vector.broadcast %lt3A_1771 : i32 to vector<16xi32>
        %lt3A_1773 = arith.cmpi slt, %broadcast_in_dim3A_1760, %lt3A_1772 : vector<16xi32>
        %add3A_1774 = arith.constant 16 : i32
        %add3A_1775 = vector.broadcast %add3A_1774 : i32 to vector<16xi32>
        %add3A_1776 = arith.addi %broadcast_in_dim3A_1760, %add3A_1775 : vector<16xi32>
        %select_n3A_1777 = arith.select %lt3A_1773, %add3A_1776, %broadcast_in_dim3A_1760 : vector<16xi1>, vector<16xi32>
        %broadcast_in_dim3A_1778 = vector.shape_cast %select_n3A_1777 : vector<16xi32> to vector<16x1xi32>
        %gather3A_1779 = vector.shape_cast %broadcast_in_dim3A_1778 : vector<16x1xi32> to vector<16xi32>
        %gather3A_1780 = tpu.dynamic_gather %get3A_52[%gather3A_1779] in [0] : vector<16xf32>, vector<16xi32> -> vector<16xf32>
        %lt3A_1781 = arith.constant 0 : i32
        %lt3A_1782 = vector.broadcast %lt3A_1781 : i32 to vector<16xi32>
        %lt3A_1783 = arith.cmpi slt, %broadcast_in_dim3A_1760, %lt3A_1782 : vector<16xi32>
        %add3A_1784 = arith.constant 16 : i32
        %add3A_1785 = vector.broadcast %add3A_1784 : i32 to vector<16xi32>
        %add3A_1786 = arith.addi %broadcast_in_dim3A_1760, %add3A_1785 : vector<16xi32>
        %select_n3A_1787 = arith.select %lt3A_1783, %add3A_1786, %broadcast_in_dim3A_1760 : vector<16xi1>, vector<16xi32>
        %broadcast_in_dim3A_1788 = vector.shape_cast %select_n3A_1787 : vector<16xi32> to vector<16x1xi32>
        %gather3A_1789 = vector.shape_cast %broadcast_in_dim3A_1788 : vector<16x1xi32> to vector<16xi32>
        %gather3A_1790 = tpu.dynamic_gather %get3A_55[%gather3A_1789] in [0] : vector<16xf32>, vector<16xi32> -> vector<16xf32>
        %add3A_1791 = arith.constant 14 : i32
        %add3A_1792 = arith.addi %mul3A_47, %add3A_1791 : i32
        %get3A_1793 = arith.index_cast %add3A_1792 : i32 to index
        %get3A_1794 = arith.constant 0 : index
        %get3A_1795 = tpu.vector_load %arg12[%get3A_1793, %get3A_1794] {strides = array<i32>} : memref<256x64xf32, #tpu.memory_space<vmem>>, vector<1x16xf32>,
        %get3A_1796 = vector.shape_cast %get3A_1795 : vector<1x16xf32> to vector<16xf32>
        %mul3A_1797 = arith.mulf %gather3A_1770, %get3A_1796 : vector<16xf32>
        %get3A_1798 = arith.index_cast %add3A_1792 : i32 to index
        %get3A_1799 = arith.constant 0 : index
        %get3A_1800 = tpu.vector_load %arg13[%get3A_1798, %get3A_1799] {strides = array<i32>} : memref<256x64xf32, #tpu.memory_space<vmem>>, vector<1x16xf32>,
        %get3A_1801 = vector.shape_cast %get3A_1800 : vector<1x16xf32> to vector<16xf32>
        %mul3A_1802 = arith.mulf %gather3A_1780, %get3A_1801 : vector<16xf32>
        %add3A_1803 = arith.addf %mul3A_1797, %mul3A_1802 : vector<16xf32>
        %get3A_1804 = arith.index_cast %add3A_1792 : i32 to index
        %get3A_1805 = arith.constant 0 : index
        %get3A_1806 = tpu.vector_load %arg14[%get3A_1804, %get3A_1805] {strides = array<i32>} : memref<256x64xf32, #tpu.memory_space<vmem>>, vector<1x16xf32>,
        %get3A_1807 = vector.shape_cast %get3A_1806 : vector<1x16xf32> to vector<16xf32>
        %mul3A_1808 = arith.mulf %gather3A_1790, %get3A_1807 : vector<16xf32>
        %add3A_1809 = arith.addf %add3A_1803, %mul3A_1808 : vector<16xf32>
        %swap3A_1810 = arith.index_cast %add3A_1792 : i32 to index
        %swap3A_1811 = arith.constant 0 : index
        %swap3A_1812 = tpu.vector_load %arg12[%swap3A_1810, %swap3A_1811] {strides = array<i32>} : memref<256x64xf32, #tpu.memory_space<vmem>>, vector<1x16xf32>,
        %swap3A_1813 = vector.shape_cast %swap3A_1812 : vector<1x16xf32> to vector<16xf32>
        %swap3A_1814 = vector.shape_cast %add3A_1809 : vector<16xf32> to vector<1x16xf32>
        tpu.vector_store %arg12[%swap3A_1810, %swap3A_1811], %swap3A_1814 {strides = array<i32>} : memref<256x64xf32, #tpu.memory_space<vmem>>, vector<1x16xf32>,
        %get3A_1815 = arith.index_cast %add3A_1792 : i32 to index
        %get3A_1816 = arith.constant 16 : index
        %get3A_1817 = tpu.vector_load %arg12[%get3A_1815, %get3A_1816] {strides = array<i32>} : memref<256x64xf32, #tpu.memory_space<vmem>>, vector<1x16xf32>,
        %get3A_1818 = vector.shape_cast %get3A_1817 : vector<1x16xf32> to vector<16xf32>
        %mul3A_1819 = arith.mulf %gather3A_1770, %get3A_1818 : vector<16xf32>
        %get3A_1820 = arith.index_cast %add3A_1792 : i32 to index
        %get3A_1821 = arith.constant 16 : index
        %get3A_1822 = tpu.vector_load %arg13[%get3A_1820, %get3A_1821] {strides = array<i32>} : memref<256x64xf32, #tpu.memory_space<vmem>>, vector<1x16xf32>,
        %get3A_1823 = vector.shape_cast %get3A_1822 : vector<1x16xf32> to vector<16xf32>
        %mul3A_1824 = arith.mulf %gather3A_1780, %get3A_1823 : vector<16xf32>
        %add3A_1825 = arith.addf %mul3A_1819, %mul3A_1824 : vector<16xf32>
        %get3A_1826 = arith.index_cast %add3A_1792 : i32 to index
        %get3A_1827 = arith.constant 16 : index
        %get3A_1828 = tpu.vector_load %arg14[%get3A_1826, %get3A_1827] {strides = array<i32>} : memref<256x64xf32, #tpu.memory_space<vmem>>, vector<1x16xf32>,
        %get3A_1829 = vector.shape_cast %get3A_1828 : vector<1x16xf32> to vector<16xf32>
        %mul3A_1830 = arith.mulf %gather3A_1790, %get3A_1829 : vector<16xf32>
        %add3A_1831 = arith.addf %add3A_1825, %mul3A_1830 : vector<16xf32>
        %swap3A_1832 = arith.index_cast %add3A_1792 : i32 to index
        %swap3A_1833 = arith.constant 16 : index
        %swap3A_1834 = tpu.vector_load %arg12[%swap3A_1832, %swap3A_1833] {strides = array<i32>} : memref<256x64xf32, #tpu.memory_space<vmem>>, vector<1x16xf32>,
        %swap3A_1835 = vector.shape_cast %swap3A_1834 : vector<1x16xf32> to vector<16xf32>
        %swap3A_1836 = vector.shape_cast %add3A_1831 : vector<16xf32> to vector<1x16xf32>
        tpu.vector_store %arg12[%swap3A_1832, %swap3A_1833], %swap3A_1836 {strides = array<i32>} : memref<256x64xf32, #tpu.memory_space<vmem>>, vector<1x16xf32>,
        %get3A_1837 = arith.index_cast %add3A_1792 : i32 to index
        %get3A_1838 = arith.constant 32 : index
        %get3A_1839 = tpu.vector_load %arg12[%get3A_1837, %get3A_1838] {strides = array<i32>} : memref<256x64xf32, #tpu.memory_space<vmem>>, vector<1x16xf32>,
        %get3A_1840 = vector.shape_cast %get3A_1839 : vector<1x16xf32> to vector<16xf32>
        %mul3A_1841 = arith.mulf %gather3A_1770, %get3A_1840 : vector<16xf32>
        %get3A_1842 = arith.index_cast %add3A_1792 : i32 to index
        %get3A_1843 = arith.constant 32 : index
        %get3A_1844 = tpu.vector_load %arg13[%get3A_1842, %get3A_1843] {strides = array<i32>} : memref<256x64xf32, #tpu.memory_space<vmem>>, vector<1x16xf32>,
        %get3A_1845 = vector.shape_cast %get3A_1844 : vector<1x16xf32> to vector<16xf32>
        %mul3A_1846 = arith.mulf %gather3A_1780, %get3A_1845 : vector<16xf32>
        %add3A_1847 = arith.addf %mul3A_1841, %mul3A_1846 : vector<16xf32>
        %get3A_1848 = arith.index_cast %add3A_1792 : i32 to index
        %get3A_1849 = arith.constant 32 : index
        %get3A_1850 = tpu.vector_load %arg14[%get3A_1848, %get3A_1849] {strides = array<i32>} : memref<256x64xf32, #tpu.memory_space<vmem>>, vector<1x16xf32>,
        %get3A_1851 = vector.shape_cast %get3A_1850 : vector<1x16xf32> to vector<16xf32>
        %mul3A_1852 = arith.mulf %gather3A_1790, %get3A_1851 : vector<16xf32>
        %add3A_1853 = arith.addf %add3A_1847, %mul3A_1852 : vector<16xf32>
        %swap3A_1854 = arith.index_cast %add3A_1792 : i32 to index
        %swap3A_1855 = arith.constant 32 : index
        %swap3A_1856 = tpu.vector_load %arg12[%swap3A_1854, %swap3A_1855] {strides = array<i32>} : memref<256x64xf32, #tpu.memory_space<vmem>>, vector<1x16xf32>,
        %swap3A_1857 = vector.shape_cast %swap3A_1856 : vector<1x16xf32> to vector<16xf32>
        %swap3A_1858 = vector.shape_cast %add3A_1853 : vector<16xf32> to vector<1x16xf32>
        tpu.vector_store %arg12[%swap3A_1854, %swap3A_1855], %swap3A_1858 {strides = array<i32>} : memref<256x64xf32, #tpu.memory_space<vmem>>, vector<1x16xf32>,
        %get3A_1859 = arith.index_cast %add3A_1792 : i32 to index
        %get3A_1860 = arith.constant 48 : index
        %get3A_1861 = tpu.vector_load %arg12[%get3A_1859, %get3A_1860] {strides = array<i32>} : memref<256x64xf32, #tpu.memory_space<vmem>>, vector<1x16xf32>,
        %get3A_1862 = vector.shape_cast %get3A_1861 : vector<1x16xf32> to vector<16xf32>
        %mul3A_1863 = arith.mulf %gather3A_1770, %get3A_1862 : vector<16xf32>
        %get3A_1864 = arith.index_cast %add3A_1792 : i32 to index
        %get3A_1865 = arith.constant 48 : index
        %get3A_1866 = tpu.vector_load %arg13[%get3A_1864, %get3A_1865] {strides = array<i32>} : memref<256x64xf32, #tpu.memory_space<vmem>>, vector<1x16xf32>,
        %get3A_1867 = vector.shape_cast %get3A_1866 : vector<1x16xf32> to vector<16xf32>
        %mul3A_1868 = arith.mulf %gather3A_1780, %get3A_1867 : vector<16xf32>
        %add3A_1869 = arith.addf %mul3A_1863, %mul3A_1868 : vector<16xf32>
        %get3A_1870 = arith.index_cast %add3A_1792 : i32 to index
        %get3A_1871 = arith.constant 48 : index
        %get3A_1872 = tpu.vector_load %arg14[%get3A_1870, %get3A_1871] {strides = array<i32>} : memref<256x64xf32, #tpu.memory_space<vmem>>, vector<1x16xf32>,
        %get3A_1873 = vector.shape_cast %get3A_1872 : vector<1x16xf32> to vector<16xf32>
        %mul3A_1874 = arith.mulf %gather3A_1790, %get3A_1873 : vector<16xf32>
        %add3A_1875 = arith.addf %add3A_1869, %mul3A_1874 : vector<16xf32>
        %swap3A_1876 = arith.index_cast %add3A_1792 : i32 to index
        %swap3A_1877 = arith.constant 48 : index
        %swap3A_1878 = tpu.vector_load %arg12[%swap3A_1876, %swap3A_1877] {strides = array<i32>} : memref<256x64xf32, #tpu.memory_space<vmem>>, vector<1x16xf32>,
        %swap3A_1879 = vector.shape_cast %swap3A_1878 : vector<1x16xf32> to vector<16xf32>
        %swap3A_1880 = vector.shape_cast %add3A_1875 : vector<16xf32> to vector<1x16xf32>
        tpu.vector_store %arg12[%swap3A_1876, %swap3A_1877], %swap3A_1880 {strides = array<i32>} : memref<256x64xf32, #tpu.memory_space<vmem>>, vector<1x16xf32>,
        %broadcast_in_dim3A_1881 = arith.constant 15 : i32
        %broadcast_in_dim3A_1882 = vector.broadcast %broadcast_in_dim3A_1881 : i32 to vector<16xi32>
        %lt3A_1883 = arith.constant 0 : i32
        %lt3A_1884 = vector.broadcast %lt3A_1883 : i32 to vector<16xi32>
        %lt3A_1885 = arith.cmpi slt, %broadcast_in_dim3A_1882, %lt3A_1884 : vector<16xi32>
        %add3A_1886 = arith.constant 16 : i32
        %add3A_1887 = vector.broadcast %add3A_1886 : i32 to vector<16xi32>
        %add3A_1888 = arith.addi %broadcast_in_dim3A_1882, %add3A_1887 : vector<16xi32>
        %select_n3A_1889 = arith.select %lt3A_1885, %add3A_1888, %broadcast_in_dim3A_1882 : vector<16xi1>, vector<16xi32>
        %broadcast_in_dim3A_1890 = vector.shape_cast %select_n3A_1889 : vector<16xi32> to vector<16x1xi32>
        %gather3A_1891 = vector.shape_cast %broadcast_in_dim3A_1890 : vector<16x1xi32> to vector<16xi32>
        %gather3A_1892 = tpu.dynamic_gather %get3A_49[%gather3A_1891] in [0] : vector<16xf32>, vector<16xi32> -> vector<16xf32>
        %lt3A_1893 = arith.constant 0 : i32
        %lt3A_1894 = vector.broadcast %lt3A_1893 : i32 to vector<16xi32>
        %lt3A_1895 = arith.cmpi slt, %broadcast_in_dim3A_1882, %lt3A_1894 : vector<16xi32>
        %add3A_1896 = arith.constant 16 : i32
        %add3A_1897 = vector.broadcast %add3A_1896 : i32 to vector<16xi32>
        %add3A_1898 = arith.addi %broadcast_in_dim3A_1882, %add3A_1897 : vector<16xi32>
        %select_n3A_1899 = arith.select %lt3A_1895, %add3A_1898, %broadcast_in_dim3A_1882 : vector<16xi1>, vector<16xi32>
        %broadcast_in_dim3A_1900 = vector.shape_cast %select_n3A_1899 : vector<16xi32> to vector<16x1xi32>
        %gather3A_1901 = vector.shape_cast %broadcast_in_dim3A_1900 : vector<16x1xi32> to vector<16xi32>
        %gather3A_1902 = tpu.dynamic_gather %get3A_52[%gather3A_1901] in [0] : vector<16xf32>, vector<16xi32> -> vector<16xf32>
        %lt3A_1903 = arith.constant 0 : i32
        %lt3A_1904 = vector.broadcast %lt3A_1903 : i32 to vector<16xi32>
        %lt3A_1905 = arith.cmpi slt, %broadcast_in_dim3A_1882, %lt3A_1904 : vector<16xi32>
        %add3A_1906 = arith.constant 16 : i32
        %add3A_1907 = vector.broadcast %add3A_1906 : i32 to vector<16xi32>
        %add3A_1908 = arith.addi %broadcast_in_dim3A_1882, %add3A_1907 : vector<16xi32>
        %select_n3A_1909 = arith.select %lt3A_1905, %add3A_1908, %broadcast_in_dim3A_1882 : vector<16xi1>, vector<16xi32>
        %broadcast_in_dim3A_1910 = vector.shape_cast %select_n3A_1909 : vector<16xi32> to vector<16x1xi32>
        %gather3A_1911 = vector.shape_cast %broadcast_in_dim3A_1910 : vector<16x1xi32> to vector<16xi32>
        %gather3A_1912 = tpu.dynamic_gather %get3A_55[%gather3A_1911] in [0] : vector<16xf32>, vector<16xi32> -> vector<16xf32>
        %add3A_1913 = arith.constant 15 : i32
        %add3A_1914 = arith.addi %mul3A_47, %add3A_1913 : i32
        %get3A_1915 = arith.index_cast %add3A_1914 : i32 to index
        %get3A_1916 = arith.constant 0 : index
        %get3A_1917 = tpu.vector_load %arg12[%get3A_1915, %get3A_1916] {strides = array<i32>} : memref<256x64xf32, #tpu.memory_space<vmem>>, vector<1x16xf32>,
        %get3A_1918 = vector.shape_cast %get3A_1917 : vector<1x16xf32> to vector<16xf32>
        %mul3A_1919 = arith.mulf %gather3A_1892, %get3A_1918 : vector<16xf32>
        %get3A_1920 = arith.index_cast %add3A_1914 : i32 to index
        %get3A_1921 = arith.constant 0 : index
        %get3A_1922 = tpu.vector_load %arg13[%get3A_1920, %get3A_1921] {strides = array<i32>} : memref<256x64xf32, #tpu.memory_space<vmem>>, vector<1x16xf32>,
        %get3A_1923 = vector.shape_cast %get3A_1922 : vector<1x16xf32> to vector<16xf32>
        %mul3A_1924 = arith.mulf %gather3A_1902, %get3A_1923 : vector<16xf32>
        %add3A_1925 = arith.addf %mul3A_1919, %mul3A_1924 : vector<16xf32>
        %get3A_1926 = arith.index_cast %add3A_1914 : i32 to index
        %get3A_1927 = arith.constant 0 : index
        %get3A_1928 = tpu.vector_load %arg14[%get3A_1926, %get3A_1927] {strides = array<i32>} : memref<256x64xf32, #tpu.memory_space<vmem>>, vector<1x16xf32>,
        %get3A_1929 = vector.shape_cast %get3A_1928 : vector<1x16xf32> to vector<16xf32>
        %mul3A_1930 = arith.mulf %gather3A_1912, %get3A_1929 : vector<16xf32>
        %add3A_1931 = arith.addf %add3A_1925, %mul3A_1930 : vector<16xf32>
        %swap3A_1932 = arith.index_cast %add3A_1914 : i32 to index
        %swap3A_1933 = arith.constant 0 : index
        %swap3A_1934 = tpu.vector_load %arg12[%swap3A_1932, %swap3A_1933] {strides = array<i32>} : memref<256x64xf32, #tpu.memory_space<vmem>>, vector<1x16xf32>,
        %swap3A_1935 = vector.shape_cast %swap3A_1934 : vector<1x16xf32> to vector<16xf32>
        %swap3A_1936 = vector.shape_cast %add3A_1931 : vector<16xf32> to vector<1x16xf32>
        tpu.vector_store %arg12[%swap3A_1932, %swap3A_1933], %swap3A_1936 {strides = array<i32>} : memref<256x64xf32, #tpu.memory_space<vmem>>, vector<1x16xf32>,
        %get3A_1937 = arith.index_cast %add3A_1914 : i32 to index
        %get3A_1938 = arith.constant 16 : index
        %get3A_1939 = tpu.vector_load %arg12[%get3A_1937, %get3A_1938] {strides = array<i32>} : memref<256x64xf32, #tpu.memory_space<vmem>>, vector<1x16xf32>,
        %get3A_1940 = vector.shape_cast %get3A_1939 : vector<1x16xf32> to vector<16xf32>
        %mul3A_1941 = arith.mulf %gather3A_1892, %get3A_1940 : vector<16xf32>
        %get3A_1942 = arith.index_cast %add3A_1914 : i32 to index
        %get3A_1943 = arith.constant 16 : index
        %get3A_1944 = tpu.vector_load %arg13[%get3A_1942, %get3A_1943] {strides = array<i32>} : memref<256x64xf32, #tpu.memory_space<vmem>>, vector<1x16xf32>,
        %get3A_1945 = vector.shape_cast %get3A_1944 : vector<1x16xf32> to vector<16xf32>
        %mul3A_1946 = arith.mulf %gather3A_1902, %get3A_1945 : vector<16xf32>
        %add3A_1947 = arith.addf %mul3A_1941, %mul3A_1946 : vector<16xf32>
        %get3A_1948 = arith.index_cast %add3A_1914 : i32 to index
        %get3A_1949 = arith.constant 16 : index
        %get3A_1950 = tpu.vector_load %arg14[%get3A_1948, %get3A_1949] {strides = array<i32>} : memref<256x64xf32, #tpu.memory_space<vmem>>, vector<1x16xf32>,
        %get3A_1951 = vector.shape_cast %get3A_1950 : vector<1x16xf32> to vector<16xf32>
        %mul3A_1952 = arith.mulf %gather3A_1912, %get3A_1951 : vector<16xf32>
        %add3A_1953 = arith.addf %add3A_1947, %mul3A_1952 : vector<16xf32>
        %swap3A_1954 = arith.index_cast %add3A_1914 : i32 to index
        %swap3A_1955 = arith.constant 16 : index
        %swap3A_1956 = tpu.vector_load %arg12[%swap3A_1954, %swap3A_1955] {strides = array<i32>} : memref<256x64xf32, #tpu.memory_space<vmem>>, vector<1x16xf32>,
        %swap3A_1957 = vector.shape_cast %swap3A_1956 : vector<1x16xf32> to vector<16xf32>
        %swap3A_1958 = vector.shape_cast %add3A_1953 : vector<16xf32> to vector<1x16xf32>
        tpu.vector_store %arg12[%swap3A_1954, %swap3A_1955], %swap3A_1958 {strides = array<i32>} : memref<256x64xf32, #tpu.memory_space<vmem>>, vector<1x16xf32>,
        %get3A_1959 = arith.index_cast %add3A_1914 : i32 to index
        %get3A_1960 = arith.constant 32 : index
        %get3A_1961 = tpu.vector_load %arg12[%get3A_1959, %get3A_1960] {strides = array<i32>} : memref<256x64xf32, #tpu.memory_space<vmem>>, vector<1x16xf32>,
        %get3A_1962 = vector.shape_cast %get3A_1961 : vector<1x16xf32> to vector<16xf32>
        %mul3A_1963 = arith.mulf %gather3A_1892, %get3A_1962 : vector<16xf32>
        %get3A_1964 = arith.index_cast %add3A_1914 : i32 to index
        %get3A_1965 = arith.constant 32 : index
        %get3A_1966 = tpu.vector_load %arg13[%get3A_1964, %get3A_1965] {strides = array<i32>} : memref<256x64xf32, #tpu.memory_space<vmem>>, vector<1x16xf32>,
        %get3A_1967 = vector.shape_cast %get3A_1966 : vector<1x16xf32> to vector<16xf32>
        %mul3A_1968 = arith.mulf %gather3A_1902, %get3A_1967 : vector<16xf32>
        %add3A_1969 = arith.addf %mul3A_1963, %mul3A_1968 : vector<16xf32>
        %get3A_1970 = arith.index_cast %add3A_1914 : i32 to index
        %get3A_1971 = arith.constant 32 : index
        %get3A_1972 = tpu.vector_load %arg14[%get3A_1970, %get3A_1971] {strides = array<i32>} : memref<256x64xf32, #tpu.memory_space<vmem>>, vector<1x16xf32>,
        %get3A_1973 = vector.shape_cast %get3A_1972 : vector<1x16xf32> to vector<16xf32>
        %mul3A_1974 = arith.mulf %gather3A_1912, %get3A_1973 : vector<16xf32>
        %add3A_1975 = arith.addf %add3A_1969, %mul3A_1974 : vector<16xf32>
        %swap3A_1976 = arith.index_cast %add3A_1914 : i32 to index
        %swap3A_1977 = arith.constant 32 : index
        %swap3A_1978 = tpu.vector_load %arg12[%swap3A_1976, %swap3A_1977] {strides = array<i32>} : memref<256x64xf32, #tpu.memory_space<vmem>>, vector<1x16xf32>,
        %swap3A_1979 = vector.shape_cast %swap3A_1978 : vector<1x16xf32> to vector<16xf32>
        %swap3A_1980 = vector.shape_cast %add3A_1975 : vector<16xf32> to vector<1x16xf32>
        tpu.vector_store %arg12[%swap3A_1976, %swap3A_1977], %swap3A_1980 {strides = array<i32>} : memref<256x64xf32, #tpu.memory_space<vmem>>, vector<1x16xf32>,
        %get3A_1981 = arith.index_cast %add3A_1914 : i32 to index
        %get3A_1982 = arith.constant 48 : index
        %get3A_1983 = tpu.vector_load %arg12[%get3A_1981, %get3A_1982] {strides = array<i32>} : memref<256x64xf32, #tpu.memory_space<vmem>>, vector<1x16xf32>,
        %get3A_1984 = vector.shape_cast %get3A_1983 : vector<1x16xf32> to vector<16xf32>
        %mul3A_1985 = arith.mulf %gather3A_1892, %get3A_1984 : vector<16xf32>
        %get3A_1986 = arith.index_cast %add3A_1914 : i32 to index
        %get3A_1987 = arith.constant 48 : index
        %get3A_1988 = tpu.vector_load %arg13[%get3A_1986, %get3A_1987] {strides = array<i32>} : memref<256x64xf32, #tpu.memory_space<vmem>>, vector<1x16xf32>,
        %get3A_1989 = vector.shape_cast %get3A_1988 : vector<1x16xf32> to vector<16xf32>
        %mul3A_1990 = arith.mulf %gather3A_1902, %get3A_1989 : vector<16xf32>
        %add3A_1991 = arith.addf %mul3A_1985, %mul3A_1990 : vector<16xf32>
        %get3A_1992 = arith.index_cast %add3A_1914 : i32 to index
        %get3A_1993 = arith.constant 48 : index
        %get3A_1994 = tpu.vector_load %arg14[%get3A_1992, %get3A_1993] {strides = array<i32>} : memref<256x64xf32, #tpu.memory_space<vmem>>, vector<1x16xf32>,
        %get3A_1995 = vector.shape_cast %get3A_1994 : vector<1x16xf32> to vector<16xf32>
        %mul3A_1996 = arith.mulf %gather3A_1912, %get3A_1995 : vector<16xf32>
        %add3A_1997 = arith.addf %add3A_1991, %mul3A_1996 : vector<16xf32>
        %swap3A_1998 = arith.index_cast %add3A_1914 : i32 to index
        %swap3A_1999 = arith.constant 48 : index
        %swap3A_2000 = tpu.vector_load %arg12[%swap3A_1998, %swap3A_1999] {strides = array<i32>} : memref<256x64xf32, #tpu.memory_space<vmem>>, vector<1x16xf32>,
        %swap3A_2001 = vector.shape_cast %swap3A_2000 : vector<1x16xf32> to vector<16xf32>
        %swap3A_2002 = vector.shape_cast %add3A_1997 : vector<16xf32> to vector<1x16xf32>
        tpu.vector_store %arg12[%swap3A_1998, %swap3A_1999], %swap3A_2002 {strides = array<i32>} : memref<256x64xf32, #tpu.memory_space<vmem>>, vector<1x16xf32>,
      }
      %scan3A_44 = arith.constant 16 : i32
      "tpu.region"() ({
        %run_scoped3A_45 = tpu.sem_alloc : memref<!tpu.dma_semaphore, #tpu.memory_space<semaphore_mem>>
        %dma_start3A_46 = arith.constant 0 : i32
        %dma_start3A_47 = tpu.memref_slice %arg5[%add3A_11, %dma_start3A_46] : memref<32768x64xf32, #tpu.memory_space<hbm>> -> memref<256x64xf32, #tpu.memory_space<hbm>>
        %dma_start3A_48 = arith.constant 0 : i32
        %dma_start3A_49 = tpu.memref_slice %arg5[%add3A_11, %dma_start3A_48] : memref<32768x64xf32, #tpu.memory_space<hbm>> -> memref<256x64xf32, #tpu.memory_space<hbm>>
        tpu.enqueue_dma source(%arg12 : memref<256x64xf32, #tpu.memory_space<vmem>>) target(%dma_start3A_49 : memref<256x64xf32, #tpu.memory_space<hbm>>) target_semaphore(%run_scoped3A_45 : memref<!tpu.dma_semaphore, #tpu.memory_space<semaphore_mem>>)
        %dma_wait3A_50 = arith.constant 0 : i32
        %dma_wait3A_51 = tpu.memref_slice %arg5[%add3A_11, %dma_wait3A_50] : memref<32768x64xf32, #tpu.memory_space<hbm>> -> memref<256x64xf32, #tpu.memory_space<hbm>>
        %dma_wait3A_52 = arith.constant 0 : i32
        %dma_wait3A_53 = tpu.memref_slice %arg5[%add3A_11, %dma_wait3A_52] : memref<32768x64xf32, #tpu.memory_space<hbm>> -> memref<256x64xf32, #tpu.memory_space<hbm>>
        tpu.wait_dma2 semaphore(%run_scoped3A_45 : memref<!tpu.dma_semaphore, #tpu.memory_space<semaphore_mem>>) src(%arg12 : memref<256x64xf32, #tpu.memory_space<vmem>>) dst(%dma_wait3A_53 : memref<256x64xf32, #tpu.memory_space<hbm>>)
        tpu.yield
      }) : () -> ()
    }
    %scan3A_7 = arith.constant 4 : i32
    return
  }
}

module attributes {stable_mosaic.version = 14 : i64} {
  func.func @_knn_kernel(%arg0: i32, %arg1: i32, %arg2: memref<1x512x3xf32, #tpu.memory_space<vmem>>, %arg3: memref<1x3x2048xf32, #tpu.memory_space<vmem>>, %arg4: memref<3x1x512xi32, #tpu.memory_space<vmem>>, %arg5: memref<3x1x512xf32, #tpu.memory_space<vmem>>) attributes {dimension_semantics = [#tpu.dimension_semantics<arbitrary>, #tpu.dimension_semantics<arbitrary>], iteration_bounds = array<i64: 4, 16>, scalar_prefetch = 0 : i64, scratch_operands = 0 : i64, tpu.core_type = #tpu.core_type<tc>, window_params = [{transform_indices = @transform_0, window_bounds = array<i64: 1, 512, 3>}, {transform_indices = @transform_1, window_bounds = array<i64: 1, 3, 2048>}, {transform_indices = @transform_2, window_bounds = array<i64: 3, 1, 512>}, {transform_indices = @transform_3, window_bounds = array<i64: 3, 1, 512>}]} {
    %get3A = arith.constant 0 : index
    %get3A_0 = arith.constant 0 : index
    %get3A_1 = arith.constant 0 : index
    %get3A_2 = vector.load %arg2[%get3A, %get3A_0, %get3A_1] : memref<1x512x3xf32, #tpu.memory_space<vmem>>, vector<1x512x3xf32>
    %get3A_3 = vector.shape_cast %get3A_2 : vector<1x512x3xf32> to vector<512x3xf32>
    %get3A_4 = arith.constant 0 : index
    %get3A_5 = arith.constant 0 : index
    %get3A_6 = arith.constant 0 : index
    %get3A_7 = vector.load %arg3[%get3A_4, %get3A_5, %get3A_6] : memref<1x3x2048xf32, #tpu.memory_space<vmem>>, vector<1x3x2048xf32>
    %get3A_8 = vector.shape_cast %get3A_7 : vector<1x3x2048xf32> to vector<3x2048xf32>
    %dot_general3A = arith.constant dense<0.000000e+00> : vector<512x2048xf32>
    %dot_general3A_9 = tpu.matmul %get3A_3, %get3A_8, %dot_general3A {dimension_numbers = #tpu.dot_dimension_numbers<[1], [0], [0], [1], [0, 0, 1, 1], [], []>, transpose_lhs_hint = false} : vector<512x3xf32>, vector<3x2048xf32>, vector<512x2048xf32> -> vector<512x2048xf32>
    %mul3A = arith.constant -2.000000e+00 : f32
    %mul3A_10 = vector.broadcast %mul3A : f32 to vector<512x2048xf32>
    %mul3A_11 = arith.mulf %mul3A_10, %dot_general3A_9 : vector<512x2048xf32>
    %mul3A_12 = arith.mulf %get3A_3, %get3A_3 : vector<512x3xf32>
    %reduce_sum3A = arith.constant dense<0.000000e+00> : vector<512xf32>
    %reduce_sum3A_13 = vector.multi_reduction <add>, %mul3A_12, %reduce_sum3A [1] : vector<512x3xf32> to vector<512xf32>
    %broadcast_in_dim3A = vector.shape_cast %reduce_sum3A_13 : vector<512xf32> to vector<512x1xf32>
    %add3A = vector.broadcast %broadcast_in_dim3A : vector<512x1xf32> to vector<512x2048xf32>
    %add3A_14 = arith.addf %mul3A_11, %add3A : vector<512x2048xf32>
    %mul3A_15 = arith.mulf %get3A_8, %get3A_8 : vector<3x2048xf32>
    %reduce_sum3A_16 = arith.constant dense<0.000000e+00> : vector<2048xf32>
    %reduce_sum3A_17 = vector.multi_reduction <add>, %mul3A_15, %reduce_sum3A_16 [0] : vector<3x2048xf32> to vector<2048xf32>
    %broadcast_in_dim3A_18 = vector.shape_cast %reduce_sum3A_17 : vector<2048xf32> to vector<1x2048xf32>
    %add3A_19 = vector.broadcast %broadcast_in_dim3A_18 : vector<1x2048xf32> to vector<512x2048xf32>
    %add3A_20 = arith.addf %add3A_14, %add3A_19 : vector<512x2048xf32>
    %iota3A = tpu.iota {dimensions = array<i32: 1>} : vector<512x2048xi32>
    %bitcast_convert_type3A = tpu.bitcast %add3A_20 : vector<512x2048xf32> -> vector<512x2048xi32>
    %add3A_21 = arith.constant 1024 : i32
    %add3A_22 = vector.broadcast %add3A_21 : i32 to vector<512x2048xi32>
    %add3A_23 = arith.addi %bitcast_convert_type3A, %add3A_22 : vector<512x2048xi32>
    %and3A = arith.constant -2048 : i32
    %and3A_24 = vector.broadcast %and3A : i32 to vector<512x2048xi32>
    %and3A_25 = arith.andi %add3A_23, %and3A_24 : vector<512x2048xi32>
    %or3A = arith.ori %and3A_25, %iota3A : vector<512x2048xi32>
    %bitcast_convert_type3A_26 = tpu.bitcast %or3A : vector<512x2048xi32> -> vector<512x2048xf32>
    %reduce_min3A = arith.constant dense<0x7F800000> : vector<512xf32>
    %reduce_min3A_27 = vector.multi_reduction <minimumf>, %bitcast_convert_type3A_26, %reduce_min3A [1] : vector<512x2048xf32> to vector<512xf32>
    %broadcast_in_dim3A_28 = vector.shape_cast %reduce_min3A_27 : vector<512xf32> to vector<512x1xf32>
    %eq3A = vector.broadcast %broadcast_in_dim3A_28 : vector<512x1xf32> to vector<512x2048xf32>
    %eq3A_29 = arith.cmpf oeq, %bitcast_convert_type3A_26, %eq3A : vector<512x2048xf32>
    %jit3A = arith.constant 0x7F800000 : f32
    %broadcast_in_dim3A_30 = vector.broadcast %jit3A : f32 to vector<512x2048xf32>
    %select_n3A = arith.select %eq3A_29, %broadcast_in_dim3A_30, %bitcast_convert_type3A_26 : vector<512x2048xi1>, vector<512x2048xf32>
    %reduce_min3A_31 = arith.constant dense<0x7F800000> : vector<512xf32>
    %reduce_min3A_32 = vector.multi_reduction <minimumf>, %select_n3A, %reduce_min3A_31 [1] : vector<512x2048xf32> to vector<512xf32>
    %broadcast_in_dim3A_33 = vector.shape_cast %reduce_min3A_32 : vector<512xf32> to vector<512x1xf32>
    %eq3A_34 = vector.broadcast %broadcast_in_dim3A_28 : vector<512x1xf32> to vector<512x2048xf32>
    %eq3A_35 = arith.cmpf oeq, %bitcast_convert_type3A_26, %eq3A_34 : vector<512x2048xf32>
    %eq3A_36 = vector.broadcast %broadcast_in_dim3A_33 : vector<512x1xf32> to vector<512x2048xf32>
    %eq3A_37 = arith.cmpf oeq, %bitcast_convert_type3A_26, %eq3A_36 : vector<512x2048xf32>
    %or3A_38 = arith.ori %eq3A_35, %eq3A_37 : vector<512x2048xi1>
    %jit3A_39 = arith.constant 0x7F800000 : f32
    %broadcast_in_dim3A_40 = vector.broadcast %jit3A_39 : f32 to vector<512x2048xf32>
    %select_n3A_41 = arith.select %or3A_38, %broadcast_in_dim3A_40, %bitcast_convert_type3A_26 : vector<512x2048xi1>, vector<512x2048xf32>
    %reduce_min3A_42 = arith.constant dense<0x7F800000> : vector<512xf32>
    %reduce_min3A_43 = vector.multi_reduction <minimumf>, %select_n3A_41, %reduce_min3A_42 [1] : vector<512x2048xf32> to vector<512xf32>
    %broadcast_in_dim3A_44 = vector.shape_cast %reduce_min3A_43 : vector<512xf32> to vector<512x1xf32>
    %concatenate3A = tpu.concatenate %broadcast_in_dim3A_28, %broadcast_in_dim3A_33, %broadcast_in_dim3A_44 in 1 : vector<512x1xf32>, vector<512x1xf32>, vector<512x1xf32> -> vector<512x3xf32>
    %bitcast_convert_type3A_45 = tpu.bitcast %concatenate3A : vector<512x3xf32> -> vector<512x3xi32>
    %and3A_46 = arith.constant 2047 : i32
    %and3A_47 = vector.broadcast %and3A_46 : i32 to vector<512x3xi32>
    %and3A_48 = arith.andi %bitcast_convert_type3A_45, %and3A_47 : vector<512x3xi32>
    %mul3A_49 = arith.constant 2048 : i32
    %mul3A_50 = arith.muli %arg0, %mul3A_49 : i32
    %add3A_51 = vector.broadcast %mul3A_50 : i32 to vector<512x3xi32>
    %add3A_52 = arith.addi %and3A_48, %add3A_51 : vector<512x3xi32>
    %and3A_53 = arith.constant -2048 : i32
    %and3A_54 = vector.broadcast %and3A_53 : i32 to vector<512x3xi32>
    %and3A_55 = arith.andi %bitcast_convert_type3A_45, %and3A_54 : vector<512x3xi32>
    %bitcast_convert_type3A_56 = tpu.bitcast %and3A_55 : vector<512x3xi32> -> vector<512x3xf32>
    %max3A = arith.constant 1.000000e-10 : f32
    %max3A_57 = vector.broadcast %max3A : f32 to vector<512x3xf32>
    %max3A_58 = arith.maximumf %bitcast_convert_type3A_56, %max3A_57 : vector<512x3xf32>
    %div3A = arith.constant 1.000000e+00 : f32
    %div3A_59 = vector.broadcast %div3A : f32 to vector<512x3xf32>
    %div3A_60 = arith.divf %div3A_59, %max3A_58 : vector<512x3xf32>
    %reduce_sum3A_61 = arith.constant dense<0.000000e+00> : vector<512xf32>
    %reduce_sum3A_62 = vector.multi_reduction <add>, %div3A_60, %reduce_sum3A_61 [1] : vector<512x3xf32> to vector<512xf32>
    %broadcast_in_dim3A_63 = vector.shape_cast %reduce_sum3A_62 : vector<512xf32> to vector<512x1xf32>
    %div3A_64 = vector.broadcast %broadcast_in_dim3A_63 : vector<512x1xf32> to vector<512x3xf32>
    %div3A_65 = arith.divf %div3A_60, %div3A_64 : vector<512x3xf32>
    %transpose3A = tpu.transpose %add3A_52, [1, 0] : vector<512x3xi32> -> vector<3x512xi32>
    %reshape3A = vector.shape_cast %transpose3A : vector<3x512xi32> to vector<3x1x512xi32>
    %swap3A = arith.constant 0 : index
    %swap3A_66 = arith.constant 0 : index
    %swap3A_67 = arith.constant 0 : index
    %swap3A_68 = vector.load %arg4[%swap3A, %swap3A_66, %swap3A_67] : memref<3x1x512xi32, #tpu.memory_space<vmem>>, vector<3x1x512xi32>
    tpu.vector_store %arg4[%swap3A, %swap3A_66, %swap3A_67], %reshape3A {strides = array<i32>} : memref<3x1x512xi32, #tpu.memory_space<vmem>>, vector<3x1x512xi32>,
    %transpose3A_69 = tpu.transpose %div3A_65, [1, 0] : vector<512x3xf32> -> vector<3x512xf32>
    %reshape3A_70 = vector.shape_cast %transpose3A_69 : vector<3x512xf32> to vector<3x1x512xf32>
    %swap3A_71 = arith.constant 0 : index
    %swap3A_72 = arith.constant 0 : index
    %swap3A_73 = arith.constant 0 : index
    %swap3A_74 = vector.load %arg5[%swap3A_71, %swap3A_72, %swap3A_73] : memref<3x1x512xf32, #tpu.memory_space<vmem>>, vector<3x1x512xf32>
    tpu.vector_store %arg5[%swap3A_71, %swap3A_72, %swap3A_73], %reshape3A_70 {strides = array<i32>} : memref<3x1x512xf32, #tpu.memory_space<vmem>>, vector<3x1x512xf32>,
    return
  }
  func.func @transform_0(%arg0: i32, %arg1: i32) -> (i32, i32, i32) {
    %c0_i32 = arith.constant 0 : i32
    %c0_i32_0 = arith.constant 0 : i32
    return %arg0, %arg1, %c0_i32 : i32, i32, i32
  }
  func.func @transform_1(%arg0: i32, %arg1: i32) -> (i32, i32, i32) {
    %c0_i32 = arith.constant 0 : i32
    %c0_i32_0 = arith.constant 0 : i32
    %c0_i32_1 = arith.constant 0 : i32
    return %arg0, %c0_i32, %c0_i32_0 : i32, i32, i32
  }
  func.func @transform_2(%arg0: i32, %arg1: i32) -> (i32, i32, i32) {
    %mul3A = arith.constant 16 : i32
    %mul3A_0 = arith.muli %arg0, %mul3A : i32
    %add3A = arith.addi %mul3A_0, %arg1 : i32
    %c0_i32 = arith.constant 0 : i32
    %c0_i32_1 = arith.constant 0 : i32
    %c0_i32_2 = arith.constant 0 : i32
    return %c0_i32, %c0_i32_1, %add3A : i32, i32, i32
  }
  func.func @transform_3(%arg0: i32, %arg1: i32) -> (i32, i32, i32) {
    %mul3A = arith.constant 16 : i32
    %mul3A_0 = arith.muli %arg0, %mul3A : i32
    %add3A = arith.addi %mul3A_0, %arg1 : i32
    %c0_i32 = arith.constant 0 : i32
    %c0_i32_1 = arith.constant 0 : i32
    %c0_i32_2 = arith.constant 0 : i32
    return %c0_i32, %c0_i32_1, %add3A : i32, i32, i32
  }
}

module attributes {stable_mosaic.version = 14 : i64} {
  func.func @_mlp1_kernel(%arg0: i32, %arg1: memref<2048x64xf32, #tpu.memory_space<vmem>>, %arg2: memref<2048x64xf32, #tpu.memory_space<vmem>>, %arg3: memref<128x128xf32, #tpu.memory_space<vmem>>, %arg4: memref<1x128xf32, #tpu.memory_space<vmem>>, %arg5: memref<2048x128xf32, #tpu.memory_space<vmem>>, %arg6: memref<1x128xf32, #tpu.memory_space<vmem>>, %arg7: memref<1x128xf32, #tpu.memory_space<vmem>>) attributes {dimension_semantics = [#tpu.dimension_semantics<arbitrary>], iteration_bounds = array<i64: 16>, scalar_prefetch = 0 : i64, scratch_operands = 0 : i64, tpu.core_type = #tpu.core_type<tc>, window_params = [{transform_indices = @transform_0, window_bounds = array<i64: 2048, 64>}, {transform_indices = @transform_1, window_bounds = array<i64: 2048, 64>}, {pipeline_mode = #tpu.pipeline_mode<synchronous>, transform_indices = @transform_2, window_bounds = array<i64: 128, 128>}, {pipeline_mode = #tpu.pipeline_mode<synchronous>, transform_indices = @transform_3, window_bounds = array<i64: 1, 128>}, {transform_indices = @transform_4, window_bounds = array<i64: 2048, 128>}, {pipeline_mode = #tpu.pipeline_mode<synchronous>, transform_indices = @transform_5, window_bounds = array<i64: 1, 128>}, {pipeline_mode = #tpu.pipeline_mode<synchronous>, transform_indices = @transform_6, window_bounds = array<i64: 1, 128>}]} {
    %get3A = arith.constant 0 : index
    %get3A_0 = arith.constant 0 : index
    %get3A_1 = vector.load %arg2[%get3A, %get3A_0] : memref<2048x64xf32, #tpu.memory_space<vmem>>, vector<2048x64xf32>
    %get3A_2 = arith.constant 0 : index
    %get3A_3 = arith.constant 0 : index
    %get3A_4 = vector.load %arg3[%get3A_2, %get3A_3] : memref<128x128xf32, #tpu.memory_space<vmem>>, vector<128x128xf32>
    %get3A_5 = arith.constant 0 : index
    %get3A_6 = arith.constant 0 : index
    %get3A_7 = vector.load %arg1[%get3A_5, %get3A_6] : memref<2048x64xf32, #tpu.memory_space<vmem>>, vector<2048x64xf32>
    %slice3A = vector.extract_strided_slice %get3A_4 {offsets = [0, 0], sizes = [128, 64], strides = [1, 1]} : vector<128x128xf32> to vector<128x64xf32>
    %dot_general3A = arith.constant dense<0.000000e+00> : vector<2048x128xf32>
    %dot_general3A_8 = tpu.matmul %get3A_7, %slice3A, %dot_general3A {dimension_numbers = #tpu.dot_dimension_numbers<[1], [1], [0], [0], [0, 0, 1, 0], [], []>, precision = #tpu.contract_precision<fp32>, transpose_lhs_hint = false} : vector<2048x64xf32>, vector<128x64xf32>, vector<2048x128xf32> -> vector<2048x128xf32>
    %slice3A_9 = vector.extract_strided_slice %get3A_4 {offsets = [0, 64], sizes = [128, 64], strides = [1, 1]} : vector<128x128xf32> to vector<128x64xf32>
    %dot_general3A_10 = arith.constant dense<0.000000e+00> : vector<2048x128xf32>
    %dot_general3A_11 = tpu.matmul %get3A_1, %slice3A_9, %dot_general3A_10 {dimension_numbers = #tpu.dot_dimension_numbers<[1], [1], [0], [0], [0, 0, 1, 0], [], []>, precision = #tpu.contract_precision<fp32>, transpose_lhs_hint = false} : vector<2048x64xf32>, vector<128x64xf32>, vector<2048x128xf32> -> vector<2048x128xf32>
    %add3A = arith.addf %dot_general3A_8, %dot_general3A_11 : vector<2048x128xf32>
    %get3A_12 = arith.constant 0 : index
    %get3A_13 = arith.constant 0 : index
    %get3A_14 = vector.load %arg4[%get3A_12, %get3A_13] : memref<1x128xf32, #tpu.memory_space<vmem>>, vector<1x128xf32>
    %add3A_15 = vector.broadcast %get3A_14 : vector<1x128xf32> to vector<2048x128xf32>
    %add3A_16 = arith.addf %add3A, %add3A_15 : vector<2048x128xf32>
    %swap3A = arith.constant 0 : index
    %swap3A_17 = arith.constant 0 : index
    %swap3A_18 = vector.load %arg5[%swap3A, %swap3A_17] : memref<2048x128xf32, #tpu.memory_space<vmem>>, vector<2048x128xf32>
    tpu.vector_store %arg5[%swap3A, %swap3A_17], %add3A_16 {strides = array<i32>} : memref<2048x128xf32, #tpu.memory_space<vmem>>, vector<2048x128xf32>,
    %eq3A = arith.constant 0 : i32
    %eq3A_19 = arith.cmpi eq, %arg0, %eq3A : i32
    %convert_element_type3A = arith.extui %eq3A_19 : i1 to i32
    %cond3A = arith.constant 0 : i32
    %cond3A_20 = arith.cmpi ne, %convert_element_type3A, %cond3A : i32
    scf.if %cond3A_20 {
      %broadcast_in_dim3A_39 = arith.constant 0.000000e+00 : f32
      %broadcast_in_dim3A_40 = vector.broadcast %broadcast_in_dim3A_39 : f32 to vector<1x128xf32>
      %swap3A_41 = arith.constant 0 : index
      %swap3A_42 = arith.constant 0 : index
      %swap3A_43 = vector.load %arg6[%swap3A_41, %swap3A_42] : memref<1x128xf32, #tpu.memory_space<vmem>>, vector<1x128xf32>
      tpu.vector_store %arg6[%swap3A_41, %swap3A_42], %broadcast_in_dim3A_40 {strides = array<i32>} : memref<1x128xf32, #tpu.memory_space<vmem>>, vector<1x128xf32>,
      %broadcast_in_dim3A_44 = arith.constant 0.000000e+00 : f32
      %broadcast_in_dim3A_45 = vector.broadcast %broadcast_in_dim3A_44 : f32 to vector<1x128xf32>
      %swap3A_46 = arith.constant 0 : index
      %swap3A_47 = arith.constant 0 : index
      %swap3A_48 = vector.load %arg7[%swap3A_46, %swap3A_47] : memref<1x128xf32, #tpu.memory_space<vmem>>, vector<1x128xf32>
      tpu.vector_store %arg7[%swap3A_46, %swap3A_47], %broadcast_in_dim3A_45 {strides = array<i32>} : memref<1x128xf32, #tpu.memory_space<vmem>>, vector<1x128xf32>,
    } else {
    }
    %get3A_21 = arith.constant 0 : index
    %get3A_22 = arith.constant 0 : index
    %get3A_23 = vector.load %arg6[%get3A_21, %get3A_22] : memref<1x128xf32, #tpu.memory_space<vmem>>, vector<1x128xf32>
    %reduce_sum3A = arith.constant dense<0.000000e+00> : vector<128xf32>
    %reduce_sum3A_24 = vector.multi_reduction <add>, %add3A_16, %reduce_sum3A [0] : vector<2048x128xf32> to vector<128xf32>
    %broadcast_in_dim3A = vector.shape_cast %reduce_sum3A_24 : vector<128xf32> to vector<1x128xf32>
    %add3A_25 = arith.addf %get3A_23, %broadcast_in_dim3A : vector<1x128xf32>
    %swap3A_26 = arith.constant 0 : index
    %swap3A_27 = arith.constant 0 : index
    %swap3A_28 = vector.load %arg6[%swap3A_26, %swap3A_27] : memref<1x128xf32, #tpu.memory_space<vmem>>, vector<1x128xf32>
    tpu.vector_store %arg6[%swap3A_26, %swap3A_27], %add3A_25 {strides = array<i32>} : memref<1x128xf32, #tpu.memory_space<vmem>>, vector<1x128xf32>,
    %get3A_29 = arith.constant 0 : index
    %get3A_30 = arith.constant 0 : index
    %get3A_31 = vector.load %arg7[%get3A_29, %get3A_30] : memref<1x128xf32, #tpu.memory_space<vmem>>, vector<1x128xf32>
    %mul3A = arith.mulf %add3A_16, %add3A_16 : vector<2048x128xf32>
    %reduce_sum3A_32 = arith.constant dense<0.000000e+00> : vector<128xf32>
    %reduce_sum3A_33 = vector.multi_reduction <add>, %mul3A, %reduce_sum3A_32 [0] : vector<2048x128xf32> to vector<128xf32>
    %broadcast_in_dim3A_34 = vector.shape_cast %reduce_sum3A_33 : vector<128xf32> to vector<1x128xf32>
    %add3A_35 = arith.addf %get3A_31, %broadcast_in_dim3A_34 : vector<1x128xf32>
    %swap3A_36 = arith.constant 0 : index
    %swap3A_37 = arith.constant 0 : index
    %swap3A_38 = vector.load %arg7[%swap3A_36, %swap3A_37] : memref<1x128xf32, #tpu.memory_space<vmem>>, vector<1x128xf32>
    tpu.vector_store %arg7[%swap3A_36, %swap3A_37], %add3A_35 {strides = array<i32>} : memref<1x128xf32, #tpu.memory_space<vmem>>, vector<1x128xf32>,
    return
  }
  func.func @transform_0(%arg0: i32) -> (i32, i32) {
    %c0_i32 = arith.constant 0 : i32
    %c0_i32_0 = arith.constant 0 : i32
    return %arg0, %c0_i32 : i32, i32
  }
  func.func @transform_1(%arg0: i32) -> (i32, i32) {
    %c0_i32 = arith.constant 0 : i32
    %c0_i32_0 = arith.constant 0 : i32
    return %arg0, %c0_i32 : i32, i32
  }
  func.func @transform_2(%arg0: i32) -> (i32, i32) {
    %c0_i32 = arith.constant 0 : i32
    %c0_i32_0 = arith.constant 0 : i32
    %c0_i32_1 = arith.constant 0 : i32
    return %c0_i32, %c0_i32_0 : i32, i32
  }
  func.func @transform_3(%arg0: i32) -> (i32, i32) {
    %c0_i32 = arith.constant 0 : i32
    %c0_i32_0 = arith.constant 0 : i32
    %c0_i32_1 = arith.constant 0 : i32
    return %c0_i32, %c0_i32_0 : i32, i32
  }
  func.func @transform_4(%arg0: i32) -> (i32, i32) {
    %c0_i32 = arith.constant 0 : i32
    %c0_i32_0 = arith.constant 0 : i32
    return %arg0, %c0_i32 : i32, i32
  }
  func.func @transform_5(%arg0: i32) -> (i32, i32) {
    %c0_i32 = arith.constant 0 : i32
    %c0_i32_0 = arith.constant 0 : i32
    %c0_i32_1 = arith.constant 0 : i32
    return %c0_i32, %c0_i32_0 : i32, i32
  }
  func.func @transform_6(%arg0: i32) -> (i32, i32) {
    %c0_i32 = arith.constant 0 : i32
    %c0_i32_0 = arith.constant 0 : i32
    %c0_i32_1 = arith.constant 0 : i32
    return %c0_i32, %c0_i32_0 : i32, i32
  }
}

module attributes {stable_mosaic.version = 14 : i64} {
  func.func @_mlp2_kernel(%arg0: i32, %arg1: memref<2048x128xf32, #tpu.memory_space<vmem>>, %arg2: memref<1x128xf32, #tpu.memory_space<vmem>>, %arg3: memref<1x128xf32, #tpu.memory_space<vmem>>, %arg4: memref<128x128xf32, #tpu.memory_space<vmem>>, %arg5: memref<1x128xf32, #tpu.memory_space<vmem>>, %arg6: memref<2048x128xf32, #tpu.memory_space<vmem>>, %arg7: memref<1x128xf32, #tpu.memory_space<vmem>>, %arg8: memref<1x128xf32, #tpu.memory_space<vmem>>) attributes {dimension_semantics = [#tpu.dimension_semantics<arbitrary>], iteration_bounds = array<i64: 16>, scalar_prefetch = 0 : i64, scratch_operands = 0 : i64, tpu.core_type = #tpu.core_type<tc>, window_params = [{transform_indices = @transform_0, window_bounds = array<i64: 2048, 128>}, {pipeline_mode = #tpu.pipeline_mode<synchronous>, transform_indices = @transform_1, window_bounds = array<i64: 1, 128>}, {pipeline_mode = #tpu.pipeline_mode<synchronous>, transform_indices = @transform_2, window_bounds = array<i64: 1, 128>}, {pipeline_mode = #tpu.pipeline_mode<synchronous>, transform_indices = @transform_3, window_bounds = array<i64: 128, 128>}, {pipeline_mode = #tpu.pipeline_mode<synchronous>, transform_indices = @transform_4, window_bounds = array<i64: 1, 128>}, {transform_indices = @transform_5, window_bounds = array<i64: 2048, 128>}, {pipeline_mode = #tpu.pipeline_mode<synchronous>, transform_indices = @transform_6, window_bounds = array<i64: 1, 128>}, {pipeline_mode = #tpu.pipeline_mode<synchronous>, transform_indices = @transform_7, window_bounds = array<i64: 1, 128>}]} {
    %get3A = arith.constant 0 : index
    %get3A_0 = arith.constant 0 : index
    %get3A_1 = vector.load %arg1[%get3A, %get3A_0] : memref<2048x128xf32, #tpu.memory_space<vmem>>, vector<2048x128xf32>
    %get3A_2 = arith.constant 0 : index
    %get3A_3 = arith.constant 0 : index
    %get3A_4 = vector.load %arg2[%get3A_2, %get3A_3] : memref<1x128xf32, #tpu.memory_space<vmem>>, vector<1x128xf32>
    %mul3A = vector.broadcast %get3A_4 : vector<1x128xf32> to vector<2048x128xf32>
    %mul3A_5 = arith.mulf %get3A_1, %mul3A : vector<2048x128xf32>
    %get3A_6 = arith.constant 0 : index
    %get3A_7 = arith.constant 0 : index
    %get3A_8 = vector.load %arg3[%get3A_6, %get3A_7] : memref<1x128xf32, #tpu.memory_space<vmem>>, vector<1x128xf32>
    %add3A = vector.broadcast %get3A_8 : vector<1x128xf32> to vector<2048x128xf32>
    %add3A_9 = arith.addf %mul3A_5, %add3A : vector<2048x128xf32>
    %max3A = arith.constant 0.000000e+00 : f32
    %max3A_10 = vector.broadcast %max3A : f32 to vector<2048x128xf32>
    %max3A_11 = arith.maximumf %add3A_9, %max3A_10 : vector<2048x128xf32>
    %get3A_12 = arith.constant 0 : index
    %get3A_13 = arith.constant 0 : index
    %get3A_14 = vector.load %arg4[%get3A_12, %get3A_13] : memref<128x128xf32, #tpu.memory_space<vmem>>, vector<128x128xf32>
    %dot_general3A = arith.constant dense<0.000000e+00> : vector<2048x128xf32>
    %dot_general3A_15 = tpu.matmul %max3A_11, %get3A_14, %dot_general3A {dimension_numbers = #tpu.dot_dimension_numbers<[1], [1], [0], [0], [0, 0, 1, 0], [], []>, precision = #tpu.contract_precision<fp32>, transpose_lhs_hint = false} : vector<2048x128xf32>, vector<128x128xf32>, vector<2048x128xf32> -> vector<2048x128xf32>
    %get3A_16 = arith.constant 0 : index
    %get3A_17 = arith.constant 0 : index
    %get3A_18 = vector.load %arg5[%get3A_16, %get3A_17] : memref<1x128xf32, #tpu.memory_space<vmem>>, vector<1x128xf32>
    %add3A_19 = vector.broadcast %get3A_18 : vector<1x128xf32> to vector<2048x128xf32>
    %add3A_20 = arith.addf %dot_general3A_15, %add3A_19 : vector<2048x128xf32>
    %swap3A = arith.constant 0 : index
    %swap3A_21 = arith.constant 0 : index
    %swap3A_22 = vector.load %arg6[%swap3A, %swap3A_21] : memref<2048x128xf32, #tpu.memory_space<vmem>>, vector<2048x128xf32>
    tpu.vector_store %arg6[%swap3A, %swap3A_21], %add3A_20 {strides = array<i32>} : memref<2048x128xf32, #tpu.memory_space<vmem>>, vector<2048x128xf32>,
    %eq3A = arith.constant 0 : i32
    %eq3A_23 = arith.cmpi eq, %arg0, %eq3A : i32
    %convert_element_type3A = arith.extui %eq3A_23 : i1 to i32
    %cond3A = arith.constant 0 : i32
    %cond3A_24 = arith.cmpi ne, %convert_element_type3A, %cond3A : i32
    scf.if %cond3A_24 {
      %broadcast_in_dim3A_44 = arith.constant 0.000000e+00 : f32
      %broadcast_in_dim3A_45 = vector.broadcast %broadcast_in_dim3A_44 : f32 to vector<1x128xf32>
      %swap3A_46 = arith.constant 0 : index
      %swap3A_47 = arith.constant 0 : index
      %swap3A_48 = vector.load %arg7[%swap3A_46, %swap3A_47] : memref<1x128xf32, #tpu.memory_space<vmem>>, vector<1x128xf32>
      tpu.vector_store %arg7[%swap3A_46, %swap3A_47], %broadcast_in_dim3A_45 {strides = array<i32>} : memref<1x128xf32, #tpu.memory_space<vmem>>, vector<1x128xf32>,
      %broadcast_in_dim3A_49 = arith.constant 0.000000e+00 : f32
      %broadcast_in_dim3A_50 = vector.broadcast %broadcast_in_dim3A_49 : f32 to vector<1x128xf32>
      %swap3A_51 = arith.constant 0 : index
      %swap3A_52 = arith.constant 0 : index
      %swap3A_53 = vector.load %arg8[%swap3A_51, %swap3A_52] : memref<1x128xf32, #tpu.memory_space<vmem>>, vector<1x128xf32>
      tpu.vector_store %arg8[%swap3A_51, %swap3A_52], %broadcast_in_dim3A_50 {strides = array<i32>} : memref<1x128xf32, #tpu.memory_space<vmem>>, vector<1x128xf32>,
    } else {
    }
    %get3A_25 = arith.constant 0 : index
    %get3A_26 = arith.constant 0 : index
    %get3A_27 = vector.load %arg7[%get3A_25, %get3A_26] : memref<1x128xf32, #tpu.memory_space<vmem>>, vector<1x128xf32>
    %reduce_sum3A = arith.constant dense<0.000000e+00> : vector<128xf32>
    %reduce_sum3A_28 = vector.multi_reduction <add>, %add3A_20, %reduce_sum3A [0] : vector<2048x128xf32> to vector<128xf32>
    %broadcast_in_dim3A = vector.shape_cast %reduce_sum3A_28 : vector<128xf32> to vector<1x128xf32>
    %add3A_29 = arith.addf %get3A_27, %broadcast_in_dim3A : vector<1x128xf32>
    %swap3A_30 = arith.constant 0 : index
    %swap3A_31 = arith.constant 0 : index
    %swap3A_32 = vector.load %arg7[%swap3A_30, %swap3A_31] : memref<1x128xf32, #tpu.memory_space<vmem>>, vector<1x128xf32>
    tpu.vector_store %arg7[%swap3A_30, %swap3A_31], %add3A_29 {strides = array<i32>} : memref<1x128xf32, #tpu.memory_space<vmem>>, vector<1x128xf32>,
    %get3A_33 = arith.constant 0 : index
    %get3A_34 = arith.constant 0 : index
    %get3A_35 = vector.load %arg8[%get3A_33, %get3A_34] : memref<1x128xf32, #tpu.memory_space<vmem>>, vector<1x128xf32>
    %mul3A_36 = arith.mulf %add3A_20, %add3A_20 : vector<2048x128xf32>
    %reduce_sum3A_37 = arith.constant dense<0.000000e+00> : vector<128xf32>
    %reduce_sum3A_38 = vector.multi_reduction <add>, %mul3A_36, %reduce_sum3A_37 [0] : vector<2048x128xf32> to vector<128xf32>
    %broadcast_in_dim3A_39 = vector.shape_cast %reduce_sum3A_38 : vector<128xf32> to vector<1x128xf32>
    %add3A_40 = arith.addf %get3A_35, %broadcast_in_dim3A_39 : vector<1x128xf32>
    %swap3A_41 = arith.constant 0 : index
    %swap3A_42 = arith.constant 0 : index
    %swap3A_43 = vector.load %arg8[%swap3A_41, %swap3A_42] : memref<1x128xf32, #tpu.memory_space<vmem>>, vector<1x128xf32>
    tpu.vector_store %arg8[%swap3A_41, %swap3A_42], %add3A_40 {strides = array<i32>} : memref<1x128xf32, #tpu.memory_space<vmem>>, vector<1x128xf32>,
    return
  }
  func.func @transform_0(%arg0: i32) -> (i32, i32) {
    %c0_i32 = arith.constant 0 : i32
    %c0_i32_0 = arith.constant 0 : i32
    return %arg0, %c0_i32 : i32, i32
  }
  func.func @transform_1(%arg0: i32) -> (i32, i32) {
    %c0_i32 = arith.constant 0 : i32
    %c0_i32_0 = arith.constant 0 : i32
    %c0_i32_1 = arith.constant 0 : i32
    return %c0_i32, %c0_i32_0 : i32, i32
  }
  func.func @transform_2(%arg0: i32) -> (i32, i32) {
    %c0_i32 = arith.constant 0 : i32
    %c0_i32_0 = arith.constant 0 : i32
    %c0_i32_1 = arith.constant 0 : i32
    return %c0_i32, %c0_i32_0 : i32, i32
  }
  func.func @transform_3(%arg0: i32) -> (i32, i32) {
    %c0_i32 = arith.constant 0 : i32
    %c0_i32_0 = arith.constant 0 : i32
    %c0_i32_1 = arith.constant 0 : i32
    return %c0_i32, %c0_i32_0 : i32, i32
  }
  func.func @transform_4(%arg0: i32) -> (i32, i32) {
    %c0_i32 = arith.constant 0 : i32
    %c0_i32_0 = arith.constant 0 : i32
    %c0_i32_1 = arith.constant 0 : i32
    return %c0_i32, %c0_i32_0 : i32, i32
  }
  func.func @transform_5(%arg0: i32) -> (i32, i32) {
    %c0_i32 = arith.constant 0 : i32
    %c0_i32_0 = arith.constant 0 : i32
    return %arg0, %c0_i32 : i32, i32
  }
  func.func @transform_6(%arg0: i32) -> (i32, i32) {
    %c0_i32 = arith.constant 0 : i32
    %c0_i32_0 = arith.constant 0 : i32
    %c0_i32_1 = arith.constant 0 : i32
    return %c0_i32, %c0_i32_0 : i32, i32
  }
  func.func @transform_7(%arg0: i32) -> (i32, i32) {
    %c0_i32 = arith.constant 0 : i32
    %c0_i32_0 = arith.constant 0 : i32
    %c0_i32_1 = arith.constant 0 : i32
    return %c0_i32, %c0_i32_0 : i32, i32
  }
}

module attributes {stable_mosaic.version = 14 : i64} {
  func.func @_bn_out_kernel(%arg0: i32, %arg1: memref<2048x128xf32, #tpu.memory_space<vmem>>, %arg2: memref<1x128xf32, #tpu.memory_space<vmem>>, %arg3: memref<1x128xf32, #tpu.memory_space<vmem>>, %arg4: memref<2048x128xf32, #tpu.memory_space<vmem>>) attributes {dimension_semantics = [#tpu.dimension_semantics<arbitrary>], iteration_bounds = array<i64: 16>, scalar_prefetch = 0 : i64, scratch_operands = 0 : i64, tpu.core_type = #tpu.core_type<tc>, window_params = [{transform_indices = @transform_0, window_bounds = array<i64: 2048, 128>}, {pipeline_mode = #tpu.pipeline_mode<synchronous>, transform_indices = @transform_1, window_bounds = array<i64: 1, 128>}, {pipeline_mode = #tpu.pipeline_mode<synchronous>, transform_indices = @transform_2, window_bounds = array<i64: 1, 128>}, {transform_indices = @transform_3, window_bounds = array<i64: 2048, 128>}]} {
    %get3A = arith.constant 0 : index
    %get3A_0 = arith.constant 0 : index
    %get3A_1 = vector.load %arg1[%get3A, %get3A_0] : memref<2048x128xf32, #tpu.memory_space<vmem>>, vector<2048x128xf32>
    %get3A_2 = arith.constant 0 : index
    %get3A_3 = arith.constant 0 : index
    %get3A_4 = vector.load %arg2[%get3A_2, %get3A_3] : memref<1x128xf32, #tpu.memory_space<vmem>>, vector<1x128xf32>
    %mul3A = vector.broadcast %get3A_4 : vector<1x128xf32> to vector<2048x128xf32>
    %mul3A_5 = arith.mulf %get3A_1, %mul3A : vector<2048x128xf32>
    %get3A_6 = arith.constant 0 : index
    %get3A_7 = arith.constant 0 : index
    %get3A_8 = vector.load %arg3[%get3A_6, %get3A_7] : memref<1x128xf32, #tpu.memory_space<vmem>>, vector<1x128xf32>
    %add3A = vector.broadcast %get3A_8 : vector<1x128xf32> to vector<2048x128xf32>
    %add3A_9 = arith.addf %mul3A_5, %add3A : vector<2048x128xf32>
    %max3A = arith.constant 0.000000e+00 : f32
    %max3A_10 = vector.broadcast %max3A : f32 to vector<2048x128xf32>
    %max3A_11 = arith.maximumf %add3A_9, %max3A_10 : vector<2048x128xf32>
    %swap3A = arith.constant 0 : index
    %swap3A_12 = arith.constant 0 : index
    %swap3A_13 = vector.load %arg4[%swap3A, %swap3A_12] : memref<2048x128xf32, #tpu.memory_space<vmem>>, vector<2048x128xf32>
    tpu.vector_store %arg4[%swap3A, %swap3A_12], %max3A_11 {strides = array<i32>} : memref<2048x128xf32, #tpu.memory_space<vmem>>, vector<2048x128xf32>,
    return
  }
  func.func @transform_0(%arg0: i32) -> (i32, i32) {
    %c0_i32 = arith.constant 0 : i32
    %c0_i32_0 = arith.constant 0 : i32
    return %arg0, %c0_i32 : i32, i32
  }
  func.func @transform_1(%arg0: i32) -> (i32, i32) {
    %c0_i32 = arith.constant 0 : i32
    %c0_i32_0 = arith.constant 0 : i32
    %c0_i32_1 = arith.constant 0 : i32
    return %c0_i32, %c0_i32_0 : i32, i32
  }
  func.func @transform_2(%arg0: i32) -> (i32, i32) {
    %c0_i32 = arith.constant 0 : i32
    %c0_i32_0 = arith.constant 0 : i32
    %c0_i32_1 = arith.constant 0 : i32
    return %c0_i32, %c0_i32_0 : i32, i32
  }
  func.func @transform_3(%arg0: i32) -> (i32, i32) {
    %c0_i32 = arith.constant 0 : i32
    %c0_i32_0 = arith.constant 0 : i32
    return %arg0, %c0_i32 : i32, i32
  }
}

</mosaic_0001>

<sc_bundles>
// kernel: kernel.7.cloned.1.call-start
scs
__scs_entry_jumppad:
0x0: {  	(pc) =	sbr.rel $0x88, $3  }
0x1: {  	(tag) =	ssettag $0x0;
	lr =	simm.s32 $0x1  }
0x2: {  	[smem:$0x3F95] =	sst lr;
	_ =	strace $0xD0000000  }
0x3: {  	_ = 	snop  }
0x4: {  	_ = 	snop  }
0x5: {  	_ = 	snop  }
0x6: {  	_ = 	snop  }
0x7: {  	_ = 	snop  }
__scs_overlays_trampoline_lowered:
0x8: {  	[smem:$0x3FA4] =	sst s0  }
0x9: {  	[smem:$0x3FA5] =	sst s1  }
0xa: {  	[smem:$0x3FA6] =	sst s2  }
0xb: {  	[smem:$0x3FA7] =	sst s3  }
0xc: {  	[smem:$0x3FA8] =	sst s4  }
0xd: {  	[smem:$0x3FA9] =	sst s5  }
0xe: {  	[smem:$0x3FAA] =	sst s6  }
0xf: {  	[smem:$0x3FAB] =	sst s7  }
0x10: {  	[smem:$0x3FAC] =	sst s8  }
0x11: {  	[smem:$0x3FAD] =	sst s9;
	s0 =	simm.s32 @!p0 $0x0  }
0x12: {  	s1 =	sld [smem:$0x3F93];
	s0 =	simm.s32 @p0 $0x1  }
0x13: {  	[smem:$0x3FAE] =	sst s0;
	s0 =	simm.s32 @!p1 $0x0  }
0x14: {  	s2 =	sld [smem:$0x3F92];
	s0 =	simm.s32 @p1 $0x1  }
0x15: {  	[smem:$0x3FAF] =	sst s0;
	s0 =	simm.s32 @!p2 $0x0  }
0x16: {  	s3 =	sld [smem:$0x3FDB];
	s0 =	simm.s32 @p2 $0x1  }
0x17: {  	s4 =	simm.s32 $0x1BF5;
	[smem:$0x3FB1] =	sst s0  }
0x18: {  	s0 =	sld [smem:$0x3F94];
	_ =	swait.ge [sflag:s4], $0x0  }
0x19: {  	s7 =	sld [smem:$0x3F95]  }
0x1a: {  	s8 =	sadd.s32 $0xFFFFE003, lr  }
0x1b: {  	s9 =	sadd.s32 $0xFFFFFEF7, lr;
	s5 =	simm.s32 $0xFFFFFFFF;
	p2 =	slt.u32 s8, $0xFFFFF086  }
0x1c: {  	p1 =	slt.u32 s9, $0xF7A;
	s5 =	simm.s32 @!p2 $0x0  }
0x1d: {  	s5 =	simm.s32 @p1 $0x1;
	p0 =	seq.s32 s7, s2  }
0x1e: {  	s7 =	smul.u32 @!p0 $0xF7A, s2;
	p2 =	seq.s32 @!p0 s5, $0x0  }
0x1f: {  	s9 =	smul.u32 $0xF7A, s1;
	s8 =	simm.s32 @!p0 $0x1BF5;
	p2 =	por !p2, p0  }
0x20: {  	[sflag:s8] =	ssyncset.s32 @!p0 $0xFFFFF086;
	s6 =	sadd.s32 @!p0 s3, s7;
	s7 =	simm.s32 @!p0 $0x108  }
0x21: {  	s3 =	sadd.s32 s3, s9;
	s6 =	sadd.s32 @!p0 $0x88, s6;
	s7 =	simm.s32 @p2 $0x1082  }
0x22: {  	[simem:s7], [sflag:s8] =	dma.local @!p0 [hbm:s6], $0xF7A  }
0x23: {  	s9 =	sor.u32 $0xD0000000, s2;
	s6 =	simm.s32 $0x108;
	_ =	swait.ge @!p0 [sflag:s8], $0x0  }
0x24: {  	s3 =	sadd.s32 $0x88, s3;
	s6 =	simm.s32 @!p1 $0x1082;
	[sflag:s4] =	ssyncset.s32 $0xFFFFF086  }
0x25: {  	[simem:s6], [sflag:s4] =	dma.local [hbm:s3], $0xF7A  }
0x26: {  	[smem:$0x3F95] =	sst s1;
	(tag) =	ssettag s2;
	_ =	strace s9  }
0x27: {  	s1 =	sld [smem:$0x3FA5]  }
0x28: {  	s2 =	sld [smem:$0x3FA6]  }
0x29: {  	s4 =	sld [smem:$0x3FA8]  }
0x2a: {  	p0 =	seq.s32 s5, $0x0;
	s5 =	sld [smem:$0x3FA9]  }
0x2b: {  	s6 =	sld [smem:$0x3FAA]  }
0x2c: {  	s7 =	sld [smem:$0x3FAB]  }
0x2d: {  	s3 =	simm.s32 $0x108;
	s8 =	sld [smem:$0x3FAC]  }
0x2e: {  	s3 =	simm.s32 @!p0 $0x1082;
	s9 =	sld [smem:$0x3FAD]  }
0x2f: {  	lr =	sadd.s32 s0, s3;
	s0 =	sld [smem:$0x3FA4]  }
0x30: {  	s3 =	sld [smem:$0x3FA7]  }
0x31: {  	[smem:$0x3FB0] =	sst s10  }
0x32: {  	s10 =	sld [smem:$0x3FAE];
	_ =	sdelay $0x3  }
0x33: {  	p0 =	seq.s32 s10, $0x1;
	s10 =	sld [smem:$0x3FB0];
	_ =	sdelay $0x3  }
0x34: {  	[smem:$0x3FB0] =	sst s10  }
0x35: {  	s10 =	sld [smem:$0x3FAF];
	_ =	sdelay $0x3  }
0x36: {  	p1 =	seq.s32 s10, $0x1;
	s10 =	sld [smem:$0x3FB0];
	_ =	sdelay $0x3  }
0x37: {  	[smem:$0x3FB0] =	sst s10  }
0x38: {  	s10 =	sld [smem:$0x3FB1]  }
0x39: {  	_ = 	snop;
	(pc) =	sbr.ind lr, $3  }
0x3a: {  	_ = 	snop  }
0x3b: {  	_ = 	snop  }
0x3c: {  	p2 =	seq.s32 s10, $0x1;
	s10 =	sld [smem:$0x3FB0]  }
0x3d: {  	_ =	shalt  }
0x3e: {  	_ =	shalt  }
0x3f: {  	_ =	shalt  }
0x40: {  	_ =	shalt  }
0x41: {  	_ =	shalt  }
0x42: {  	_ =	shalt  }
0x43: {  	_ =	shalt  }
0x44: {  	_ =	shalt  }
0x45: {  	_ =	shalt  }
0x46: {  	_ =	shalt  }
0x47: {  	_ =	shalt  }
0x48: {  	_ =	shalt  }
0x49: {  	_ =	shalt  }
0x4a: {  	_ =	shalt  }
0x4b: {  	_ =	shalt  }
0x4c: {  	_ =	shalt  }
0x4d: {  	_ =	shalt  }
0x4e: {  	_ =	shalt  }
0x4f: {  	_ =	shalt  }
0x50: {  	_ =	shalt  }
0x51: {  	_ =	shalt  }
0x52: {  	_ =	shalt  }
0x53: {  	_ =	shalt  }
0x54: {  	_ =	shalt  }
0x55: {  	_ =	shalt  }
0x56: {  	_ =	shalt  }
0x57: {  	_ =	shalt  }
0x58: {  	_ =	shalt  }
0x59: {  	_ =	shalt  }
0x5a: {  	_ =	shalt  }
0x5b: {  	_ =	shalt  }
0x5c: {  	_ =	shalt  }
0x5d: {  	_ =	shalt  }
0x5e: {  	_ =	shalt  }
0x5f: {  	_ =	shalt  }
0x60: {  	_ =	shalt  }
0x61: {  	_ =	shalt  }
0x62: {  	_ =	shalt  }
0x63: {  	_ =	shalt  }
0x64: {  	_ =	shalt  }
0x65: {  	_ =	shalt  }
0x66: {  	_ =	shalt  }
0x67: {  	_ =	shalt  }
0x68: {  	_ =	shalt  }
0x69: {  	_ =	shalt  }
0x6a: {  	_ =	shalt  }
0x6b: {  	_ =	shalt  }
0x6c: {  	_ =	shalt  }
0x6d: {  	_ =	shalt  }
0x6e: {  	_ =	shalt  }
0x6f: {  	_ =	shalt  }
0x70: {  	_ =	shalt  }
0x71: {  	_ =	shalt  }
0x72: {  	_ =	shalt  }
0x73: {  	_ =	shalt  }
0x74: {  	_ =	shalt  }
0x75: {  	_ =	shalt  }
0x76: {  	_ =	shalt  }
0x77: {  	_ =	shalt  }
0x78: {  	_ =	shalt  }
0x79: {  	_ =	shalt  }
0x7a: {  	_ =	shalt  }
0x7b: {  	_ =	shalt  }
0x7c: {  	_ =	shalt  }
0x7d: {  	_ =	shalt  }
0x7e: {  	_ =	shalt  }
0x7f: {  	_ =	shalt  }
0x80: {  	_ =	shalt  }
0x81: {  	_ =	shalt  }
0x82: {  	_ =	shalt  }
0x83: {  	_ =	shalt  }
0x84: {  	_ =	shalt  }
0x85: {  	_ =	shalt  }
0x86: {  	_ =	shalt  }
0x87: {  	_ =	shalt  }
.Lfunc_end0:
.L_simem_size_0:
called_computation_lowered:
.L_overlay_start_0:
0x88: {  	s2 =	sld [smem:$0x3FD9]  }
0x89: {  	s3 =	sld [smem:$0x3FFE];
	_ =	sdelay $0x1  }
0x8a: {  	s1 =	srdreg.scid  }
0x8b: {  	s0 =	sand.u32 $0x1, s1  }
0x8c: {  	s17 =	sshll.u32 s0, $0xA;
	s2 =	sadd.s32 s3, s2  }
0x8d: {  	s2 =	sadd.s32 s2, s17  }
0x8e: {  	[smem:$0x3FBC] =	sst s2  }
0x8f: {  	_ = 	snop  }
0x90: {  	s2 =	sld [smem:$0x3FD0];
	(tm) =	ssettm $0x1  }
0x91: {  	s18 =	sld [smem:$0x3FFB];
	_ =	sdelay $0x3  }
0x92: {  	_ =	strace s18  }
0x93: {  	s3 =	sld [smem:$0x3FFC];
	_ =	sdelay $0x3  }
0x94: {  	_ =	strace s3  }
0x95: {  	s3 =	sld [smem:$0x3FFD];
	_ =	sdelay $0x3  }
0x96: {  	_ =	strace s3  }
0x97: {  	_ =	strace $0x8FFFFFFF  }
0x98: {  	s19 =	sld [smem:$0x3FDB];
	_ =	sdelay $0x1  }
0x99: {  	s4 =	simm.s32 $_scs_section_size  }
0x9a: {  	s5 =	simm.s32 $_size__tile_overlayer_lowered;
	s6 =	simm.s32 $_tile_overlayer_lowered  }
0x9b: {  	s22 =	simm.s32 $0x1BFF;
	s21 =	sshll.u32 s6, $0x1;
	s3 =	sadd.s32 s4, s19  }
0x9c: {  	s7 =	simm.s32 $0x0;
	s20 =	sshll.u32 s5, $0x1;
	s5 =	sadd.s32 s21, s3  }
0x9d: {  	[timem:s7], [sflag:s22] =	dma.local [hbm:s5], s20  }
0x9e: {  	_ =	swait.ge [sflag:s22], s20  }
0x9f: {  	s4 =	ssub.s32 $0x0, s20;
	[sflag:s22] =	ssyncset.done $0x0  }
0xa0: {  	[sflag:s22] =	ssyncadd.s32 s4;
	_ =	sdelay $0x1  }
0xa1: {  	s23 =	simm.s32 $0x1B8B  }
0xa2: {  	_ =	swait.ge [sflag:s23], $0x1  }
0xa3: {  	[sflag:s23] =	ssyncset.done $0x0  }
0xa4: {  	s25 =	simm.s32 $0x1B8E;
	s24 =	sld [smem:$0x3FFE];
	[sflag:s23] =	ssyncadd.s32 $0xFFFFFFFF  }
0xa5: {  	s26 =	simm.s32 $execute0_lowered;
	[smem:$0x3FD2] =	sst s25  }
0xa6: {  	s5 =	sshll.u32 s26, $0x1;
	_ =	strace $0x80000046;
	[dreg:$0x1] =	wrdreg $0xFFFFFFFF  }
0xa7: {  	s28 =	simm.s32 $_size_execute0_lowered;
	s3 =	sadd.s32 s3, s5;
	[dreg:$0x0] =	wrdreg $0x0  }
0xa8: {  	s5 =	sshll.u32 s28, $0x1;
	[dreg:$0x2] =	wrdreg s3  }
0xa9: {  	[dreg:$0x3] =	wrdreg s5  }
0xaa: {  	[dreg:$0x4] =	wrdreg $0xC0  }
0xab: {  	_ =	task [dreg:s7], $0x5FFFF  }
0xac: {  	[dreg:$0x1] =	wrdreg $0xFFFFFFFF  }
0xad: {  	[dreg:$0x0] =	wrdreg $0x60  }
0xae: {  	[dreg:$0x2] =	wrdreg s24  }
0xaf: {  	[dreg:$0x3] =	wrdreg s2  }
0xb0: {  	[dreg:$0x4] =	wrdreg $0x9  }
0xb1: {  	_ =	task.clear_ibuf [dreg:s7], $0x5FFFF;
	_ =	strace $0x90000046  }
0xb2: {  	s29 =	simm.s32 $0x9;
	_ =	strace $0x80000048  }
0xb3: {  	_ =	swait.ge [sflag:s29], $0x1  }
0xb4: {  	[sflag:s29] =	ssyncadd.s32 $0xFFFFFFFF  }
0xb5: {  	_ =	strace $0x90000048  }
0xb6: {  	_ =	sfence  }
0xb7: {  	s30 =	sld [smem:$0x0];
	_ =	sdelay $0x2  }
0xb8: {  	s31 =	sshll.u32 s1, $0xD;
	s1 =	sshrl.u32 s1, $0x2  }
0xb9: {  	s3 =	sand.u32 $0x4000, s31;
	s1 =	sadd.s32 s1, s30  }
0xba: {  	s0 =	sor.u32 s3, s0;
	s1 =	sshll.u32 s1, $0x11  }
0xbb: {  	s0 =	sor.u32 s1, s0  }
0xbc: {  	s0 =	sadd.s32 $0x8F2B, s0  }
0xbd: {  	[sflag:s0] =	ssyncadd.remote.s32 $0x1  }
0xbe: {  	_ =	sfence.sel $0xFFFF  }
0xbf: {  	[dreg:$0x0] =	wrdreg $0xFFFFFFFF;
	(pc) =	sbr.abs _section_cstart, $3  }
0xc0: {  	[dreg:$0x1] =	wrdreg $0xFFFFFFFF  }
0xc1: {  	_ =	task.clear_ibuf [dreg:s7], $0x2FFFF;
	_ =	strace $0x9FFFFFFF  }
0xc2: {  	(tm) =	ssettm $0x7FFFFFFF  }
0xc3: {  	_ =	shalt  }
tec
execute0_lowered:
.L_overlay_start_1:
0x0: {  	(tag) =	ssettag $0x1  }
0x1: {  	s6 =	rddreg [dreg:$0x0]  }
0x2: {  	s1 =	rddreg [dreg:$0x1]  }
0x3: {  	s0 =	rddreg [dreg:$0x2]  }
0x4: {  	s2 =	simm.s32 $0x0;
	s3 =	srdreg.scid;
	s11 =	simm.s32 $0x200  }
0x5: {  	s12 =	simm.s32 $0x300;
	s13 =	simm.s32 $0x400;
	s14 =	simm.s32 $0x500  }
0x6: {  	s15 =	simm.s32 $0x600;
	s16 =	simm.s32 $0x4600;
	s17 =	simm.s32 $0x8600  }
0x7: {  	s18 =	simm.s32 $0x1;
	s19 =	simm.s32 $0x0;
	[smem:$0x7FF] =	sst s2  }
0x8: {  	s4 =	sadd.s32 $0x3000, s6;
	s7 =	sand.u32 $0x1, s3;
	s5 =	sadd.s32 $0x6000, s6  }
0x9: {  	s3 =	stileid.u32;
	s6 =	sadd.s32 $0x9000, s6;
	s8 =	ssub.s32 $0x2, s7  }
0xa: {  	s10 =	sshll.u32 s3, $0xB;
	s7 =	sshll.u32 s7, $0xA;
	s9 =	sshrl.u32 s8, $0x1  }
0xb: {  	_ =	strace $0x80000047;
	s7 =	sor.u32 s7, s10;
	s8 =	ssub.s32 s8, s9  }
0xc: {  	v2 =	vimm.s32 $0x0;
	s10 =	simm.s32 $0x100;
	s9 =	simm.s32 $0x2;
	s8 =	smax.u32 s8, $0x1  }
.LBB2_1:
0xd: {  	s20 =	simm.s32 $0x0  }
.LBB2_2:
0xe: {  	s21 =	sshll.u32 s20, $0x8  }
0xf: {  	s21 =	sadd.s32 s7, s21  }
0x10: {  	s23 =	sshrl.u32 s21, $0x3  }
0x11: {  	s22 =	simm.s32 $0x0;
	s24 =	sadd.s32 s4, s23  }
0x12: {  	[tilespmem:s22], [sflag:$0x2] =	stream.linear.gather [hbm4b:s24+s22], $0x100, $0x38;
	[tilespmem:$0xC600] =	vst v63  }
0x13: {  	_ =	swait.ge [sflag:s9], $0x100  }
0x14: {  	s28 =	sor.u32 $0x1000, s23;
	[sflag:s9] =	ssyncset.done $0x0  }
0x15: {  	s25 =	sadd.s32 s4, s28;
	[sflag:s9] =	ssyncadd.s32 $0xFFFFFF00  }
0x16: {  	[tilespmem:s10], [sflag:$0x2] =	stream.linear.gather [hbm4b:s25+s22], $0x100, $0x38;
	[tilespmem:$0xC600] =	vst v63  }
0x17: {  	_ =	swait.ge [sflag:s9], $0x100  }
0x18: {  	s29 =	sor.u32 $0x2000, s23;
	[sflag:s9] =	ssyncset.done $0x0  }
0x19: {  	s26 =	sadd.s32 s4, s29;
	[sflag:s9] =	ssyncadd.s32 $0xFFFFFF00  }
0x1a: {  	[tilespmem:s11], [sflag:$0x2] =	stream.linear.gather [hbm4b:s26+s22], $0x100, $0x38;
	[tilespmem:$0xC600] =	vst v63  }
0x1b: {  	_ =	swait.ge [sflag:s9], $0x100  }
0x1c: {  	[sflag:s9] =	ssyncset.done $0x0  }
0x1d: {  	s23 =	sadd.s32 s5, s23;
	[sflag:s9] =	ssyncadd.s32 $0xFFFFFF00  }
0x1e: {  	[tilespmem:s12], [sflag:$0x2] =	stream.linear.gather [hbm4b:s23+s22], $0x100, $0x38;
	[tilespmem:$0xC600] =	vst v63  }
0x1f: {  	_ =	swait.ge [sflag:s9], $0x100  }
0x20: {  	[sflag:s9] =	ssyncset.done $0x0  }
0x21: {  	s30 =	sadd.s32 s5, s28;
	[sflag:s9] =	ssyncadd.s32 $0xFFFFFF00  }
0x22: {  	[tilespmem:s13], [sflag:$0x2] =	stream.linear.gather [hbm4b:s30+s22], $0x100, $0x38;
	[tilespmem:$0xC600] =	vst v63  }
0x23: {  	_ =	swait.ge [sflag:s9], $0x100  }
0x24: {  	[sflag:s9] =	ssyncset.done $0x0  }
0x25: {  	s31 =	sadd.s32 s5, s29;
	[sflag:s9] =	ssyncadd.s32 $0xFFFFFF00  }
0x26: {  	[tilespmem:s14], [sflag:$0x2] =	stream.linear.gather [hbm4b:s31+s22], $0x100, $0x38;
	[tilespmem:$0xC600] =	vst v63  }
0x27: {  	_ =	swait.ge [sflag:s9], $0x100  }
0x28: {  	[sflag:s9] =	ssyncset.done $0x0  }
0x29: {  	[sflag:s9] =	ssyncadd.s32 $0xFFFFFF00  }
0x2a: {  	[tilespmem:s15], [sflag:$0x1] =	stream.indirect.gather [hbm4b:s1+s10], $0x40, s22, s10, $0xb8;
	[tilespmem:$0xC600] =	vst v63  }
0x2b: {  	_ = 	snop  }
0x2c: {  	[tilespmem:s16], [sflag:$0x1] =	stream.indirect.gather [hbm4b:s1+s10], $0x40, s10, s10, $0xb8;
	[tilespmem:$0xC600] =	vst v63  }
0x2d: {  	_ = 	snop  }
0x2e: {  	[tilespmem:s17], [sflag:$0x1] =	stream.indirect.gather [hbm4b:s1+s10], $0x40, s11, s10, $0xb8;
	[tilespmem:$0xC600] =	vst v63  }
0x2f: {  	_ =	swait.ge [sflag:s18], $0x4000  }
0x30: {  	[sflag:s18] =	ssyncset.done $0x0  }
0x31: {  	[sflag:s18] =	ssyncadd.s32 $0xFFFFC000  }
0x32: {  	_ =	swait.ge [sflag:s18], $0x4000  }
0x33: {  	[sflag:s18] =	ssyncset.done $0x0  }
0x34: {  	[sflag:s18] =	ssyncadd.s32 $0xFFFFC000  }
0x35: {  	_ =	swait.ge [sflag:s18], $0x4000  }
0x36: {  	[sflag:s18] =	ssyncset.done $0x0  }
0x37: {  	[sflag:s18] =	ssyncadd.s32 $0xFFFFC000  }
.LBB2_3:
0x38: {  	s31 =	sshll.u32 s22, $0xA  }
0x39: {  	v0 =	vld [tilespmem:s31+$0x4720];
	_ =	sdelay $0x4  }
0x3a: {  	[tilespmem:$0x1FD20] =	vst v0;
	v0 =	vld [tilespmem:s31+$0x8720];
	_ =	sdelay $0x4  }
0x3b: {  	[tilespmem:$0x1FD30] =	vst v0;
	v0 =	vld [tilespmem:s31+$0x8730];
	_ =	sdelay $0x4  }
0x3c: {  	[tilespmem:$0x1FD40] =	vst v0;
	v0 =	vld [tilespmem:s31+$0x740];
	_ =	sdelay $0x4  }
0x3d: {  	[tilespmem:$0x1FD50] =	vst v0;
	v0 =	vld [tilespmem:s31+$0x4740];
	_ =	sdelay $0x4  }
0x3e: {  	[tilespmem:$0x1FD60] =	vst v0;
	v0 =	vld [tilespmem:s31+$0x8740];
	_ =	sdelay $0x4  }
0x3f: {  	[tilespmem:$0x1FDB0] =	vst v0;
	v0 =	vld [tilespmem:s31+$0x750];
	_ =	sdelay $0x4  }
0x40: {  	[tilespmem:$0x1FD70] =	vst v0;
	v0 =	vld [tilespmem:s31+$0x4750];
	_ =	sdelay $0x4  }
0x41: {  	[tilespmem:$0x1FD80] =	vst v0;
	v0 =	vld [tilespmem:s31+$0x8750];
	_ =	sdelay $0x4  }
0x42: {  	[tilespmem:$0x1FDC0] =	vst v0;
	v0 =	vld [tilespmem:s31+$0x760];
	_ =	sdelay $0x4  }
0x43: {  	[tilespmem:$0x1FD90] =	vst v0;
	v0 =	vld [tilespmem:s31+$0x4760];
	_ =	sdelay $0x4  }
0x44: {  	s23 =	sshll.u32 s22, $0x4;
	[tilespmem:$0x1FDD0] =	vst v0;
	v0 =	vld [tilespmem:s31+$0x8760]  }
0x45: {  	v17 =	vld [tilespmem:s23+$0x300]  }
0x46: {  	v18 =	vld [tilespmem:s23+$0x400]  }
0x47: {  	v16 =	vld [tilespmem:s23+$0x500]  }
0x48: {  	v10 =	vld [tilespmem:s31+$0x600]  }
0x49: {  	[tilespmem:$0x1FDF0] =	vst v0;
	v0 =	vld [tilespmem:s31+$0x770]  }
0x4a: {  	v20 =	vld [tilespmem:s31+$0x4600]  }
0x4b: {  	v22 =	vld [tilespmem:s31+$0x8600]  }
0x4c: {  	v24 =	vld [tilespmem:s31+$0x610]  }
0x4d: {  	v62 =	vld [tilespmem:s31+$0x790]  }
0x4e: {  	[tilespmem:$0x1FDA0] =	vst v0;
	v0 =	vld [tilespmem:s31+$0x4770]  }
0x4f: {  	v25 =	vld [tilespmem:s31+$0x4610]  }
0x50: {  	v29 =	vld [tilespmem:s31+$0x8610]  }
0x51: {  	v1 =	vld [tilespmem:s31+$0x780]  }
0x52: {  	[tilespmem:$0x1FE30] =	vst v62;
	v62 =	vld [tilespmem:s31+$0x4790]  }
0x53: {  	[tilespmem:$0x1FDE0] =	vst v0;
	v0 =	vld [tilespmem:s31+$0x8770]  }
0x54: {  	v30 =	vld [tilespmem:s31+$0x620]  }
0x55: {  	v32 =	vld [tilespmem:s31+$0x4620]  }
0x56: {  	v40 =	vld [tilespmem:s31+$0x8620];
	[tilespmem:$0x1FE10] =	vst v1  }
0x57: {  	[tilespmem:$0x1FE40] =	vst v62;
	v62 =	vld [tilespmem:s31+$0x8790]  }
0x58: {  	v1 =	vperm.xlane v18, v2;
	[tilespmem:$0x1FE00] =	vst v0;
	v0 =	vperm.xlane v17, v2;
	v2 =	vld [tilespmem:s31+$0x4780]  }
0x59: {  	v39 =	vld [tilespmem:s31+$0x630]  }
0x5a: {  	v54 =	vld [tilespmem:s31+$0x4630]  }
0x5b: {  	v55 =	vld [tilespmem:s31+$0x8630]  }
0x5c: {  	[tilespmem:$0x1FE60] =	vst v62;
	v62 =	vld [tilespmem:s31+$0x7A0]  }
0x5d: {  	[tilespmem:$0x1FE20] =	vst v2;
	v2 =	vld [tilespmem:s31+$0x8780]  }
0x5e: {  	v56 =	vld [tilespmem:s31+$0x640]  }
0x5f: {  	v59 =	vld [tilespmem:s31+$0x4640]  }
0x60: {  	v63 =	vld [tilespmem:s31+$0x8640]  }
0x61: {  	v4 =	vld [tilespmem:s31+$0x650];
	v20 =	vmul.f32 v20, v1;
	v25 =	vmul.f32 v25, v1;
	[tilespmem:$0x1FE70] =	vst v62  }
0x62: {  	v62 =	vmul.f32 v32, v1;
	v32 =	vld [tilespmem:s31+$0x47A0];
	v10 =	vmul.f32 v10, v0;
	[tilespmem:$0x1FE50] =	vst v2;
	v2 =	vimm.s32 $0x0  }
0x63: {  	v3 =	vld [tilespmem:s31+$0x4650];
	v24 =	vmul.f32 v24, v0;
	v2 =	vperm.xlane v16, v2  }
0x64: {  	v8 =	vld [tilespmem:s31+$0x8650];
	v1 =	vmul.f32 v54, v1;
	v10 =	vadd.f32 v20, v10  }
0x65: {  	v6 =	vld [tilespmem:s31+$0x660];
	v20 =	vmul.f32 v22, v2;
	v22 =	vadd.f32 v25, v24;
	v24 =	vmul.f32 v29, v2  }
0x66: {  	v9 =	vld [tilespmem:s31+$0x4660];
	v25 =	vmul.f32 v30, v0;
	v0 =	vmul.f32 v39, v0;
	v29 =	vimm.s32 $0x1  }
0x67: {  	v12 =	vld [tilespmem:s31+$0x8660];
	[tilespmem:$0x1FE80] =	vst v32;
	v32 =	vperm.xlane v18, v29;
	v10 =	vadd.f32 v20, v10;
	v39 =	vadd.f32 v24, v22  }
0x68: {  	v5 =	vld [tilespmem:s31+$0x670];
	v20 =	vperm.xlane v17, v29;
	v0 =	vadd.f32 v1, v0;
	v1 =	vmul.f32 v55, v2  }
0x69: {  	v7 =	vld [tilespmem:s31+$0x4670];
	v22 =	vperm.xlane v16, v29;
	[tilespmem:$0x1FED0] =	vst v10;
	v10 =	vadd.f32 v62, v25;
	v62 =	vmul.f32 v40, v2  }
0x6a: {  	v11 =	vld [tilespmem:s31+$0x8670];
	v2 =	vmul.f32 v56, v20;
	v40 =	vmul.f32 v59, v32  }
0x6b: {  	v13 =	vld [tilespmem:s31+$0x680];
	v0 =	vadd.f32 v1, v0  }
0x6c: {  	v14 =	vld [tilespmem:s31+$0x4680];
	v1 =	vmul.f32 v3, v32;
	v3 =	vmul.f32 v63, v22;
	v2 =	vadd.f32 v40, v2  }
0x6d: {  	v31 =	vld [tilespmem:s31+$0x8680];
	[tilespmem:$0x1FF00] =	vst v0;
	v0 =	vmul.f32 v4, v20  }
0x6e: {  	v25 =	vmul.f32 v6, v20;
	v10 =	vadd.f32 v62, v10;
	v62 =	vld [tilespmem:s31+$0x87B0];
	v2 =	vadd.f32 v3, v2  }
0x6f: {  	v15 =	vld [tilespmem:s31+$0x690];
	v0 =	vadd.f32 v1, v0;
	v1 =	vmul.f32 v5, v20;
	v3 =	vmul.f32 v7, v32  }
0x70: {  	v23 =	vld [tilespmem:s31+$0x4690];
	v40 =	vmul.f32 v8, v22;
	[tilespmem:$0x1FF10] =	vst v2;
	v2 =	vmul.f32 v9, v32  }
0x71: {  	v28 =	vld [tilespmem:s31+$0x8690];
	[tilespmem:$0x1FEF0] =	vst v10;
	v10 =	vmul.f32 v12, v22;
	v12 =	vmul.f32 v11, v22;
	v1 =	vadd.f32 v3, v1  }
0x72: {  	v21 =	vld [tilespmem:s31+$0x6A0];
	v0 =	vadd.f32 v40, v0;
	v2 =	vadd.f32 v2, v25  }
0x73: {  	v27 =	vld [tilespmem:s31+$0x46A0];
	[tilespmem:$0x1FE90] =	vst v62;
	v62 =	vimm.s32 $0x2;
	v1 =	vadd.f32 v12, v1  }
0x74: {  	v33 =	vld [tilespmem:s31+$0x86A0];
	[tilespmem:$0x1FF20] =	vst v0;
	v0 =	vperm.xlane v17, v62;
	v63 =	vperm.xlane v18, v62;
	v2 =	vadd.f32 v10, v2  }
0x75: {  	v19 =	vld [tilespmem:s31+$0x6B0];
	v24 =	vperm.xlane v16, v62;
	[tilespmem:$0x1FF40] =	vst v1  }
0x76: {  	v26 =	vld [tilespmem:s31+$0x46B0];
	v1 =	vmul.f32 v23, v63;
	[tilespmem:$0x1FF30] =	vst v2;
	v2 =	vmul.f32 v15, v0  }
0x77: {  	v34 =	vld [tilespmem:s31+$0x86B0];
	v3 =	vmul.f32 v13, v0;
	v22 =	vmul.f32 v14, v63  }
0x78: {  	v35 =	vld [tilespmem:s31+$0x6C0];
	v1 =	vadd.f32 v1, v2;
	v2 =	vmul.f32 v28, v24  }
0x79: {  	v36 =	vld [tilespmem:s31+$0x46C0];
	v13 =	vmul.f32 v31, v24;
	v3 =	vadd.f32 v22, v3  }
0x7a: {  	v38 =	vld [tilespmem:s31+$0x6D0];
	v25 =	vmul.f32 v21, v0;
	v14 =	vmul.f32 v27, v63;
	v1 =	vadd.f32 v2, v1  }
0x7b: {  	v37 =	vld [tilespmem:s31+$0x46D0];
	v0 =	vmul.f32 v19, v0;
	v3 =	vadd.f32 v13, v3  }
0x7c: {  	v43 =	vld [tilespmem:s31+$0x86C0];
	v15 =	vimm.s32 $0x3;
	v6 =	vadd.f32 v14, v25;
	[tilespmem:$0x1FF60] =	vst v1;
	v1 =	vmul.f32 v33, v24  }
0x7d: {  	v41 =	vld [tilespmem:s31+$0x86D0];
	[tilespmem:$0x1FF50] =	vst v3;
	v3 =	vmul.f32 v26, v63;
	v2 =	vperm.xlane v18, v15  }
0x7e: {  	v42 =	vld [tilespmem:s31+$0x6E0];
	v4 =	vmul.f32 v34, v24;
	v19 =	vperm.xlane v17, v15;
	v1 =	vadd.f32 v1, v6  }
0x7f: {  	v45 =	vld [tilespmem:s31+$0x46E0];
	v28 =	vperm.xlane v16, v15;
	v0 =	vadd.f32 v3, v0;
	v3 =	vmul.f32 v36, v2  }
0x80: {  	v47 =	vld [tilespmem:s31+$0x86E0];
	v36 =	vmul.f32 v37, v2;
	[tilespmem:$0x1FF70] =	vst v1;
	v1 =	vmul.f32 v38, v19  }
0x81: {  	v46 =	vld [tilespmem:s31+$0x46F0];
	v23 =	vmul.f32 v35, v19;
	v0 =	vadd.f32 v4, v0  }
0x82: {  	v44 =	vld [tilespmem:s31+$0x6F0];
	v37 =	vmul.f32 v41, v28;
	v1 =	vadd.f32 v36, v1  }
0x83: {  	v49 =	vld [tilespmem:s31+$0x700];
	[tilespmem:$0x1FF80] =	vst v0;
	v0 =	vadd.f32 v3, v23;
	v3 =	vmul.f32 v43, v28  }
0x84: {  	v50 =	vld [tilespmem:s31+$0x4700];
	v1 =	vadd.f32 v37, v1  }
0x85: {  	v48 =	vld [tilespmem:s31+$0x86F0];
	v38 =	vmul.f32 v42, v19;
	v42 =	vmul.f32 v47, v28;
	v0 =	vadd.f32 v3, v0  }
0x86: {  	v58 =	vld [tilespmem:s31+$0x8700];
	v3 =	vmul.f32 v45, v2;
	[tilespmem:$0x1FFA0] =	vst v1;
	v1 =	vmul.f32 v46, v2;
	v2 =	vimm.s32 $0x4  }
0x87: {  	v41 =	vperm.xlane v17, v2;
	v43 =	vperm.xlane v18, v2  }
0x88: {  	v51 =	vld [tilespmem:s31+$0x710];
	[tilespmem:$0x1FF90] =	vst v0;
	v0 =	vmul.f32 v44, v19;
	v46 =	vperm.xlane v16, v2  }
0x89: {  	v52 =	vld [tilespmem:s31+$0x4710];
	v3 =	vadd.f32 v3, v38;
	v44 =	vmul.f32 v49, v41;
	v45 =	vmul.f32 v50, v43  }
0x8a: {  	v53 =	vld [tilespmem:s31+$0x730];
	v9 =	vmul.f32 v48, v28;
	v0 =	vadd.f32 v1, v0  }
0x8b: {  	v2 =	vld [tilespmem:$0x1FD30];
	v1 =	vadd.f32 v42, v3;
	v48 =	vmul.f32 v58, v46;
	v8 =	vadd.f32 v45, v44  }
0x8c: {  	v61 =	vld [tilespmem:s31+$0x8710];
	v0 =	vadd.f32 v9, v0  }
0x8d: {  	[tilespmem:$0x1FFB0] =	vst v1;
	v1 =	vadd.f32 v48, v8  }
0x8e: {  	v57 =	vld [tilespmem:s31+$0x720];
	[tilespmem:$0x1FFC0] =	vst v0  }
0x8f: {  	v47 =	vmul.f32 v52, v43;
	v0 =	vmul.f32 v51, v41;
	[tilespmem:$0x1FFD0] =	vst v1;
	v1 =	vld [tilespmem:$0x1FD20]  }
0x90: {  	v5 =	vmul.f32 v53, v41;
	v53 =	vmul.f32 v2, v46;
	v2 =	vld [tilespmem:$0x1FD40]  }
0x91: {  	v50 =	vmul.f32 v61, v46;
	v0 =	vadd.f32 v47, v0;
	_ =	sdelay $0x1  }
0x92: {  	v0 =	vadd.f32 v50, v0  }
0x93: {  	v60 =	vld [tilespmem:s31+$0x4730];
	v49 =	vmul.f32 v57, v41;
	v51 =	vmul.f32 v1, v43;
	v1 =	vimm.s32 $0x5  }
0x94: {  	v57 =	vmul.f32 v2, v46;
	v2 =	vld [tilespmem:$0x1FD50];
	[tilespmem:$0x1FFE0] =	vst v0;
	v0 =	vperm.xlane v17, v1  }
0x95: {  	v37 =	vperm.xlane v18, v1;
	v42 =	vperm.xlane v16, v1;
	v1 =	vld [tilespmem:$0x1FD80];
	_ =	sdelay $0x2  }
0x96: {  	v52 =	vmul.f32 v60, v43  }
0x97: {  	v58 =	vmul.f32 v2, v0;
	v2 =	vld [tilespmem:$0x1FD60]  }
0x98: {  	v5 =	vadd.f32 v52, v5;
	v52 =	vmul.f32 v1, v37;
	v1 =	vld [tilespmem:$0x1FD90];
	_ =	sdelay $0x3  }
0x99: {  	v15 =	vmul.f32 v2, v37;
	v2 =	vld [tilespmem:$0x1FD70]  }
0x9a: {  	v38 =	vmul.f32 v1, v0;
	v1 =	vld [tilespmem:$0x1FDA0];
	_ =	sdelay $0x4  }
0x9b: {  	v8 =	vadd.f32 v51, v49;
	v51 =	vmul.f32 v2, v0;
	v41 =	vmul.f32 v1, v0;
	v0 =	vld [tilespmem:$0x1FDB0];
	_ =	sdelay $0x4  }
0x9c: {  	v48 =	vadd.f32 v53, v8;
	v53 =	vmul.f32 v0, v42;
	v0 =	vld [tilespmem:$0x1FDC0];
	_ =	sdelay $0x4  }
0x9d: {  	v45 =	vadd.f32 v57, v5;
	v57 =	vmul.f32 v0, v42;
	v0 =	vld [tilespmem:$0x1FDD0];
	_ =	sdelay $0x3  }
0x9e: {  	v1 =	vld [tilespmem:$0x1FDF0]  }
0x9f: {  	v35 =	vadd.f32 v15, v58;
	v58 =	vmul.f32 v0, v37;
	v0 =	vld [tilespmem:$0x1FDE0];
	_ =	sdelay $0x3  }
0xa0: {  	v8 =	vadd.f32 v52, v51  }
0xa1: {  	v15 =	vmul.f32 v1, v42;
	v1 =	vld [tilespmem:$0x1FE00];
	v62 =	vmul.f32 v0, v37;
	v0 =	vimm.s32 $0x6  }
0xa2: {  	v37 =	vperm.xlane v17, v0  }
0xa3: {  	v50 =	vadd.f32 v57, v8;
	v47 =	vperm.xlane v18, v0;
	v57 =	vperm.xlane v16, v0;
	v0 =	vld [tilespmem:$0x1FE30];
	_ =	sdelay $0x2  }
0xa4: {  	v49 =	vmul.f32 v1, v42;
	v1 =	vld [tilespmem:$0x1FE10];
	v38 =	vadd.f32 v58, v38  }
0xa5: {  	v51 =	vadd.f32 v53, v35  }
0xa6: {  	v35 =	vadd.f32 v62, v41;
	v41 =	vadd.f32 v15, v38;
	v15 =	vmul.f32 v0, v37;
	v0 =	vld [tilespmem:$0x1FE40];
	_ =	sdelay $0x2  }
0xa7: {  	v44 =	vmul.f32 v1, v37;
	v1 =	vld [tilespmem:$0x1FE20]  }
0xa8: {  	v54 =	vld [tilespmem:s31+$0x47B0]  }
0xa9: {  	v58 =	vmul.f32 v0, v47;
	v0 =	vld [tilespmem:$0x1FE50]  }
0xaa: {  	v30 =	vld [tilespmem:s31+$0x87A0]  }
0xab: {  	v55 =	vld [tilespmem:s31+$0x87C0]  }
0xac: {  	v29 =	vld [tilespmem:s31+$0x47D0];
	v46 =	vmul.f32 v1, v47  }
0xad: {  	[tilespmem:$0x1FEE0] =	vst v39;
	v39 =	vld [tilespmem:s31+$0x7B0]  }
0xae: {  	v43 =	vadd.f32 v46, v44;
	v46 =	vmul.f32 v0, v57;
	v0 =	vld [tilespmem:$0x1FE60]  }
0xaf: {  	v56 =	vld [tilespmem:s31+$0x7C0]  }
0xb0: {  	v59 =	vld [tilespmem:s31+$0x47C0]  }
0xb1: {  	[tilespmem:$0x1FEA0] =	vst v55;
	v55 =	vld [tilespmem:s31+$0x47E0]  }
0xb2: {  	v20 =	vld [tilespmem:s31+$0x87D0]  }
0xb3: {  	v38 =	vmul.f32 v0, v57;
	v0 =	vld [tilespmem:$0x1FE70]  }
0xb4: {  	v7 =	vld [tilespmem:s31+$0x4830]  }
0xb5: {  	v11 =	vld [tilespmem:s31+$0x840]  }
0xb6: {  	v32 =	vld [tilespmem:s31+$0x7D0]  }
0xb7: {  	v40 =	vld [tilespmem:s31+$0x7E0]  }
0xb8: {  	v8 =	vadd.f32 v58, v15;
	v15 =	vmul.f32 v0, v37;
	v0 =	vld [tilespmem:$0x1FE80]  }
0xb9: {  	v12 =	vld [tilespmem:s31+$0x87E0]  }
0xba: {  	[tilespmem:$0x1FEB0] =	vst v20;
	v20 =	vld [tilespmem:s31+$0x7F0]  }
0xbb: {  	v31 =	vld [tilespmem:s31+$0x800]  }
0xbc: {  	v34 =	vld [tilespmem:s31+$0x8800]  }
0xbd: {  	v21 =	vld [tilespmem:s31+$0x4810];
	v2 =	vimm.s32 $0x7;
	v1 =	vadd.f32 v38, v8;
	v0 =	vmul.f32 v0, v47  }
0xbe: {  	v10 =	vld [tilespmem:s31+$0x820];
	v38 =	vperm.xlane v17, v2  }
0xbf: {  	v27 =	vld [tilespmem:s31+$0x8850];
	[tilespmem:$0x1FFF0] =	vst v1;
	v1 =	vadd.f32 v0, v15;
	v15 =	vmul.f32 v30, v57;
	v0 =	vperm.xlane v18, v2  }
0xc0: {  	v22 =	vld [tilespmem:s31+$0x47F0];
	v39 =	vmul.f32 v39, v37  }
0xc1: {  	v14 =	vld [tilespmem:s31+$0x4820];
	v56 =	vmul.f32 v56, v38;
	v37 =	vadd.f32 v15, v1;
	v1 =	vmul.f32 v59, v0  }
0xc2: {  	v3 =	vld [tilespmem:$0x1FE90]  }
0xc3: {  	v59 =	vperm.xlane v16, v2;
	v2 =	vadd.f32 v1, v56;
	v1 =	vld [tilespmem:$0x1FEA0]  }
0xc4: {  	v25 =	vld [tilespmem:s31+$0x8820]  }
0xc5: {  	[tilespmem:$0x1FEC0] =	vst v12;
	v12 =	vld [tilespmem:s31+$0x810]  }
0xc6: {  	v13 =	vld [tilespmem:s31+$0x8830];
	v8 =	vmul.f32 v54, v47  }
0xc7: {  	v63 =	vld [tilespmem:s31+$0x87F0]  }
0xc8: {  	v26 =	vld [tilespmem:s31+$0x860];
	v8 =	vadd.f32 v8, v39;
	v30 =	vmul.f32 v3, v57;
	v1 =	vmul.f32 v1, v59  }
0xc9: {  	v24 =	vld [tilespmem:s31+$0x4800];
	v40 =	vmul.f32 v40, v38  }
0xca: {  	v33 =	vld [tilespmem:s31+$0x8810];
	v39 =	vadd.f32 v30, v8;
	v30 =	vadd.f32 v1, v2;
	v1 =	vmul.f32 v55, v0  }
0xcb: {  	v4 =	vld [tilespmem:s31+$0x830]  }
0xcc: {  	v1 =	vadd.f32 v1, v40;
	v40 =	vmul.f32 v63, v59;
	v63 =	vld [tilespmem:$0x1FED0]  }
0xcd: {  	v6 =	vld [tilespmem:s31+$0x4870]  }
0xce: {  	v28 =	vld [tilespmem:s31+$0x8840];
	v36 =	vmul.f32 v32, v38  }
0xcf: {  	v23 =	vld [tilespmem:s31+$0x4850];
	v38 =	vmul.f32 v20, v38;
	v15 =	vmul.f32 v29, v0;
	v2 =	vimm.s32 $0x8  }
0xd0: {  	v19 =	vld [tilespmem:s31+$0x850];
	v55 =	vmul.f32 v22, v0;
	v20 =	vperm.xlane v17, v2  }
0xd1: {  	v0 =	vperm.xlane v18, v2;
	[tilespmem:s31+$0x600] =	vst v63;
	v63 =	vperm.xlane v16, v2;
	v2 =	vld [tilespmem:$0x1FEE0]  }
0xd2: {  	v61 =	vld [tilespmem:s31+$0x4860]  }
0xd3: {  	v60 =	vld [tilespmem:s31+$0x8860]  }
0xd4: {  	v9 =	vld [tilespmem:s31+$0x4840]  }
0xd5: {  	v5 =	vld [tilespmem:s31+$0x870]  }
0xd6: {  	[tilespmem:s31+$0x610] =	vst v2;
	v2 =	vld [tilespmem:$0x1FEF0]  }
0xd7: {  	[tilespmem:s31+$0x730] =	vst v45;
	v45 =	vld [tilespmem:s31+$0x4940]  }
0xd8: {  	[tilespmem:s31+$0x720] =	vst v48;
	v48 =	vld [tilespmem:s31+$0x8930]  }
0xd9: {  	v52 =	vld [tilespmem:s31+$0x880]  }
0xda: {  	v53 =	vld [tilespmem:s31+$0x8870]  }
0xdb: {  	[tilespmem:s31+$0x620] =	vst v2;
	v2 =	vld [tilespmem:$0x1FF00]  }
0xdc: {  	v42 =	vld [tilespmem:s31+$0x8880]  }
0xdd: {  	[tilespmem:s31+$0x750] =	vst v50;
	v50 =	vld [tilespmem:s31+$0x8940]  }
0xde: {  	v62 =	vld [tilespmem:s31+$0x4880]  }
0xdf: {  	v49 =	vadd.f32 v49, v35;
	v35 =	vld [tilespmem:s31+$0x4890]  }
0xe0: {  	[tilespmem:s31+$0x630] =	vst v2;
	v2 =	vld [tilespmem:$0x1FF20]  }
0xe1: {  	[tilespmem:s31+$0x760] =	vst v41;
	v41 =	vld [tilespmem:s31+$0x950]  }
0xe2: {  	[tilespmem:s31+$0x770] =	vst v49;
	v49 =	vld [tilespmem:s31+$0x8950]  }
0xe3: {  	v44 =	vld [tilespmem:s31+$0x890]  }
0xe4: {  	v58 =	vld [tilespmem:s31+$0x48A0]  }
0xe5: {  	[tilespmem:s31+$0x650] =	vst v2;
	v2 =	vld [tilespmem:$0x1FF30]  }
0xe6: {  	v43 =	vadd.f32 v46, v43;
	v46 =	vld [tilespmem:s31+$0x8890]  }
0xe7: {  	v54 =	vld [tilespmem:$0x1FEC0]  }
0xe8: {  	v32 =	vld [tilespmem:$0x1FEB0]  }
0xe9: {  	[tilespmem:s31+$0x740] =	vst v51;
	v51 =	vld [tilespmem:$0x1FFF0]  }
0xea: {  	[tilespmem:s31+$0x660] =	vst v2;
	v2 =	vld [tilespmem:$0x1FF40]  }
0xeb: {  	v47 =	vld [tilespmem:s31+$0x8A0]  }
0xec: {  	v57 =	vld [tilespmem:s31+$0x88A0]  }
0xed: {  	v3 =	vld [tilespmem:s31+$0x8B0]  }
0xee: {  	v29 =	vld [tilespmem:s31+$0x48B0]  }
0xef: {  	[tilespmem:s31+$0x670] =	vst v2;
	v2 =	vld [tilespmem:$0x1FF50]  }
0xf0: {  	v56 =	vld [tilespmem:s31+$0x88B0];
	v8 =	vadd.f32 v15, v36;
	v36 =	vmul.f32 v32, v59  }
0xf1: {  	v32 =	vld [tilespmem:s31+$0x8C0]  }
0xf2: {  	v15 =	vld [tilespmem:s31+$0x88C0];
	v36 =	vadd.f32 v36, v8;
	v8 =	vmul.f32 v54, v59  }
0xf3: {  	[tilespmem:s31+$0x7A0] =	vst v37;
	v37 =	vld [tilespmem:s31+$0x4960]  }
0xf4: {  	v21 =	vmul.f32 v21, v0;
	v54 =	vadd.f32 v8, v1;
	v1 =	vmul.f32 v12, v20;
	[tilespmem:s31+$0x680] =	vst v2;
	v2 =	vld [tilespmem:$0x1FF60]  }
0xf5: {  	[tilespmem:s31+$0x7B0] =	vst v39;
	v39 =	vld [tilespmem:s31+$0x4970];
	v38 =	vadd.f32 v55, v38;
	v31 =	vmul.f32 v31, v20  }
0xf6: {  	v24 =	vmul.f32 v24, v0;
	v4 =	vmul.f32 v4, v20;
	v21 =	vadd.f32 v21, v1;
	v1 =	vld [tilespmem:$0x1FF10]  }
0xf7: {  	v22 =	vld [tilespmem:s31+$0x48C0];
	v14 =	vmul.f32 v14, v0;
	v7 =	vmul.f32 v7, v0  }
0xf8: {  	v59 =	vld [tilespmem:s31+$0x8D0];
	v0 =	vimm.s32 $0x9;
	v38 =	vadd.f32 v40, v38;
	v40 =	vmul.f32 v10, v20  }
0xf9: {  	v20 =	vperm.xlane v17, v0;
	v24 =	vadd.f32 v24, v31;
	v8 =	vmul.f32 v34, v63;
	[tilespmem:s31+$0x690] =	vst v2;
	v2 =	vld [tilespmem:$0x1FF70]  }
0xfa: {  	v55 =	vld [tilespmem:s31+$0x48D0];
	[tilespmem:s31+$0x7C0] =	vst v30;
	v14 =	vadd.f32 v14, v40;
	v33 =	vmul.f32 v33, v63  }
0xfb: {  	v30 =	vld [tilespmem:s31+$0x9A0];
	v11 =	vmul.f32 v11, v20;
	v5 =	vmul.f32 v5, v20;
	[tilespmem:s31+$0x640] =	vst v1;
	v1 =	vadd.f32 v8, v24  }
0xfc: {  	v12 =	vld [tilespmem:s31+$0x88D0];
	v8 =	vadd.f32 v33, v21;
	v21 =	vmul.f32 v25, v63;
	v25 =	vperm.xlane v18, v0  }
0xfd: {  	v10 =	vld [tilespmem:s31+$0x8E0];
	v4 =	vadd.f32 v7, v4;
	v13 =	vmul.f32 v13, v63;
	v63 =	vperm.xlane v16, v0  }
0xfe: {  	v9 =	vmul.f32 v9, v25;
	v7 =	vadd.f32 v21, v14;
	v14 =	vmul.f32 v19, v20;
	[tilespmem:s31+$0x6A0] =	vst v2;
	v2 =	vld [tilespmem:$0x1FF80]  }
0xff: {  	v31 =	vld [tilespmem:s31+$0x48E0];
	v4 =	vadd.f32 v13, v4;
	v19 =	vmul.f32 v23, v25;
	v61 =	vmul.f32 v61, v25  }
0x100: {  	v40 =	vld [tilespmem:s31+$0x88F0];
	v6 =	vmul.f32 v6, v25;
	v9 =	vadd.f32 v9, v11;
	v11 =	vmul.f32 v28, v63  }
0x101: {  	v34 =	vld [tilespmem:s31+$0x88E0];
	v14 =	vadd.f32 v19, v14;
	v19 =	vmul.f32 v27, v63;
	v28 =	vmul.f32 v26, v20  }
0x102: {  	v24 =	vld [tilespmem:s31+$0x8F0];
	v5 =	vadd.f32 v6, v5;
	v9 =	vadd.f32 v11, v9  }
0x103: {  	v14 =	vadd.f32 v19, v14;
	v11 =	vadd.f32 v61, v28;
	v28 =	vimm.s32 $0xA;
	[tilespmem:s31+$0x6B0] =	vst v2;
	v2 =	vld [tilespmem:$0x1FF90]  }
0x104: {  	v33 =	vld [tilespmem:s31+$0x48F0];
	v19 =	vmul.f32 v60, v63;
	v60 =	vimm.s32 $0xA;
	v23 =	vperm.xlane v17, v28  }
0x105: {  	v0 =	vld [tilespmem:s31+$0x900];
	v6 =	vmul.f32 v53, v63;
	v61 =	vimm.s32 $0xA;
	v27 =	vperm.xlane v18, v60  }
0x106: {  	v13 =	vld [tilespmem:s31+$0x8900];
	v53 =	vperm.xlane v16, v61;
	v11 =	vadd.f32 v19, v11;
	v19 =	vmul.f32 v52, v23  }
0x107: {  	v21 =	vld [tilespmem:s31+$0x4900];
	v52 =	vmul.f32 v62, v27;
	v63 =	vmul.f32 v44, v23  }
0x108: {  	v35 =	vmul.f32 v35, v27;
	v42 =	vmul.f32 v42, v53;
	[tilespmem:s31+$0x6C0] =	vst v2;
	v2 =	vld [tilespmem:$0x1FFA0]  }
0x109: {  	v25 =	vld [tilespmem:s31+$0x8910];
	v46 =	vmul.f32 v46, v53;
	v58 =	vmul.f32 v58, v27  }
0x10a: {  	v26 =	vld [tilespmem:s31+$0x910];
	v5 =	vadd.f32 v6, v5;
	v62 =	vmul.f32 v57, v53;
	v3 =	vmul.f32 v3, v23  }
0x10b: {  	v20 =	vld [tilespmem:s31+$0x4910];
	v27 =	vmul.f32 v29, v27;
	v6 =	vadd.f32 v35, v63;
	v63 =	vimm.s32 $0xB  }
0x10c: {  	v28 =	vld [tilespmem:s31+$0x920];
	v35 =	vmul.f32 v47, v23;
	v29 =	vperm.xlane v17, v63  }
0x10d: {  	v57 =	vperm.xlane v18, v63;
	v47 =	vperm.xlane v16, v63;
	[tilespmem:s31+$0x6D0] =	vst v2;
	v2 =	vld [tilespmem:$0x1FFB0]  }
0x10e: {  	v60 =	vld [tilespmem:s31+$0x4920];
	v35 =	vadd.f32 v58, v35;
	v58 =	vmul.f32 v56, v53;
	v32 =	vmul.f32 v32, v29  }
0x10f: {  	v61 =	vld [tilespmem:s31+$0x8920];
	v19 =	vadd.f32 v52, v19;
	v22 =	vmul.f32 v22, v57;
	v63 =	vmul.f32 v55, v57  }
0x110: {  	v44 =	vld [tilespmem:s31+$0x930];
	v3 =	vadd.f32 v27, v3;
	v12 =	vmul.f32 v12, v47;
	v10 =	vmul.f32 v10, v29  }
0x111: {  	v52 =	vld [tilespmem:s31+$0x4930];
	v19 =	vadd.f32 v42, v19;
	v31 =	vmul.f32 v31, v57;
	v34 =	vmul.f32 v34, v47  }
0x112: {  	v53 =	vimm.s32 $0xC;
	v55 =	vmul.f32 v24, v29;
	v56 =	vmul.f32 v33, v57;
	[tilespmem:s31+$0x6E0] =	vst v2;
	v2 =	vld [tilespmem:$0x1FFC0]  }
0x113: {  	[tilespmem:s31+$0x780] =	vst v43;
	v23 =	vld [tilespmem:s31+$0x940];
	v57 =	vperm.xlane v17, v53;
	v35 =	vadd.f32 v62, v35;
	v62 =	vmul.f32 v59, v29  }
0x114: {  	[tilespmem:s31+$0x790] =	vst v51;
	v42 =	vld [tilespmem:s31+$0x4950];
	v3 =	vadd.f32 v58, v3;
	v58 =	vperm.xlane v18, v53;
	v59 =	vmul.f32 v40, v47  }
0x115: {  	[tilespmem:s31+$0x7D0] =	vst v36;
	v33 =	vld [tilespmem:s31+$0x970];
	v40 =	vimm.s32 $0xD;
	v0 =	vmul.f32 v0, v57;
	v43 =	vmul.f32 v26, v57  }
0x116: {  	[tilespmem:s31+$0x7E0] =	vst v54;
	v24 =	vld [tilespmem:s31+$0x8980];
	v51 =	vmul.f32 v28, v57;
	v27 =	vadd.f32 v63, v62;
	v62 =	vperm.xlane v16, v53  }
0x117: {  	v22 =	vadd.f32 v22, v32;
	v21 =	vmul.f32 v21, v58;
	v20 =	vmul.f32 v20, v58;
	[tilespmem:s31+$0x6F0] =	vst v2;
	v2 =	vld [tilespmem:$0x1FFD0]  }
0x118: {  	[tilespmem:s31+$0x7F0] =	vst v38;
	v29 =	vld [tilespmem:s31+$0x8960];
	v63 =	vadd.f32 v56, v55;
	v53 =	vmul.f32 v60, v58;
	v55 =	vmul.f32 v44, v57  }
0x119: {  	[tilespmem:s31+$0x800] =	vst v1;
	v32 =	vld [tilespmem:s31+$0x960];
	v10 =	vadd.f32 v31, v10;
	v56 =	vmul.f32 v52, v58;
	v57 =	vperm.xlane v17, v40  }
0x11a: {  	[tilespmem:s31+$0x810] =	vst v8;
	v6 =	vadd.f32 v46, v6;
	v26 =	vld [tilespmem:s31+$0x980];
	v58 =	vperm.xlane v18, v40;
	v60 =	vperm.xlane v16, v40  }
0x11b: {  	[tilespmem:s31+$0x830] =	vst v4;
	v28 =	vld [tilespmem:s31+$0x8990];
	v10 =	vadd.f32 v34, v10;
	v12 =	vadd.f32 v12, v27;
	v13 =	vmul.f32 v13, v62  }
0x11c: {  	v1 =	vadd.f32 v59, v63;
	v54 =	vmul.f32 v61, v62;
	v59 =	vmul.f32 v48, v62;
	[tilespmem:s31+$0x700] =	vst v2;
	v2 =	vld [tilespmem:$0x1FFE0]  }
0x11d: {  	[tilespmem:s31+$0x820] =	vst v7;
	v31 =	vld [tilespmem:s31+$0x89A0];
	v0 =	vadd.f32 v21, v0;
	v61 =	vmul.f32 v23, v57;
	v63 =	vmul.f32 v41, v57  }
0x11e: {  	[tilespmem:s31+$0x840] =	vst v9;
	v46 =	vadd.f32 v20, v43;
	v27 =	vld [tilespmem:s31+$0x4990];
	v36 =	vmul.f32 v42, v58;
	v38 =	vmul.f32 v50, v60  }
0x11f: {  	[tilespmem:s31+$0x850] =	vst v14;
	v7 =	vadd.f32 v53, v51;
	v23 =	vld [tilespmem:s31+$0x49A0];
	v40 =	vmul.f32 v49, v60;
	v44 =	vmul.f32 v37, v58  }
0x120: {  	[tilespmem:s31+$0x870] =	vst v5;
	v8 =	vadd.f32 v56, v55;
	v41 =	vld [tilespmem:s31+$0x9B0];
	v9 =	vmul.f32 v33, v57;
	v49 =	vmul.f32 v39, v58  }
0x121: {  	v48 =	vld [tilespmem:s31+$0x89B0];
	v39 =	vimm.s32 $0xF;
	[tilespmem:s31+$0x710] =	vst v2;
	v2 =	vmul.f32 v15, v47;
	v47 =	vmul.f32 v25, v62  }
0x122: {  	[tilespmem:s31+$0x860] =	vst v11;
	v0 =	vadd.f32 v13, v0;
	v7 =	vadd.f32 v54, v7;
	v43 =	vmul.f32 v32, v57;
	v15 =	vld [tilespmem:s31+$0x4980]  }
0x123: {  	[tilespmem:s31+$0x880] =	vst v19;
	v25 =	vld [tilespmem:s31+$0x990];
	v62 =	vmul.f32 v45, v58;
	v4 =	vadd.f32 v47, v46;
	v46 =	vimm.s32 $0xE  }
0x124: {  	[tilespmem:s31+$0x890] =	vst v6;
	v51 =	vld [tilespmem:s31+$0x9C0];
	v2 =	vadd.f32 v2, v22;
	v47 =	vmul.f32 v29, v60;
	v50 =	vperm.xlane v17, v46  }
0x125: {  	[tilespmem:s31+$0x8A0] =	vst v35;
	v5 =	vadd.f32 v59, v8;
	v54 =	vld [tilespmem:s31+$0x49C0];
	v52 =	vperm.xlane v18, v46;
	v53 =	vperm.xlane v16, v46  }
0x126: {  	v45 =	vld [tilespmem:s31+$0x49B0];
	[tilespmem:s31+$0x8C0] =	vst v2;
	v2 =	vadd.f32 v44, v43;
	v44 =	vperm.xlane v17, v39;
	v56 =	vmul.f32 v26, v50  }
0x127: {  	[tilespmem:s31+$0x8B0] =	vst v3;
	v42 =	vadd.f32 v36, v63;
	v57 =	vld [tilespmem:s31+$0x89C0];
	v58 =	vmul.f32 v15, v52;
	v59 =	vmul.f32 v24, v53  }
0x128: {  	[tilespmem:s31+$0x8E0] =	vst v10;
	v22 =	vld [tilespmem:s31+$0x8970];
	v11 =	vadd.f32 v62, v61;
	v61 =	vmul.f32 v25, v50;
	v62 =	vmul.f32 v27, v52  }
0x129: {  	[tilespmem:s31+$0x8D0] =	vst v12;
	v63 =	vld [tilespmem:s31+$0x49D0];
	v3 =	vadd.f32 v40, v42;
	v28 =	vmul.f32 v28, v53;
	v35 =	vmul.f32 v30, v50  }
0x12a: {  	[tilespmem:s31+$0x8F0] =	vst v1;
	v36 =	vld [tilespmem:s31+$0x89D0];
	v11 =	vadd.f32 v38, v11;
	v38 =	vmul.f32 v23, v52;
	v40 =	vmul.f32 v41, v50  }
0x12b: {  	v6 =	vadd.f32 v49, v9;
	v49 =	vld [tilespmem:s31+$0x49F0];
	[tilespmem:s31+$0x900] =	vst v0;
	v42 =	vmul.f32 v31, v53;
	v8 =	vmul.f32 v45, v52  }
0x12c: {  	[tilespmem:s31+$0x920] =	vst v7;
	v46 =	vld [tilespmem:s31+$0x49E0];
	v45 =	vperm.xlane v18, v39;
	v2 =	vadd.f32 v47, v2;
	v47 =	vmul.f32 v48, v53  }
0x12d: {  	[tilespmem:s31+$0x930] =	vst v5;
	v48 =	vperm.xlane v16, v39;
	v55 =	vmul.f32 v22, v60;
	v60 =	vld [tilespmem:s31+$0x9D0]  }
0x12e: {  	[tilespmem:s31+$0x950] =	vst v3;
	v41 =	vld [tilespmem:s31+$0x9E0];
	v50 =	vmul.f32 v51, v44;
	v0 =	vadd.f32 v58, v56;
	v37 =	vadd.f32 v62, v61  }
0x12f: {  	[tilespmem:s31+$0x910] =	vst v4;
	v43 =	vld [tilespmem:s31+$0x9F0];
	v3 =	vadd.f32 v8, v40;
	v51 =	vmul.f32 v54, v45;
	v56 =	vmul.f32 v63, v45  }
0x130: {  	v52 =	vld [tilespmem:s31+$0x89E0];
	[tilespmem:s31+$0x940] =	vst v11;
	v57 =	vmul.f32 v57, v48;
	v1 =	vadd.f32 v55, v6;
	v6 =	vadd.f32 v38, v35  }
0x131: {  	[tilespmem:s31+$0x960] =	vst v2;
	v58 =	vmul.f32 v46, v45;
	v61 =	vmul.f32 v36, v48;
	v0 =	vadd.f32 v59, v0;
	v55 =	vld [tilespmem:s31+$0x89F0]  }
0x132: {  	v4 =	vadd.f32 v28, v37;
	v2 =	vadd.f32 v42, v6;
	[tilespmem:s31+$0x970] =	vst v1;
	v53 =	vmul.f32 v60, v44  }
0x133: {  	v54 =	vmul.f32 v41, v44;
	v1 =	vadd.f32 v47, v3;
	[tilespmem:s31+$0x980] =	vst v0;
	v0 =	vadd.f32 v51, v50  }
0x134: {  	v3 =	vmul.f32 v43, v44;
	[tilespmem:s31+$0x990] =	vst v4;
	v60 =	vmul.f32 v49, v45;
	v59 =	vadd.f32 v56, v53  }
0x135: {  	p0 =	sne.s32 s22, $0xF;
	v62 =	vmul.f32 v52, v48;
	[tilespmem:s31+$0x9A0] =	vst v2;
	v0 =	vadd.f32 v57, v0;
	v2 =	vadd.f32 v58, v54  }
.Ltmp0:
0x136: {  	[tilespmem:s31+$0x9B0] =	vst v1;
	v3 =	vadd.f32 v60, v3;
	v63 =	vmul.f32 v55, v48;
	v1 =	vadd.f32 v61, v59;
	(pc) =	sbr.rel @p0 .LBB2_3-.Ltmp0, $4  }
0x137: {  	[tilespmem:s31+$0x9C0] =	vst v0;
	v0 =	vadd.f32 v62, v2  }
0x138: {  	[tilespmem:s31+$0x9D0] =	vst v1;
	v1 =	vadd.f32 v63, v3  }
0x139: {  	[tilespmem:s31+$0x9E0] =	vst v0  }
0x13a: {  	s22 =	sadd.s32 $0x1, s22;
	v2 =	vimm.s32 $0x0;
	[tilespmem:s31+$0x9F0] =	vst v1  }
0x13b: {  	s20 =	sadd.s32 $0x1, s20  }
0x13c: {  	s21 =	sshll.u32 s21, $0x3;
	p0 =	sne.s32 s20, $0x4  }
.Ltmp1:
0x13d: {  	s21 =	sadd.s32 s6, s21;
	(pc) =	sbr.rel @p0 .LBB2_2-.Ltmp1, $4  }
0x13e: {  	[hbm4b:s21+s2] =	stream.linear.scatter [tilespmem:s15], [sflag:$0x2], $0x4000, $0x38;
	[tilespmem:$0xC600] =	vst v63  }
0x13f: {  	_ =	swait.ge [sflag:s9], $0x4000  }
0x140: {  	[sflag:s9] =	ssyncset.done $0x0  }
0x141: {  	[sflag:s9] =	ssyncadd.s32 $0xFFFFC000  }
0x142: {  	s19 =	sadd.s32 $0x1, s19  }
0x143: {  	p0 =	sne.s32 s19, s8  }
.Ltmp2:
0x144: {  	_ = 	snop;
	(pc) =	sbr.rel @p0 .LBB2_1-.Ltmp2, $1  }
0x145: {  	_ =	sdelay $0x3  }
0x146: {  	_ =	sfence.sel $0x180000  }
0x147: {  	[bflag:$0x0] =	sbarrier.arrive $0xFFFF  }
0x148: {  	p0 =	sne.s32 s3, $0x0;
	_ =	strace $0x90000047  }
0x149: {  	s0 =	sadd.s32 @!p0 $0x100000, s0;
	[bflag:$0x2] =	sbarrier.arrive $0xFFFF  }
0x14a: {  	[sflag:s0] =	ssyncadd.tile.s32 @!p0 $0x1;
	_ =	shalt  }
.Lfunc_end2:
_tile_overlayer_lowered:
.L_overlay_start_2:
0x14b: {  	(tag) =	ssettag $0x2  }
0x14c: {  	s0 =	rddreg [dreg:$0x0];
	s2 =	stileid.u32  }
0x14d: {  	s1 =	rddreg [dreg:$0x1];
	p0 =	sne.s32 s2, $0x0  }
0x14e: {  	s3 =	rddreg [dreg:$0x2];
	[bflag:$0x3] =	sbarrier.arrive $0xFFFF;
	s2 =	simm.s32 @!p0 $0x1C02  }
0x14f: {  	[timem:s3], [sflag:s2] =	dma.local @!p0 [hbm:s0], s1  }
0x150: {  	s0 =	simm.s32 @!p0 $0x2  }
0x151: {  	_ =	swait.ge @!p0 [sflag:s0], s1  }
0x152: {  	s1 =	ssub.s32 @!p0 $0x0, s1;
	[sflag:s0] =	ssyncset.done @!p0 $0x0  }
0x153: {  	[sflag:s0] =	ssyncadd.s32 @!p0 s1  }
0x154: {  	[bflag:$0x3] =	sbarrier.arrive $0xFFFF  }
0x155: {  	_ =	shalt  }

</sc_bundles>
